<compile_context>
chip_gen: v7x
topology: tpu7x:2x2x1
jax: 0.10.2.dev20260603
libtpu: 0.0.44.dev20260713+nightly
codegen_flags: <defaults>
</compile_context>

<pallas_src>
import functools

import jax
import jax.numpy as jnp
from jax import lax
from jax.experimental import pallas as pl
from jax.experimental.pallas import tpu as pltpu
from jax.experimental.pallas import tpu_sc as plsc

_NC = 2
_NS = 16
_NW = _NC * _NS
_LANES = 16
_CHUNK = 80
_PCHUNK = 80
_ZBLK = 80
_ROWBLK = 1000


def _sc_mesh():
    return plsc.VectorSubcoreMesh(core_axis_name="c", subcore_axis_name="s")


def _sc_degree(dst3d, n):
    rpt = dst3d.shape[1]
    nzb = n // _ZBLK
    kblocks = (nzb + _NS - 1) // _NS

    @functools.partial(
        pl.kernel,
        out_type=jax.ShapeDtypeStruct((_NC, n, _LANES), jnp.float32),
        mesh=_sc_mesh(),
        scratch_types=[
            pltpu.VMEM((rpt, _CHUNK), jnp.int32),
            pltpu.VMEM((_CHUNK, _LANES), jnp.float32),
            pltpu.VMEM((_CHUNK, _LANES), jnp.float32),
            pltpu.VMEM_SHARED((n, _LANES), jnp.float32),
        ],
    )
    def deg_kernel(dst_hbm, out_hbm, idx_v, ones_v, zero_v, acc_sh):
        cid = lax.axis_index("c")
        sid = lax.axis_index("s")
        wid = cid * _NS + sid

        @pl.loop(0, _CHUNK)
        def _(i):
            ones_v[i, :] = jnp.full((_LANES,), 1.0, jnp.float32)
            zero_v[i, :] = jnp.zeros((_LANES,), jnp.float32)

        for k in range(kblocks):
            b = sid + _NS * k

            @pl.when(b < nzb)
            def _():
                pltpu.sync_copy(
                    zero_v.at[pl.ds(0, _ZBLK)],
                    acc_sh.at[pl.ds(b * _ZBLK, _ZBLK)],
                )

        plsc.subcore_barrier()

        pltpu.sync_copy(dst_hbm.at[wid], idx_v)

        @pl.loop(0, rpt)
        def _(j):
            pltpu.sync_copy(ones_v, acc_sh.at[idx_v.at[j]], add=True)

        plsc.subcore_barrier()

        for k in range(kblocks):
            b = sid + _NS * k

            @pl.when(b < nzb)
            def _():
                pltpu.sync_copy(
                    acc_sh.at[pl.ds(b * _ZBLK, _ZBLK)],
                    out_hbm.at[cid].at[pl.ds(b * _ZBLK, _ZBLK)],
                )

    return deg_kernel(dst3d)


def _sc_propagate(y, src3d, dst3d):
    n, d = y.shape
    rpt = src3d.shape[1]
    nzb = n // _ZBLK
    kblocks = (nzb + _NS - 1) // _NS

    @functools.partial(
        pl.kernel,
        out_type=jax.ShapeDtypeStruct((_NC, n, d), jnp.float32),
        mesh=_sc_mesh(),
        scratch_types=[
            pltpu.VMEM((rpt, _CHUNK), jnp.int32),
            pltpu.VMEM((rpt, _CHUNK), jnp.int32),
            pltpu.VMEM((_CHUNK, d), jnp.float32),
            pltpu.VMEM_SHARED((n, d), jnp.float32),
        ],
    )
    def prop_kernel(y_hbm, src_hbm, dst_hbm, out_hbm, src_v, dst_v, rows_v, acc_sh):
        cid = lax.axis_index("c")
        sid = lax.axis_index("s")
        wid = cid * _NS + sid

        @pl.loop(0, _CHUNK)
        def _(i):
            for j in range(d // _LANES):
                rows_v[i, pl.ds(j * _LANES, _LANES)] = jnp.zeros(
                    (_LANES,), jnp.float32
                )

        for k in range(kblocks):
            b = sid + _NS * k

            @pl.when(b < nzb)
            def _():
                pltpu.sync_copy(
                    rows_v.at[pl.ds(0, _ZBLK)],
                    acc_sh.at[pl.ds(b * _ZBLK, _ZBLK)],
                )

        plsc.subcore_barrier()

        pltpu.sync_copy(src_hbm.at[wid], src_v)
        pltpu.sync_copy(dst_hbm.at[wid], dst_v)

        @pl.loop(0, rpt)
        def _(j):
            pltpu.sync_copy(y_hbm.at[src_v.at[j]], rows_v)
            pltpu.sync_copy(rows_v, acc_sh.at[dst_v.at[j]], add=True)

        plsc.subcore_barrier()

        for k in range(kblocks):
            b = sid + _NS * k

            @pl.when(b < nzb)
            def _():
                pltpu.sync_copy(
                    acc_sh.at[pl.ds(b * _ZBLK, _ZBLK)],
                    out_hbm.at[cid].at[pl.ds(b * _ZBLK, _ZBLK)],
                )

    return prop_kernel(y, src3d, dst3d)


def _dis_block(degp):
    deg = degp[0, :, 0:1] + degp[1, :, 0:1] + 1.0
    return lax.rsqrt(deg)


def _tc_y1(x, w1, degp):
    n, d = x.shape
    dn = w1.shape[1]

    def body(x_ref, w_ref, dp_ref, o_ref):
        dis = _dis_block(dp_ref[...])
        o_ref[...] = (
            jnp.dot(x_ref[...], w_ref[...], preferred_element_type=jnp.float32)
            * dis
        )

    return pl.pallas_call(
        body,
        grid=(n // _ROWBLK,),
        in_specs=[
            pl.BlockSpec((_ROWBLK, d), lambda i: (i, 0)),
            pl.BlockSpec((d, dn), lambda i: (0, 0)),
            pl.BlockSpec((2, _ROWBLK, _LANES), lambda i: (0, i, 0)),
        ],
        out_specs=pl.BlockSpec((_ROWBLK, dn), lambda i: (i, 0)),
        out_shape=jax.ShapeDtypeStruct((n, dn), jnp.float32),
    )(x, w1, degp)


def _tc_mid(parts, y, degp, b_row, w_next):
    n, d = y.shape
    dn = w_next.shape[1]

    def body(p_ref, y_ref, dp_ref, b_ref, w_ref, o_ref):
        dis = _dis_block(dp_ref[...])
        p = p_ref[...]
        raw = p[0] + p[1] + y_ref[...]
        hidden = jnp.maximum(dis * raw + b_ref[...], 0.0)
        o_ref[...] = (
            jnp.dot(hidden, w_ref[...], preferred_element_type=jnp.float32)
            * dis
        )

    return pl.pallas_call(
        body,
        grid=(n // _ROWBLK,),
        in_specs=[
            pl.BlockSpec((2, _ROWBLK, d), lambda i: (0, i, 0)),
            pl.BlockSpec((_ROWBLK, d), lambda i: (i, 0)),
            pl.BlockSpec((2, _ROWBLK, _LANES), lambda i: (0, i, 0)),
            pl.BlockSpec((1, d), lambda i: (0, 0)),
            pl.BlockSpec((d, dn), lambda i: (0, 0)),
        ],
        out_specs=pl.BlockSpec((_ROWBLK, dn), lambda i: (i, 0)),
        out_shape=jax.ShapeDtypeStruct((n, dn), jnp.float32),
    )(parts, y, degp, b_row, w_next)


def _tc_fin(parts, y, degp, b_row, wc, bc_row):
    n, d = y.shape
    dn = wc.shape[1]

    def body(p_ref, y_ref, dp_ref, b_ref, w_ref, bc_ref, o_ref):
        dis = _dis_block(dp_ref[...])
        p = p_ref[...]
        raw = p[0] + p[1] + y_ref[...]
        hidden = jnp.maximum(dis * raw + b_ref[...], 0.0)
        o_ref[...] = (
            jnp.dot(hidden, w_ref[...], preferred_element_type=jnp.float32)
            + bc_ref[...]
        )

    return pl.pallas_call(
        body,
        grid=(n // _ROWBLK,),
        in_specs=[
            pl.BlockSpec((2, _ROWBLK, d), lambda i: (0, i, 0)),
            pl.BlockSpec((_ROWBLK, d), lambda i: (i, 0)),
            pl.BlockSpec((2, _ROWBLK, _LANES), lambda i: (0, i, 0)),
            pl.BlockSpec((1, d), lambda i: (0, 0)),
            pl.BlockSpec((d, dn), lambda i: (0, 0)),
            pl.BlockSpec((1, dn), lambda i: (0, 0)),
        ],
        out_specs=pl.BlockSpec((_ROWBLK, dn), lambda i: (i, 0)),
        out_shape=jax.ShapeDtypeStruct((n, dn), jnp.float32),
    )(parts, y, degp, b_row, wc, bc_row)


def kernel(x, edge_index, W1, b1, W2, b2, Wc, bc):
    n, _ = x.shape
    src = edge_index[0].astype(jnp.int32)
    dst = edge_index[1].astype(jnp.int32)
    dst3d = dst.reshape(_NW, -1, _CHUNK)
    src3d = src.reshape(_NW, -1, _CHUNK)

    degp = _sc_degree(dst3d, n)
    y1 = _tc_y1(x, W1, degp)
    p1 = _sc_propagate(y1, src3d, dst3d)
    y2 = _tc_mid(p1, y1, degp, b1.reshape(1, -1), W2)
    p2 = _sc_propagate(y2, src3d, dst3d)
    return _tc_fin(p2, y2, degp, b2.reshape(1, -1), Wc, bc.reshape(1, -1))

# --- scband reference (transcript-rebuilt; emitter-appended) ---
"""Pipeline reference for scband-gcn-74345883894179 (READ-ONLY COPY).

The authoritative reference and input builder live on the scoring server;
editing this copy changes nothing except your own understanding.
"""

import jax, jax.numpy as jnp
import numpy as np

N = 10000
E = 320000
NFEAT = 128
NHID = 128
NCLS = 64


def setup_inputs(seed: int = 0) -> dict:
    key = jax.random.key(seed)
    ks = jax.random.split(key, 8)
    x = jax.random.normal(ks[0], (N, NFEAT), dtype=jnp.float32)
    edge_index = jax.random.randint(ks[1], (2, E), 0, N)
    W1 = jax.random.normal(ks[2], (NFEAT, NHID), dtype=jnp.float32) * (1.0 / np.sqrt(NFEAT))
    b1 = jnp.zeros((NHID,), dtype=jnp.float32)
    W2 = jax.random.normal(ks[3], (NHID, NHID), dtype=jnp.float32) * (1.0 / np.sqrt(NHID))
    b2 = jnp.zeros((NHID,), dtype=jnp.float32)
    Wc = jax.random.normal(ks[4], (NHID, NCLS), dtype=jnp.float32) * (1.0 / np.sqrt(NHID))
    bc = jnp.zeros((NCLS,), dtype=jnp.float32)
    return {"x": x, "edge_index": edge_index, "W1": W1, "b1": b1, "W2": W2, "b2": b2, "Wc": Wc, "bc": bc}


def _gcn_conv(x, src, dst, W, b):
    # GCNConv: x' = D^{-1/2} (A + I) D^{-1/2} X W + b  (self-loops added by caller)
    xw = x @ W
    deg = jax.ops.segment_sum(jnp.ones(src.shape[0], dtype=x.dtype), dst, num_segments=N)
    deg_inv_sqrt = jnp.where(deg > 0, 1.0 / jnp.sqrt(deg), 0.0)
    norm = deg_inv_sqrt[src] * deg_inv_sqrt[dst]
    msg = norm[:, None] * xw[src]
    out = jax.ops.segment_sum(msg, dst, num_segments=N)
    return out + b


def reference(x, edge_index, W1, b1, W2, b2, Wc, bc):
    loops = jnp.arange(N, dtype=edge_index.dtype)
    src = jnp.concatenate([edge_index[0], loops])
    dst = jnp.concatenate([edge_index[1], loops])
    h = jax.nn.relu(_gcn_conv(x, src, dst, W1, b1))
    h = jax.nn.relu(_gcn_conv(h, src, dst, W2, b2))
    # dropping_method='DropEdge' with drop_rate=0 -> no-op; Dropout branch inactive
    return h @ Wc + bc

if __name__ == "__main__":
    import jax
    _d = setup_inputs()
    print(jax.jit(kernel)(*tuple(_d.values())))

</pallas_src>

<mosaic_0001>
#map = affine_map<(d0, d1) -> (0, 0)>
#map1 = affine_map<(d0, d1) -> (0, 0, 0)>
module attributes {stable_mosaic.version = 14 : i64} {
  func.func @prop_kernel(%arg0: i32, %arg1: i32, %arg2: memref<10000x128xf32, #tpu.memory_space<hbm>>, %arg3: memref<32x125x80xi32, #tpu.memory_space<hbm>>, %arg4: memref<32x125x80xi32, #tpu.memory_space<hbm>>, %arg5: memref<2x10000x128xf32, #tpu.memory_space<hbm>>, %arg6: memref<125x80xi32, #tpu.memory_space<vmem>>, %arg7: memref<125x80xi32, #tpu.memory_space<vmem>>, %arg8: memref<80x128xf32, #tpu.memory_space<vmem>>, %arg9: memref<10000x128xf32, #tpu.memory_space<vmem_shared>>) attributes {dimension_semantics = [#tpu.dimension_semantics<core_parallel>, #tpu.dimension_semantics<subcore_parallel>], iteration_bounds = array<i64: 2, 16>, scalar_prefetch = 0 : i64, scratch_operands = 4 : i64, tpu.core_type = #tpu.core_type<sc_vector_subcore>, window_params = [{transform_indices = #map}, {transform_indices = #map1}, {transform_indices = #map1}, {transform_indices = #map1}]} {
    %mul3A = arith.constant 16 : i32
    %mul3A_0 = arith.muli %arg0, %mul3A : i32
    %add3A = arith.addi %mul3A_0, %arg1 : i32
    %scan3A = arith.constant 0 : i32
    %scan3A_1 = arith.constant 80 : i32
    %scan3A_2 = arith.addi %scan3A, %scan3A_1 : i32
    %scan3A_3 = arith.constant 1 : i32
    scf.for %scan3A_120 = %scan3A to %scan3A_2 step %scan3A_3  : i32 {
      %mul3A_121 = arith.constant 1 : i32
      %mul3A_122 = arith.muli %scan3A_120, %mul3A_121 : i32
      %add3A_123 = arith.constant 0 : i32
      %add3A_124 = arith.addi %add3A_123, %mul3A_122 : i32
      %broadcast_in_dim3A = arith.constant 0.000000e+00 : f32
      %broadcast_in_dim3A_125 = vector.broadcast %broadcast_in_dim3A : f32 to vector<16xf32>
      %swap3A = arith.index_cast %add3A_124 : i32 to index
      %swap3A_126 = arith.constant 0 : index
      %swap3A_127 = tpu.vector_load %arg8[%swap3A, %swap3A_126] {strides = array<i32>} : memref<80x128xf32, #tpu.memory_space<vmem>>, vector<1x16xf32>,
      %swap3A_128 = vector.shape_cast %swap3A_127 : vector<1x16xf32> to vector<16xf32>
      %swap3A_129 = vector.shape_cast %broadcast_in_dim3A_125 : vector<16xf32> to vector<1x16xf32>
      tpu.vector_store %arg8[%swap3A, %swap3A_126], %swap3A_129 {strides = array<i32>} : memref<80x128xf32, #tpu.memory_space<vmem>>, vector<1x16xf32>,
      %broadcast_in_dim3A_130 = arith.constant 0.000000e+00 : f32
      %broadcast_in_dim3A_131 = vector.broadcast %broadcast_in_dim3A_130 : f32 to vector<16xf32>
      %swap3A_132 = arith.index_cast %add3A_124 : i32 to index
      %swap3A_133 = arith.constant 16 : index
      %swap3A_134 = tpu.vector_load %arg8[%swap3A_132, %swap3A_133] {strides = array<i32>} : memref<80x128xf32, #tpu.memory_space<vmem>>, vector<1x16xf32>,
      %swap3A_135 = vector.shape_cast %swap3A_134 : vector<1x16xf32> to vector<16xf32>
      %swap3A_136 = vector.shape_cast %broadcast_in_dim3A_131 : vector<16xf32> to vector<1x16xf32>
      tpu.vector_store %arg8[%swap3A_132, %swap3A_133], %swap3A_136 {strides = array<i32>} : memref<80x128xf32, #tpu.memory_space<vmem>>, vector<1x16xf32>,
      %broadcast_in_dim3A_137 = arith.constant 0.000000e+00 : f32
      %broadcast_in_dim3A_138 = vector.broadcast %broadcast_in_dim3A_137 : f32 to vector<16xf32>
      %swap3A_139 = arith.index_cast %add3A_124 : i32 to index
      %swap3A_140 = arith.constant 32 : index
      %swap3A_141 = tpu.vector_load %arg8[%swap3A_139, %swap3A_140] {strides = array<i32>} : memref<80x128xf32, #tpu.memory_space<vmem>>, vector<1x16xf32>,
      %swap3A_142 = vector.shape_cast %swap3A_141 : vector<1x16xf32> to vector<16xf32>
      %swap3A_143 = vector.shape_cast %broadcast_in_dim3A_138 : vector<16xf32> to vector<1x16xf32>
      tpu.vector_store %arg8[%swap3A_139, %swap3A_140], %swap3A_143 {strides = array<i32>} : memref<80x128xf32, #tpu.memory_space<vmem>>, vector<1x16xf32>,
      %broadcast_in_dim3A_144 = arith.constant 0.000000e+00 : f32
      %broadcast_in_dim3A_145 = vector.broadcast %broadcast_in_dim3A_144 : f32 to vector<16xf32>
      %swap3A_146 = arith.index_cast %add3A_124 : i32 to index
      %swap3A_147 = arith.constant 48 : index
      %swap3A_148 = tpu.vector_load %arg8[%swap3A_146, %swap3A_147] {strides = array<i32>} : memref<80x128xf32, #tpu.memory_space<vmem>>, vector<1x16xf32>,
      %swap3A_149 = vector.shape_cast %swap3A_148 : vector<1x16xf32> to vector<16xf32>
      %swap3A_150 = vector.shape_cast %broadcast_in_dim3A_145 : vector<16xf32> to vector<1x16xf32>
      tpu.vector_store %arg8[%swap3A_146, %swap3A_147], %swap3A_150 {strides = array<i32>} : memref<80x128xf32, #tpu.memory_space<vmem>>, vector<1x16xf32>,
      %broadcast_in_dim3A_151 = arith.constant 0.000000e+00 : f32
      %broadcast_in_dim3A_152 = vector.broadcast %broadcast_in_dim3A_151 : f32 to vector<16xf32>
      %swap3A_153 = arith.index_cast %add3A_124 : i32 to index
      %swap3A_154 = arith.constant 64 : index
      %swap3A_155 = tpu.vector_load %arg8[%swap3A_153, %swap3A_154] {strides = array<i32>} : memref<80x128xf32, #tpu.memory_space<vmem>>, vector<1x16xf32>,
      %swap3A_156 = vector.shape_cast %swap3A_155 : vector<1x16xf32> to vector<16xf32>
      %swap3A_157 = vector.shape_cast %broadcast_in_dim3A_152 : vector<16xf32> to vector<1x16xf32>
      tpu.vector_store %arg8[%swap3A_153, %swap3A_154], %swap3A_157 {strides = array<i32>} : memref<80x128xf32, #tpu.memory_space<vmem>>, vector<1x16xf32>,
      %broadcast_in_dim3A_158 = arith.constant 0.000000e+00 : f32
      %broadcast_in_dim3A_159 = vector.broadcast %broadcast_in_dim3A_158 : f32 to vector<16xf32>
      %swap3A_160 = arith.index_cast %add3A_124 : i32 to index
      %swap3A_161 = arith.constant 80 : index
      %swap3A_162 = tpu.vector_load %arg8[%swap3A_160, %swap3A_161] {strides = array<i32>} : memref<80x128xf32, #tpu.memory_space<vmem>>, vector<1x16xf32>,
      %swap3A_163 = vector.shape_cast %swap3A_162 : vector<1x16xf32> to vector<16xf32>
      %swap3A_164 = vector.shape_cast %broadcast_in_dim3A_159 : vector<16xf32> to vector<1x16xf32>
      tpu.vector_store %arg8[%swap3A_160, %swap3A_161], %swap3A_164 {strides = array<i32>} : memref<80x128xf32, #tpu.memory_space<vmem>>, vector<1x16xf32>,
      %broadcast_in_dim3A_165 = arith.constant 0.000000e+00 : f32
      %broadcast_in_dim3A_166 = vector.broadcast %broadcast_in_dim3A_165 : f32 to vector<16xf32>
      %swap3A_167 = arith.index_cast %add3A_124 : i32 to index
      %swap3A_168 = arith.constant 96 : index
      %swap3A_169 = tpu.vector_load %arg8[%swap3A_167, %swap3A_168] {strides = array<i32>} : memref<80x128xf32, #tpu.memory_space<vmem>>, vector<1x16xf32>,
      %swap3A_170 = vector.shape_cast %swap3A_169 : vector<1x16xf32> to vector<16xf32>
      %swap3A_171 = vector.shape_cast %broadcast_in_dim3A_166 : vector<16xf32> to vector<1x16xf32>
      tpu.vector_store %arg8[%swap3A_167, %swap3A_168], %swap3A_171 {strides = array<i32>} : memref<80x128xf32, #tpu.memory_space<vmem>>, vector<1x16xf32>,
      %broadcast_in_dim3A_172 = arith.constant 0.000000e+00 : f32
      %broadcast_in_dim3A_173 = vector.broadcast %broadcast_in_dim3A_172 : f32 to vector<16xf32>
      %swap3A_174 = arith.index_cast %add3A_124 : i32 to index
      %swap3A_175 = arith.constant 112 : index
      %swap3A_176 = tpu.vector_load %arg8[%swap3A_174, %swap3A_175] {strides = array<i32>} : memref<80x128xf32, #tpu.memory_space<vmem>>, vector<1x16xf32>,
      %swap3A_177 = vector.shape_cast %swap3A_176 : vector<1x16xf32> to vector<16xf32>
      %swap3A_178 = vector.shape_cast %broadcast_in_dim3A_173 : vector<16xf32> to vector<1x16xf32>
      tpu.vector_store %arg8[%swap3A_174, %swap3A_175], %swap3A_178 {strides = array<i32>} : memref<80x128xf32, #tpu.memory_space<vmem>>, vector<1x16xf32>,
    }
    %scan3A_4 = arith.constant 80 : i32
    %add3A_5 = arith.constant 0 : i32
    %add3A_6 = arith.addi %arg1, %add3A_5 : i32
    %lt3A = arith.constant 125 : i32
    %lt3A_7 = arith.cmpi slt, %add3A_6, %lt3A : i32
    %convert_element_type3A = arith.extui %lt3A_7 : i1 to i32
    %cond3A = arith.constant 0 : i32
    %cond3A_8 = arith.cmpi ne, %convert_element_type3A, %cond3A : i32
    scf.if %cond3A_8 {
      %mul3A_120 = arith.constant 80 : i32
      %mul3A_121 = arith.muli %add3A_6, %mul3A_120 : i32
      "tpu.region"() ({
        %run_scoped3A = tpu.sem_alloc : memref<!tpu.dma_semaphore, #tpu.memory_space<semaphore_mem>>
        %dma_start3A = arith.constant 0 : i32
        %dma_start3A_122 = arith.constant 0 : i32
        %dma_start3A_123 = tpu.memref_slice %arg8[%dma_start3A, %dma_start3A_122] : memref<80x128xf32, #tpu.memory_space<vmem>> -> memref<80x128xf32, #tpu.memory_space<vmem>>
        %dma_start3A_124 = arith.constant 0 : i32
        %dma_start3A_125 = tpu.memref_slice %arg9[%mul3A_121, %dma_start3A_124] : memref<10000x128xf32, #tpu.memory_space<vmem_shared>> -> memref<80x128xf32, #tpu.memory_space<vmem_shared>>
        %dma_start3A_126 = arith.constant 0 : i32
        %dma_start3A_127 = tpu.memref_slice %arg9[%mul3A_121, %dma_start3A_126] : memref<10000x128xf32, #tpu.memory_space<vmem_shared>> -> memref<80x128xf32, #tpu.memory_space<vmem_shared>>
        %dma_start3A_128 = arith.constant 0 : i32
        %dma_start3A_129 = arith.constant 0 : i32
        %dma_start3A_130 = tpu.memref_slice %arg8[%dma_start3A_128, %dma_start3A_129] : memref<80x128xf32, #tpu.memory_space<vmem>> -> memref<80x128xf32, #tpu.memory_space<vmem>>
        tpu.enqueue_dma source(%dma_start3A_130 : memref<80x128xf32, #tpu.memory_space<vmem>>) target(%dma_start3A_127 : memref<80x128xf32, #tpu.memory_space<vmem_shared>>) target_semaphore(%run_scoped3A : memref<!tpu.dma_semaphore, #tpu.memory_space<semaphore_mem>>)
        %dma_wait3A = arith.constant 0 : i32
        %dma_wait3A_131 = arith.constant 0 : i32
        %dma_wait3A_132 = tpu.memref_slice %arg8[%dma_wait3A, %dma_wait3A_131] : memref<80x128xf32, #tpu.memory_space<vmem>> -> memref<80x128xf32, #tpu.memory_space<vmem>>
        %dma_wait3A_133 = arith.constant 0 : i32
        %dma_wait3A_134 = tpu.memref_slice %arg9[%mul3A_121, %dma_wait3A_133] : memref<10000x128xf32, #tpu.memory_space<vmem_shared>> -> memref<80x128xf32, #tpu.memory_space<vmem_shared>>
        %dma_wait3A_135 = arith.constant 0 : i32
        %dma_wait3A_136 = tpu.memref_slice %arg9[%mul3A_121, %dma_wait3A_135] : memref<10000x128xf32, #tpu.memory_space<vmem_shared>> -> memref<80x128xf32, #tpu.memory_space<vmem_shared>>
        %dma_wait3A_137 = arith.constant 0 : i32
        %dma_wait3A_138 = arith.constant 0 : i32
        %dma_wait3A_139 = tpu.memref_slice %arg8[%dma_wait3A_137, %dma_wait3A_138] : memref<80x128xf32, #tpu.memory_space<vmem>> -> memref<80x128xf32, #tpu.memory_space<vmem>>
        tpu.wait_dma2 semaphore(%run_scoped3A : memref<!tpu.dma_semaphore, #tpu.memory_space<semaphore_mem>>) src(%dma_wait3A_139 : memref<80x128xf32, #tpu.memory_space<vmem>>) dst(%dma_wait3A_136 : memref<80x128xf32, #tpu.memory_space<vmem_shared>>)
        tpu.yield
      }) : () -> ()
    } else {
    }
    %add3A_9 = arith.constant 16 : i32
    %add3A_10 = arith.addi %arg1, %add3A_9 : i32
    %lt3A_11 = arith.constant 125 : i32
    %lt3A_12 = arith.cmpi slt, %add3A_10, %lt3A_11 : i32
    %convert_element_type3A_13 = arith.extui %lt3A_12 : i1 to i32
    %cond3A_14 = arith.constant 0 : i32
    %cond3A_15 = arith.cmpi ne, %convert_element_type3A_13, %cond3A_14 : i32
    scf.if %cond3A_15 {
      %mul3A_120 = arith.constant 80 : i32
      %mul3A_121 = arith.muli %add3A_10, %mul3A_120 : i32
      "tpu.region"() ({
        %run_scoped3A = tpu.sem_alloc : memref<!tpu.dma_semaphore, #tpu.memory_space<semaphore_mem>>
        %dma_start3A = arith.constant 0 : i32
        %dma_start3A_122 = arith.constant 0 : i32
        %dma_start3A_123 = tpu.memref_slice %arg8[%dma_start3A, %dma_start3A_122] : memref<80x128xf32, #tpu.memory_space<vmem>> -> memref<80x128xf32, #tpu.memory_space<vmem>>
        %dma_start3A_124 = arith.constant 0 : i32
        %dma_start3A_125 = tpu.memref_slice %arg9[%mul3A_121, %dma_start3A_124] : memref<10000x128xf32, #tpu.memory_space<vmem_shared>> -> memref<80x128xf32, #tpu.memory_space<vmem_shared>>
        %dma_start3A_126 = arith.constant 0 : i32
        %dma_start3A_127 = tpu.memref_slice %arg9[%mul3A_121, %dma_start3A_126] : memref<10000x128xf32, #tpu.memory_space<vmem_shared>> -> memref<80x128xf32, #tpu.memory_space<vmem_shared>>
        %dma_start3A_128 = arith.constant 0 : i32
        %dma_start3A_129 = arith.constant 0 : i32
        %dma_start3A_130 = tpu.memref_slice %arg8[%dma_start3A_128, %dma_start3A_129] : memref<80x128xf32, #tpu.memory_space<vmem>> -> memref<80x128xf32, #tpu.memory_space<vmem>>
        tpu.enqueue_dma source(%dma_start3A_130 : memref<80x128xf32, #tpu.memory_space<vmem>>) target(%dma_start3A_127 : memref<80x128xf32, #tpu.memory_space<vmem_shared>>) target_semaphore(%run_scoped3A : memref<!tpu.dma_semaphore, #tpu.memory_space<semaphore_mem>>)
        %dma_wait3A = arith.constant 0 : i32
        %dma_wait3A_131 = arith.constant 0 : i32
        %dma_wait3A_132 = tpu.memref_slice %arg8[%dma_wait3A, %dma_wait3A_131] : memref<80x128xf32, #tpu.memory_space<vmem>> -> memref<80x128xf32, #tpu.memory_space<vmem>>
        %dma_wait3A_133 = arith.constant 0 : i32
        %dma_wait3A_134 = tpu.memref_slice %arg9[%mul3A_121, %dma_wait3A_133] : memref<10000x128xf32, #tpu.memory_space<vmem_shared>> -> memref<80x128xf32, #tpu.memory_space<vmem_shared>>
        %dma_wait3A_135 = arith.constant 0 : i32
        %dma_wait3A_136 = tpu.memref_slice %arg9[%mul3A_121, %dma_wait3A_135] : memref<10000x128xf32, #tpu.memory_space<vmem_shared>> -> memref<80x128xf32, #tpu.memory_space<vmem_shared>>
        %dma_wait3A_137 = arith.constant 0 : i32
        %dma_wait3A_138 = arith.constant 0 : i32
        %dma_wait3A_139 = tpu.memref_slice %arg8[%dma_wait3A_137, %dma_wait3A_138] : memref<80x128xf32, #tpu.memory_space<vmem>> -> memref<80x128xf32, #tpu.memory_space<vmem>>
        tpu.wait_dma2 semaphore(%run_scoped3A : memref<!tpu.dma_semaphore, #tpu.memory_space<semaphore_mem>>) src(%dma_wait3A_139 : memref<80x128xf32, #tpu.memory_space<vmem>>) dst(%dma_wait3A_136 : memref<80x128xf32, #tpu.memory_space<vmem_shared>>)
        tpu.yield
      }) : () -> ()
    } else {
    }
    %add3A_16 = arith.constant 32 : i32
    %add3A_17 = arith.addi %arg1, %add3A_16 : i32
    %lt3A_18 = arith.constant 125 : i32
    %lt3A_19 = arith.cmpi slt, %add3A_17, %lt3A_18 : i32
    %convert_element_type3A_20 = arith.extui %lt3A_19 : i1 to i32
    %cond3A_21 = arith.constant 0 : i32
    %cond3A_22 = arith.cmpi ne, %convert_element_type3A_20, %cond3A_21 : i32
    scf.if %cond3A_22 {
      %mul3A_120 = arith.constant 80 : i32
      %mul3A_121 = arith.muli %add3A_17, %mul3A_120 : i32
      "tpu.region"() ({
        %run_scoped3A = tpu.sem_alloc : memref<!tpu.dma_semaphore, #tpu.memory_space<semaphore_mem>>
        %dma_start3A = arith.constant 0 : i32
        %dma_start3A_122 = arith.constant 0 : i32
        %dma_start3A_123 = tpu.memref_slice %arg8[%dma_start3A, %dma_start3A_122] : memref<80x128xf32, #tpu.memory_space<vmem>> -> memref<80x128xf32, #tpu.memory_space<vmem>>
        %dma_start3A_124 = arith.constant 0 : i32
        %dma_start3A_125 = tpu.memref_slice %arg9[%mul3A_121, %dma_start3A_124] : memref<10000x128xf32, #tpu.memory_space<vmem_shared>> -> memref<80x128xf32, #tpu.memory_space<vmem_shared>>
        %dma_start3A_126 = arith.constant 0 : i32
        %dma_start3A_127 = tpu.memref_slice %arg9[%mul3A_121, %dma_start3A_126] : memref<10000x128xf32, #tpu.memory_space<vmem_shared>> -> memref<80x128xf32, #tpu.memory_space<vmem_shared>>
        %dma_start3A_128 = arith.constant 0 : i32
        %dma_start3A_129 = arith.constant 0 : i32
        %dma_start3A_130 = tpu.memref_slice %arg8[%dma_start3A_128, %dma_start3A_129] : memref<80x128xf32, #tpu.memory_space<vmem>> -> memref<80x128xf32, #tpu.memory_space<vmem>>
        tpu.enqueue_dma source(%dma_start3A_130 : memref<80x128xf32, #tpu.memory_space<vmem>>) target(%dma_start3A_127 : memref<80x128xf32, #tpu.memory_space<vmem_shared>>) target_semaphore(%run_scoped3A : memref<!tpu.dma_semaphore, #tpu.memory_space<semaphore_mem>>)
        %dma_wait3A = arith.constant 0 : i32
        %dma_wait3A_131 = arith.constant 0 : i32
        %dma_wait3A_132 = tpu.memref_slice %arg8[%dma_wait3A, %dma_wait3A_131] : memref<80x128xf32, #tpu.memory_space<vmem>> -> memref<80x128xf32, #tpu.memory_space<vmem>>
        %dma_wait3A_133 = arith.constant 0 : i32
        %dma_wait3A_134 = tpu.memref_slice %arg9[%mul3A_121, %dma_wait3A_133] : memref<10000x128xf32, #tpu.memory_space<vmem_shared>> -> memref<80x128xf32, #tpu.memory_space<vmem_shared>>
        %dma_wait3A_135 = arith.constant 0 : i32
        %dma_wait3A_136 = tpu.memref_slice %arg9[%mul3A_121, %dma_wait3A_135] : memref<10000x128xf32, #tpu.memory_space<vmem_shared>> -> memref<80x128xf32, #tpu.memory_space<vmem_shared>>
        %dma_wait3A_137 = arith.constant 0 : i32
        %dma_wait3A_138 = arith.constant 0 : i32
        %dma_wait3A_139 = tpu.memref_slice %arg8[%dma_wait3A_137, %dma_wait3A_138] : memref<80x128xf32, #tpu.memory_space<vmem>> -> memref<80x128xf32, #tpu.memory_space<vmem>>
        tpu.wait_dma2 semaphore(%run_scoped3A : memref<!tpu.dma_semaphore, #tpu.memory_space<semaphore_mem>>) src(%dma_wait3A_139 : memref<80x128xf32, #tpu.memory_space<vmem>>) dst(%dma_wait3A_136 : memref<80x128xf32, #tpu.memory_space<vmem_shared>>)
        tpu.yield
      }) : () -> ()
    } else {
    }
    %add3A_23 = arith.constant 48 : i32
    %add3A_24 = arith.addi %arg1, %add3A_23 : i32
    %lt3A_25 = arith.constant 125 : i32
    %lt3A_26 = arith.cmpi slt, %add3A_24, %lt3A_25 : i32
    %convert_element_type3A_27 = arith.extui %lt3A_26 : i1 to i32
    %cond3A_28 = arith.constant 0 : i32
    %cond3A_29 = arith.cmpi ne, %convert_element_type3A_27, %cond3A_28 : i32
    scf.if %cond3A_29 {
      %mul3A_120 = arith.constant 80 : i32
      %mul3A_121 = arith.muli %add3A_24, %mul3A_120 : i32
      "tpu.region"() ({
        %run_scoped3A = tpu.sem_alloc : memref<!tpu.dma_semaphore, #tpu.memory_space<semaphore_mem>>
        %dma_start3A = arith.constant 0 : i32
        %dma_start3A_122 = arith.constant 0 : i32
        %dma_start3A_123 = tpu.memref_slice %arg8[%dma_start3A, %dma_start3A_122] : memref<80x128xf32, #tpu.memory_space<vmem>> -> memref<80x128xf32, #tpu.memory_space<vmem>>
        %dma_start3A_124 = arith.constant 0 : i32
        %dma_start3A_125 = tpu.memref_slice %arg9[%mul3A_121, %dma_start3A_124] : memref<10000x128xf32, #tpu.memory_space<vmem_shared>> -> memref<80x128xf32, #tpu.memory_space<vmem_shared>>
        %dma_start3A_126 = arith.constant 0 : i32
        %dma_start3A_127 = tpu.memref_slice %arg9[%mul3A_121, %dma_start3A_126] : memref<10000x128xf32, #tpu.memory_space<vmem_shared>> -> memref<80x128xf32, #tpu.memory_space<vmem_shared>>
        %dma_start3A_128 = arith.constant 0 : i32
        %dma_start3A_129 = arith.constant 0 : i32
        %dma_start3A_130 = tpu.memref_slice %arg8[%dma_start3A_128, %dma_start3A_129] : memref<80x128xf32, #tpu.memory_space<vmem>> -> memref<80x128xf32, #tpu.memory_space<vmem>>
        tpu.enqueue_dma source(%dma_start3A_130 : memref<80x128xf32, #tpu.memory_space<vmem>>) target(%dma_start3A_127 : memref<80x128xf32, #tpu.memory_space<vmem_shared>>) target_semaphore(%run_scoped3A : memref<!tpu.dma_semaphore, #tpu.memory_space<semaphore_mem>>)
        %dma_wait3A = arith.constant 0 : i32
        %dma_wait3A_131 = arith.constant 0 : i32
        %dma_wait3A_132 = tpu.memref_slice %arg8[%dma_wait3A, %dma_wait3A_131] : memref<80x128xf32, #tpu.memory_space<vmem>> -> memref<80x128xf32, #tpu.memory_space<vmem>>
        %dma_wait3A_133 = arith.constant 0 : i32
        %dma_wait3A_134 = tpu.memref_slice %arg9[%mul3A_121, %dma_wait3A_133] : memref<10000x128xf32, #tpu.memory_space<vmem_shared>> -> memref<80x128xf32, #tpu.memory_space<vmem_shared>>
        %dma_wait3A_135 = arith.constant 0 : i32
        %dma_wait3A_136 = tpu.memref_slice %arg9[%mul3A_121, %dma_wait3A_135] : memref<10000x128xf32, #tpu.memory_space<vmem_shared>> -> memref<80x128xf32, #tpu.memory_space<vmem_shared>>
        %dma_wait3A_137 = arith.constant 0 : i32
        %dma_wait3A_138 = arith.constant 0 : i32
        %dma_wait3A_139 = tpu.memref_slice %arg8[%dma_wait3A_137, %dma_wait3A_138] : memref<80x128xf32, #tpu.memory_space<vmem>> -> memref<80x128xf32, #tpu.memory_space<vmem>>
        tpu.wait_dma2 semaphore(%run_scoped3A : memref<!tpu.dma_semaphore, #tpu.memory_space<semaphore_mem>>) src(%dma_wait3A_139 : memref<80x128xf32, #tpu.memory_space<vmem>>) dst(%dma_wait3A_136 : memref<80x128xf32, #tpu.memory_space<vmem_shared>>)
        tpu.yield
      }) : () -> ()
    } else {
    }
    %add3A_30 = arith.constant 64 : i32
    %add3A_31 = arith.addi %arg1, %add3A_30 : i32
    %lt3A_32 = arith.constant 125 : i32
    %lt3A_33 = arith.cmpi slt, %add3A_31, %lt3A_32 : i32
    %convert_element_type3A_34 = arith.extui %lt3A_33 : i1 to i32
    %cond3A_35 = arith.constant 0 : i32
    %cond3A_36 = arith.cmpi ne, %convert_element_type3A_34, %cond3A_35 : i32
    scf.if %cond3A_36 {
      %mul3A_120 = arith.constant 80 : i32
      %mul3A_121 = arith.muli %add3A_31, %mul3A_120 : i32
      "tpu.region"() ({
        %run_scoped3A = tpu.sem_alloc : memref<!tpu.dma_semaphore, #tpu.memory_space<semaphore_mem>>
        %dma_start3A = arith.constant 0 : i32
        %dma_start3A_122 = arith.constant 0 : i32
        %dma_start3A_123 = tpu.memref_slice %arg8[%dma_start3A, %dma_start3A_122] : memref<80x128xf32, #tpu.memory_space<vmem>> -> memref<80x128xf32, #tpu.memory_space<vmem>>
        %dma_start3A_124 = arith.constant 0 : i32
        %dma_start3A_125 = tpu.memref_slice %arg9[%mul3A_121, %dma_start3A_124] : memref<10000x128xf32, #tpu.memory_space<vmem_shared>> -> memref<80x128xf32, #tpu.memory_space<vmem_shared>>
        %dma_start3A_126 = arith.constant 0 : i32
        %dma_start3A_127 = tpu.memref_slice %arg9[%mul3A_121, %dma_start3A_126] : memref<10000x128xf32, #tpu.memory_space<vmem_shared>> -> memref<80x128xf32, #tpu.memory_space<vmem_shared>>
        %dma_start3A_128 = arith.constant 0 : i32
        %dma_start3A_129 = arith.constant 0 : i32
        %dma_start3A_130 = tpu.memref_slice %arg8[%dma_start3A_128, %dma_start3A_129] : memref<80x128xf32, #tpu.memory_space<vmem>> -> memref<80x128xf32, #tpu.memory_space<vmem>>
        tpu.enqueue_dma source(%dma_start3A_130 : memref<80x128xf32, #tpu.memory_space<vmem>>) target(%dma_start3A_127 : memref<80x128xf32, #tpu.memory_space<vmem_shared>>) target_semaphore(%run_scoped3A : memref<!tpu.dma_semaphore, #tpu.memory_space<semaphore_mem>>)
        %dma_wait3A = arith.constant 0 : i32
        %dma_wait3A_131 = arith.constant 0 : i32
        %dma_wait3A_132 = tpu.memref_slice %arg8[%dma_wait3A, %dma_wait3A_131] : memref<80x128xf32, #tpu.memory_space<vmem>> -> memref<80x128xf32, #tpu.memory_space<vmem>>
        %dma_wait3A_133 = arith.constant 0 : i32
        %dma_wait3A_134 = tpu.memref_slice %arg9[%mul3A_121, %dma_wait3A_133] : memref<10000x128xf32, #tpu.memory_space<vmem_shared>> -> memref<80x128xf32, #tpu.memory_space<vmem_shared>>
        %dma_wait3A_135 = arith.constant 0 : i32
        %dma_wait3A_136 = tpu.memref_slice %arg9[%mul3A_121, %dma_wait3A_135] : memref<10000x128xf32, #tpu.memory_space<vmem_shared>> -> memref<80x128xf32, #tpu.memory_space<vmem_shared>>
        %dma_wait3A_137 = arith.constant 0 : i32
        %dma_wait3A_138 = arith.constant 0 : i32
        %dma_wait3A_139 = tpu.memref_slice %arg8[%dma_wait3A_137, %dma_wait3A_138] : memref<80x128xf32, #tpu.memory_space<vmem>> -> memref<80x128xf32, #tpu.memory_space<vmem>>
        tpu.wait_dma2 semaphore(%run_scoped3A : memref<!tpu.dma_semaphore, #tpu.memory_space<semaphore_mem>>) src(%dma_wait3A_139 : memref<80x128xf32, #tpu.memory_space<vmem>>) dst(%dma_wait3A_136 : memref<80x128xf32, #tpu.memory_space<vmem_shared>>)
        tpu.yield
      }) : () -> ()
    } else {
    }
    %add3A_37 = arith.constant 80 : i32
    %add3A_38 = arith.addi %arg1, %add3A_37 : i32
    %lt3A_39 = arith.constant 125 : i32
    %lt3A_40 = arith.cmpi slt, %add3A_38, %lt3A_39 : i32
    %convert_element_type3A_41 = arith.extui %lt3A_40 : i1 to i32
    %cond3A_42 = arith.constant 0 : i32
    %cond3A_43 = arith.cmpi ne, %convert_element_type3A_41, %cond3A_42 : i32
    scf.if %cond3A_43 {
      %mul3A_120 = arith.constant 80 : i32
      %mul3A_121 = arith.muli %add3A_38, %mul3A_120 : i32
      "tpu.region"() ({
        %run_scoped3A = tpu.sem_alloc : memref<!tpu.dma_semaphore, #tpu.memory_space<semaphore_mem>>
        %dma_start3A = arith.constant 0 : i32
        %dma_start3A_122 = arith.constant 0 : i32
        %dma_start3A_123 = tpu.memref_slice %arg8[%dma_start3A, %dma_start3A_122] : memref<80x128xf32, #tpu.memory_space<vmem>> -> memref<80x128xf32, #tpu.memory_space<vmem>>
        %dma_start3A_124 = arith.constant 0 : i32
        %dma_start3A_125 = tpu.memref_slice %arg9[%mul3A_121, %dma_start3A_124] : memref<10000x128xf32, #tpu.memory_space<vmem_shared>> -> memref<80x128xf32, #tpu.memory_space<vmem_shared>>
        %dma_start3A_126 = arith.constant 0 : i32
        %dma_start3A_127 = tpu.memref_slice %arg9[%mul3A_121, %dma_start3A_126] : memref<10000x128xf32, #tpu.memory_space<vmem_shared>> -> memref<80x128xf32, #tpu.memory_space<vmem_shared>>
        %dma_start3A_128 = arith.constant 0 : i32
        %dma_start3A_129 = arith.constant 0 : i32
        %dma_start3A_130 = tpu.memref_slice %arg8[%dma_start3A_128, %dma_start3A_129] : memref<80x128xf32, #tpu.memory_space<vmem>> -> memref<80x128xf32, #tpu.memory_space<vmem>>
        tpu.enqueue_dma source(%dma_start3A_130 : memref<80x128xf32, #tpu.memory_space<vmem>>) target(%dma_start3A_127 : memref<80x128xf32, #tpu.memory_space<vmem_shared>>) target_semaphore(%run_scoped3A : memref<!tpu.dma_semaphore, #tpu.memory_space<semaphore_mem>>)
        %dma_wait3A = arith.constant 0 : i32
        %dma_wait3A_131 = arith.constant 0 : i32
        %dma_wait3A_132 = tpu.memref_slice %arg8[%dma_wait3A, %dma_wait3A_131] : memref<80x128xf32, #tpu.memory_space<vmem>> -> memref<80x128xf32, #tpu.memory_space<vmem>>
        %dma_wait3A_133 = arith.constant 0 : i32
        %dma_wait3A_134 = tpu.memref_slice %arg9[%mul3A_121, %dma_wait3A_133] : memref<10000x128xf32, #tpu.memory_space<vmem_shared>> -> memref<80x128xf32, #tpu.memory_space<vmem_shared>>
        %dma_wait3A_135 = arith.constant 0 : i32
        %dma_wait3A_136 = tpu.memref_slice %arg9[%mul3A_121, %dma_wait3A_135] : memref<10000x128xf32, #tpu.memory_space<vmem_shared>> -> memref<80x128xf32, #tpu.memory_space<vmem_shared>>
        %dma_wait3A_137 = arith.constant 0 : i32
        %dma_wait3A_138 = arith.constant 0 : i32
        %dma_wait3A_139 = tpu.memref_slice %arg8[%dma_wait3A_137, %dma_wait3A_138] : memref<80x128xf32, #tpu.memory_space<vmem>> -> memref<80x128xf32, #tpu.memory_space<vmem>>
        tpu.wait_dma2 semaphore(%run_scoped3A : memref<!tpu.dma_semaphore, #tpu.memory_space<semaphore_mem>>) src(%dma_wait3A_139 : memref<80x128xf32, #tpu.memory_space<vmem>>) dst(%dma_wait3A_136 : memref<80x128xf32, #tpu.memory_space<vmem_shared>>)
        tpu.yield
      }) : () -> ()
    } else {
    }
    %add3A_44 = arith.constant 96 : i32
    %add3A_45 = arith.addi %arg1, %add3A_44 : i32
    %lt3A_46 = arith.constant 125 : i32
    %lt3A_47 = arith.cmpi slt, %add3A_45, %lt3A_46 : i32
    %convert_element_type3A_48 = arith.extui %lt3A_47 : i1 to i32
    %cond3A_49 = arith.constant 0 : i32
    %cond3A_50 = arith.cmpi ne, %convert_element_type3A_48, %cond3A_49 : i32
    scf.if %cond3A_50 {
      %mul3A_120 = arith.constant 80 : i32
      %mul3A_121 = arith.muli %add3A_45, %mul3A_120 : i32
      "tpu.region"() ({
        %run_scoped3A = tpu.sem_alloc : memref<!tpu.dma_semaphore, #tpu.memory_space<semaphore_mem>>
        %dma_start3A = arith.constant 0 : i32
        %dma_start3A_122 = arith.constant 0 : i32
        %dma_start3A_123 = tpu.memref_slice %arg8[%dma_start3A, %dma_start3A_122] : memref<80x128xf32, #tpu.memory_space<vmem>> -> memref<80x128xf32, #tpu.memory_space<vmem>>
        %dma_start3A_124 = arith.constant 0 : i32
        %dma_start3A_125 = tpu.memref_slice %arg9[%mul3A_121, %dma_start3A_124] : memref<10000x128xf32, #tpu.memory_space<vmem_shared>> -> memref<80x128xf32, #tpu.memory_space<vmem_shared>>
        %dma_start3A_126 = arith.constant 0 : i32
        %dma_start3A_127 = tpu.memref_slice %arg9[%mul3A_121, %dma_start3A_126] : memref<10000x128xf32, #tpu.memory_space<vmem_shared>> -> memref<80x128xf32, #tpu.memory_space<vmem_shared>>
        %dma_start3A_128 = arith.constant 0 : i32
        %dma_start3A_129 = arith.constant 0 : i32
        %dma_start3A_130 = tpu.memref_slice %arg8[%dma_start3A_128, %dma_start3A_129] : memref<80x128xf32, #tpu.memory_space<vmem>> -> memref<80x128xf32, #tpu.memory_space<vmem>>
        tpu.enqueue_dma source(%dma_start3A_130 : memref<80x128xf32, #tpu.memory_space<vmem>>) target(%dma_start3A_127 : memref<80x128xf32, #tpu.memory_space<vmem_shared>>) target_semaphore(%run_scoped3A : memref<!tpu.dma_semaphore, #tpu.memory_space<semaphore_mem>>)
        %dma_wait3A = arith.constant 0 : i32
        %dma_wait3A_131 = arith.constant 0 : i32
        %dma_wait3A_132 = tpu.memref_slice %arg8[%dma_wait3A, %dma_wait3A_131] : memref<80x128xf32, #tpu.memory_space<vmem>> -> memref<80x128xf32, #tpu.memory_space<vmem>>
        %dma_wait3A_133 = arith.constant 0 : i32
        %dma_wait3A_134 = tpu.memref_slice %arg9[%mul3A_121, %dma_wait3A_133] : memref<10000x128xf32, #tpu.memory_space<vmem_shared>> -> memref<80x128xf32, #tpu.memory_space<vmem_shared>>
        %dma_wait3A_135 = arith.constant 0 : i32
        %dma_wait3A_136 = tpu.memref_slice %arg9[%mul3A_121, %dma_wait3A_135] : memref<10000x128xf32, #tpu.memory_space<vmem_shared>> -> memref<80x128xf32, #tpu.memory_space<vmem_shared>>
        %dma_wait3A_137 = arith.constant 0 : i32
        %dma_wait3A_138 = arith.constant 0 : i32
        %dma_wait3A_139 = tpu.memref_slice %arg8[%dma_wait3A_137, %dma_wait3A_138] : memref<80x128xf32, #tpu.memory_space<vmem>> -> memref<80x128xf32, #tpu.memory_space<vmem>>
        tpu.wait_dma2 semaphore(%run_scoped3A : memref<!tpu.dma_semaphore, #tpu.memory_space<semaphore_mem>>) src(%dma_wait3A_139 : memref<80x128xf32, #tpu.memory_space<vmem>>) dst(%dma_wait3A_136 : memref<80x128xf32, #tpu.memory_space<vmem_shared>>)
        tpu.yield
      }) : () -> ()
    } else {
    }
    %add3A_51 = arith.constant 112 : i32
    %add3A_52 = arith.addi %arg1, %add3A_51 : i32
    %lt3A_53 = arith.constant 125 : i32
    %lt3A_54 = arith.cmpi slt, %add3A_52, %lt3A_53 : i32
    %convert_element_type3A_55 = arith.extui %lt3A_54 : i1 to i32
    %cond3A_56 = arith.constant 0 : i32
    %cond3A_57 = arith.cmpi ne, %convert_element_type3A_55, %cond3A_56 : i32
    scf.if %cond3A_57 {
      %mul3A_120 = arith.constant 80 : i32
      %mul3A_121 = arith.muli %add3A_52, %mul3A_120 : i32
      "tpu.region"() ({
        %run_scoped3A = tpu.sem_alloc : memref<!tpu.dma_semaphore, #tpu.memory_space<semaphore_mem>>
        %dma_start3A = arith.constant 0 : i32
        %dma_start3A_122 = arith.constant 0 : i32
        %dma_start3A_123 = tpu.memref_slice %arg8[%dma_start3A, %dma_start3A_122] : memref<80x128xf32, #tpu.memory_space<vmem>> -> memref<80x128xf32, #tpu.memory_space<vmem>>
        %dma_start3A_124 = arith.constant 0 : i32
        %dma_start3A_125 = tpu.memref_slice %arg9[%mul3A_121, %dma_start3A_124] : memref<10000x128xf32, #tpu.memory_space<vmem_shared>> -> memref<80x128xf32, #tpu.memory_space<vmem_shared>>
        %dma_start3A_126 = arith.constant 0 : i32
        %dma_start3A_127 = tpu.memref_slice %arg9[%mul3A_121, %dma_start3A_126] : memref<10000x128xf32, #tpu.memory_space<vmem_shared>> -> memref<80x128xf32, #tpu.memory_space<vmem_shared>>
        %dma_start3A_128 = arith.constant 0 : i32
        %dma_start3A_129 = arith.constant 0 : i32
        %dma_start3A_130 = tpu.memref_slice %arg8[%dma_start3A_128, %dma_start3A_129] : memref<80x128xf32, #tpu.memory_space<vmem>> -> memref<80x128xf32, #tpu.memory_space<vmem>>
        tpu.enqueue_dma source(%dma_start3A_130 : memref<80x128xf32, #tpu.memory_space<vmem>>) target(%dma_start3A_127 : memref<80x128xf32, #tpu.memory_space<vmem_shared>>) target_semaphore(%run_scoped3A : memref<!tpu.dma_semaphore, #tpu.memory_space<semaphore_mem>>)
        %dma_wait3A = arith.constant 0 : i32
        %dma_wait3A_131 = arith.constant 0 : i32
        %dma_wait3A_132 = tpu.memref_slice %arg8[%dma_wait3A, %dma_wait3A_131] : memref<80x128xf32, #tpu.memory_space<vmem>> -> memref<80x128xf32, #tpu.memory_space<vmem>>
        %dma_wait3A_133 = arith.constant 0 : i32
        %dma_wait3A_134 = tpu.memref_slice %arg9[%mul3A_121, %dma_wait3A_133] : memref<10000x128xf32, #tpu.memory_space<vmem_shared>> -> memref<80x128xf32, #tpu.memory_space<vmem_shared>>
        %dma_wait3A_135 = arith.constant 0 : i32
        %dma_wait3A_136 = tpu.memref_slice %arg9[%mul3A_121, %dma_wait3A_135] : memref<10000x128xf32, #tpu.memory_space<vmem_shared>> -> memref<80x128xf32, #tpu.memory_space<vmem_shared>>
        %dma_wait3A_137 = arith.constant 0 : i32
        %dma_wait3A_138 = arith.constant 0 : i32
        %dma_wait3A_139 = tpu.memref_slice %arg8[%dma_wait3A_137, %dma_wait3A_138] : memref<80x128xf32, #tpu.memory_space<vmem>> -> memref<80x128xf32, #tpu.memory_space<vmem>>
        tpu.wait_dma2 semaphore(%run_scoped3A : memref<!tpu.dma_semaphore, #tpu.memory_space<semaphore_mem>>) src(%dma_wait3A_139 : memref<80x128xf32, #tpu.memory_space<vmem>>) dst(%dma_wait3A_136 : memref<80x128xf32, #tpu.memory_space<vmem_shared>>)
        tpu.yield
      }) : () -> ()
    } else {
    }
    %barrier3A = arith.constant 0 : index
    tpu.barrier barrier_id(%barrier3A)
    "tpu.region"() ({
      %run_scoped3A = tpu.sem_alloc : memref<!tpu.dma_semaphore, #tpu.memory_space<semaphore_mem>>
      %dma_start3A = arith.constant 0 : i32
      %dma_start3A_120 = arith.constant 0 : i32
      %dma_start3A_121 = tpu.memref_slice %arg3[%add3A, %dma_start3A, %dma_start3A_120] : memref<32x125x80xi32, #tpu.memory_space<hbm>> -> memref<1x125x80xi32, #tpu.memory_space<hbm>>
      %dma_start3A_122 = tpu.memref_squeeze %dma_start3A_121 : memref<1x125x80xi32, #tpu.memory_space<hbm>> -> memref<125x80xi32, #tpu.memory_space<hbm>>
      %dma_start3A_123 = arith.constant 0 : i32
      %dma_start3A_124 = arith.constant 0 : i32
      %dma_start3A_125 = tpu.memref_slice %arg3[%add3A, %dma_start3A_123, %dma_start3A_124] : memref<32x125x80xi32, #tpu.memory_space<hbm>> -> memref<1x125x80xi32, #tpu.memory_space<hbm>>
      %dma_start3A_126 = tpu.memref_squeeze %dma_start3A_125 : memref<1x125x80xi32, #tpu.memory_space<hbm>> -> memref<125x80xi32, #tpu.memory_space<hbm>>
      tpu.enqueue_dma source(%dma_start3A_126 : memref<125x80xi32, #tpu.memory_space<hbm>>) target(%arg6 : memref<125x80xi32, #tpu.memory_space<vmem>>) target_semaphore(%run_scoped3A : memref<!tpu.dma_semaphore, #tpu.memory_space<semaphore_mem>>)
      %dma_wait3A = arith.constant 0 : i32
      %dma_wait3A_127 = arith.constant 0 : i32
      %dma_wait3A_128 = tpu.memref_slice %arg3[%add3A, %dma_wait3A, %dma_wait3A_127] : memref<32x125x80xi32, #tpu.memory_space<hbm>> -> memref<1x125x80xi32, #tpu.memory_space<hbm>>
      %dma_wait3A_129 = tpu.memref_squeeze %dma_wait3A_128 : memref<1x125x80xi32, #tpu.memory_space<hbm>> -> memref<125x80xi32, #tpu.memory_space<hbm>>
      %dma_wait3A_130 = arith.constant 0 : i32
      %dma_wait3A_131 = arith.constant 0 : i32
      %dma_wait3A_132 = tpu.memref_slice %arg3[%add3A, %dma_wait3A_130, %dma_wait3A_131] : memref<32x125x80xi32, #tpu.memory_space<hbm>> -> memref<1x125x80xi32, #tpu.memory_space<hbm>>
      %dma_wait3A_133 = tpu.memref_squeeze %dma_wait3A_132 : memref<1x125x80xi32, #tpu.memory_space<hbm>> -> memref<125x80xi32, #tpu.memory_space<hbm>>
      tpu.wait_dma2 semaphore(%run_scoped3A : memref<!tpu.dma_semaphore, #tpu.memory_space<semaphore_mem>>) src(%dma_wait3A_133 : memref<125x80xi32, #tpu.memory_space<hbm>>) dst(%arg6 : memref<125x80xi32, #tpu.memory_space<vmem>>)
      tpu.yield
    }) : () -> ()
    "tpu.region"() ({
      %run_scoped3A = tpu.sem_alloc : memref<!tpu.dma_semaphore, #tpu.memory_space<semaphore_mem>>
      %dma_start3A = arith.constant 0 : i32
      %dma_start3A_120 = arith.constant 0 : i32
      %dma_start3A_121 = tpu.memref_slice %arg4[%add3A, %dma_start3A, %dma_start3A_120] : memref<32x125x80xi32, #tpu.memory_space<hbm>> -> memref<1x125x80xi32, #tpu.memory_space<hbm>>
      %dma_start3A_122 = tpu.memref_squeeze %dma_start3A_121 : memref<1x125x80xi32, #tpu.memory_space<hbm>> -> memref<125x80xi32, #tpu.memory_space<hbm>>
      %dma_start3A_123 = arith.constant 0 : i32
      %dma_start3A_124 = arith.constant 0 : i32
      %dma_start3A_125 = tpu.memref_slice %arg4[%add3A, %dma_start3A_123, %dma_start3A_124] : memref<32x125x80xi32, #tpu.memory_space<hbm>> -> memref<1x125x80xi32, #tpu.memory_space<hbm>>
      %dma_start3A_126 = tpu.memref_squeeze %dma_start3A_125 : memref<1x125x80xi32, #tpu.memory_space<hbm>> -> memref<125x80xi32, #tpu.memory_space<hbm>>
      tpu.enqueue_dma source(%dma_start3A_126 : memref<125x80xi32, #tpu.memory_space<hbm>>) target(%arg7 : memref<125x80xi32, #tpu.memory_space<vmem>>) target_semaphore(%run_scoped3A : memref<!tpu.dma_semaphore, #tpu.memory_space<semaphore_mem>>)
      %dma_wait3A = arith.constant 0 : i32
      %dma_wait3A_127 = arith.constant 0 : i32
      %dma_wait3A_128 = tpu.memref_slice %arg4[%add3A, %dma_wait3A, %dma_wait3A_127] : memref<32x125x80xi32, #tpu.memory_space<hbm>> -> memref<1x125x80xi32, #tpu.memory_space<hbm>>
      %dma_wait3A_129 = tpu.memref_squeeze %dma_wait3A_128 : memref<1x125x80xi32, #tpu.memory_space<hbm>> -> memref<125x80xi32, #tpu.memory_space<hbm>>
      %dma_wait3A_130 = arith.constant 0 : i32
      %dma_wait3A_131 = arith.constant 0 : i32
      %dma_wait3A_132 = tpu.memref_slice %arg4[%add3A, %dma_wait3A_130, %dma_wait3A_131] : memref<32x125x80xi32, #tpu.memory_space<hbm>> -> memref<1x125x80xi32, #tpu.memory_space<hbm>>
      %dma_wait3A_133 = tpu.memref_squeeze %dma_wait3A_132 : memref<1x125x80xi32, #tpu.memory_space<hbm>> -> memref<125x80xi32, #tpu.memory_space<hbm>>
      tpu.wait_dma2 semaphore(%run_scoped3A : memref<!tpu.dma_semaphore, #tpu.memory_space<semaphore_mem>>) src(%dma_wait3A_133 : memref<125x80xi32, #tpu.memory_space<hbm>>) dst(%arg7 : memref<125x80xi32, #tpu.memory_space<vmem>>)
      tpu.yield
    }) : () -> ()
    %scan3A_58 = arith.constant 0 : i32
    %scan3A_59 = arith.constant 125 : i32
    %scan3A_60 = arith.addi %scan3A_58, %scan3A_59 : i32
    %scan3A_61 = arith.constant 1 : i32
    scf.for %scan3A_120 = %scan3A_58 to %scan3A_60 step %scan3A_61  : i32 {
      %mul3A_121 = arith.constant 1 : i32
      %mul3A_122 = arith.muli %scan3A_120, %mul3A_121 : i32
      %add3A_123 = arith.constant 0 : i32
      %add3A_124 = arith.addi %add3A_123, %mul3A_122 : i32
      "tpu.region"() ({
        %run_scoped3A = tpu.sem_alloc : memref<!tpu.dma_semaphore, #tpu.memory_space<semaphore_mem>>
        %dma_start3A = arith.constant 0 : i32
        %dma_start3A_125 = tpu.memref_slice %arg6[%add3A_124, %dma_start3A] : memref<125x80xi32, #tpu.memory_space<vmem>> -> memref<1x80xi32, #tpu.memory_space<vmem>>
        %dma_start3A_126 = tpu.memref_squeeze %dma_start3A_125 : memref<1x80xi32, #tpu.memory_space<vmem>> -> memref<80xi32, #tpu.memory_space<vmem>>
        %dma_start3A_127 = arith.constant 0 : i32
        %dma_start3A_128 = arith.constant 0 : i32
        %dma_start3A_129 = tpu.memref_slice %arg2[%dma_start3A_127, %dma_start3A_128] : memref<10000x128xf32, #tpu.memory_space<hbm>> -> memref<10000x128xf32, #tpu.memory_space<hbm>>
        tpu.enqueue_indirect_dma source(%dma_start3A_129 : memref<10000x128xf32, #tpu.memory_space<hbm>>) target(%arg8 : memref<80x128xf32, #tpu.memory_space<vmem>>) offsets(%dma_start3A_126 : memref<80xi32, #tpu.memory_space<vmem>>) semaphore(%run_scoped3A : memref<!tpu.dma_semaphore, #tpu.memory_space<semaphore_mem>>)
        %dma_wait3A = arith.constant 0 : i32
        %dma_wait3A_130 = tpu.memref_slice %arg6[%add3A_124, %dma_wait3A] : memref<125x80xi32, #tpu.memory_space<vmem>> -> memref<1x80xi32, #tpu.memory_space<vmem>>
        %dma_wait3A_131 = tpu.memref_squeeze %dma_wait3A_130 : memref<1x80xi32, #tpu.memory_space<vmem>> -> memref<80xi32, #tpu.memory_space<vmem>>
        %dma_wait3A_132 = arith.constant 0 : i32
        %dma_wait3A_133 = arith.constant 0 : i32
        %dma_wait3A_134 = tpu.memref_slice %arg2[%dma_wait3A_132, %dma_wait3A_133] : memref<10000x128xf32, #tpu.memory_space<hbm>> -> memref<10000x128xf32, #tpu.memory_space<hbm>>
        tpu.wait_indirect_dma semaphore(%run_scoped3A : memref<!tpu.dma_semaphore, #tpu.memory_space<semaphore_mem>>) src(%dma_wait3A_134 : memref<10000x128xf32, #tpu.memory_space<hbm>>) dst(%arg8 : memref<80x128xf32, #tpu.memory_space<vmem>>)
        tpu.yield
      }) : () -> ()
      "tpu.region"() ({
        %run_scoped3A = tpu.sem_alloc : memref<!tpu.dma_semaphore, #tpu.memory_space<semaphore_mem>>
        %dma_start3A = arith.constant 0 : i32
        %dma_start3A_125 = tpu.memref_slice %arg7[%add3A_124, %dma_start3A] : memref<125x80xi32, #tpu.memory_space<vmem>> -> memref<1x80xi32, #tpu.memory_space<vmem>>
        %dma_start3A_126 = tpu.memref_squeeze %dma_start3A_125 : memref<1x80xi32, #tpu.memory_space<vmem>> -> memref<80xi32, #tpu.memory_space<vmem>>
        %dma_start3A_127 = arith.constant 0 : i32
        %dma_start3A_128 = arith.constant 0 : i32
        %dma_start3A_129 = tpu.memref_slice %arg9[%dma_start3A_127, %dma_start3A_128] : memref<10000x128xf32, #tpu.memory_space<vmem_shared>> -> memref<10000x128xf32, #tpu.memory_space<vmem_shared>>
        tpu.enqueue_indirect_dma source(%arg8 : memref<80x128xf32, #tpu.memory_space<vmem>>) target(%dma_start3A_129 : memref<10000x128xf32, #tpu.memory_space<vmem_shared>>) offsets(%dma_start3A_126 : memref<80xi32, #tpu.memory_space<vmem>>) semaphore(%run_scoped3A : memref<!tpu.dma_semaphore, #tpu.memory_space<semaphore_mem>>) {add = true}
        %dma_wait3A = arith.constant 0 : i32
        %dma_wait3A_130 = tpu.memref_slice %arg7[%add3A_124, %dma_wait3A] : memref<125x80xi32, #tpu.memory_space<vmem>> -> memref<1x80xi32, #tpu.memory_space<vmem>>
        %dma_wait3A_131 = tpu.memref_squeeze %dma_wait3A_130 : memref<1x80xi32, #tpu.memory_space<vmem>> -> memref<80xi32, #tpu.memory_space<vmem>>
        %dma_wait3A_132 = arith.constant 0 : i32
        %dma_wait3A_133 = arith.constant 0 : i32
        %dma_wait3A_134 = tpu.memref_slice %arg9[%dma_wait3A_132, %dma_wait3A_133] : memref<10000x128xf32, #tpu.memory_space<vmem_shared>> -> memref<10000x128xf32, #tpu.memory_space<vmem_shared>>
        tpu.wait_indirect_dma semaphore(%run_scoped3A : memref<!tpu.dma_semaphore, #tpu.memory_space<semaphore_mem>>) src(%arg8 : memref<80x128xf32, #tpu.memory_space<vmem>>) dst(%dma_wait3A_134 : memref<10000x128xf32, #tpu.memory_space<vmem_shared>>)
        tpu.yield
      }) : () -> ()
    }
    %scan3A_62 = arith.constant 125 : i32
    %barrier3A_63 = arith.constant 0 : index
    tpu.barrier barrier_id(%barrier3A_63)
    %add3A_64 = arith.constant 0 : i32
    %add3A_65 = arith.addi %arg1, %add3A_64 : i32
    %lt3A_66 = arith.constant 125 : i32
    %lt3A_67 = arith.cmpi slt, %add3A_65, %lt3A_66 : i32
    %convert_element_type3A_68 = arith.extui %lt3A_67 : i1 to i32
    %cond3A_69 = arith.constant 0 : i32
    %cond3A_70 = arith.cmpi ne, %convert_element_type3A_68, %cond3A_69 : i32
    scf.if %cond3A_70 {
      %mul3A_120 = arith.constant 80 : i32
      %mul3A_121 = arith.muli %add3A_65, %mul3A_120 : i32
      %mul3A_122 = arith.constant 80 : i32
      %mul3A_123 = arith.muli %add3A_65, %mul3A_122 : i32
      "tpu.region"() ({
        %run_scoped3A = tpu.sem_alloc : memref<!tpu.dma_semaphore, #tpu.memory_space<semaphore_mem>>
        %dma_start3A = arith.constant 0 : i32
        %dma_start3A_124 = arith.constant 0 : i32
        %dma_start3A_125 = tpu.memref_slice %arg5[%arg0, %dma_start3A, %dma_start3A_124] : memref<2x10000x128xf32, #tpu.memory_space<hbm>> -> memref<1x10000x128xf32, #tpu.memory_space<hbm>>
        %dma_start3A_126 = tpu.memref_squeeze %dma_start3A_125 : memref<1x10000x128xf32, #tpu.memory_space<hbm>> -> memref<10000x128xf32, #tpu.memory_space<hbm>>
        %dma_start3A_127 = arith.constant 0 : i32
        %dma_start3A_128 = tpu.memref_slice %dma_start3A_126[%mul3A_123, %dma_start3A_127] : memref<10000x128xf32, #tpu.memory_space<hbm>> -> memref<80x128xf32, #tpu.memory_space<hbm>>
        %dma_start3A_129 = arith.constant 0 : i32
        %dma_start3A_130 = tpu.memref_slice %arg9[%mul3A_121, %dma_start3A_129] : memref<10000x128xf32, #tpu.memory_space<vmem_shared>> -> memref<80x128xf32, #tpu.memory_space<vmem_shared>>
        tpu.enqueue_dma source(%dma_start3A_130 : memref<80x128xf32, #tpu.memory_space<vmem_shared>>) target(%dma_start3A_128 : memref<80x128xf32, #tpu.memory_space<hbm>>) target_semaphore(%run_scoped3A : memref<!tpu.dma_semaphore, #tpu.memory_space<semaphore_mem>>)
        %dma_wait3A = arith.constant 0 : i32
        %dma_wait3A_131 = arith.constant 0 : i32
        %dma_wait3A_132 = tpu.memref_slice %arg5[%arg0, %dma_wait3A, %dma_wait3A_131] : memref<2x10000x128xf32, #tpu.memory_space<hbm>> -> memref<1x10000x128xf32, #tpu.memory_space<hbm>>
        %dma_wait3A_133 = tpu.memref_squeeze %dma_wait3A_132 : memref<1x10000x128xf32, #tpu.memory_space<hbm>> -> memref<10000x128xf32, #tpu.memory_space<hbm>>
        %dma_wait3A_134 = arith.constant 0 : i32
        %dma_wait3A_135 = tpu.memref_slice %dma_wait3A_133[%mul3A_123, %dma_wait3A_134] : memref<10000x128xf32, #tpu.memory_space<hbm>> -> memref<80x128xf32, #tpu.memory_space<hbm>>
        %dma_wait3A_136 = arith.constant 0 : i32
        %dma_wait3A_137 = tpu.memref_slice %arg9[%mul3A_121, %dma_wait3A_136] : memref<10000x128xf32, #tpu.memory_space<vmem_shared>> -> memref<80x128xf32, #tpu.memory_space<vmem_shared>>
        tpu.wait_dma2 semaphore(%run_scoped3A : memref<!tpu.dma_semaphore, #tpu.memory_space<semaphore_mem>>) src(%dma_wait3A_137 : memref<80x128xf32, #tpu.memory_space<vmem_shared>>) dst(%dma_wait3A_135 : memref<80x128xf32, #tpu.memory_space<hbm>>)
        tpu.yield
      }) : () -> ()
    } else {
    }
    %add3A_71 = arith.constant 16 : i32
    %add3A_72 = arith.addi %arg1, %add3A_71 : i32
    %lt3A_73 = arith.constant 125 : i32
    %lt3A_74 = arith.cmpi slt, %add3A_72, %lt3A_73 : i32
    %convert_element_type3A_75 = arith.extui %lt3A_74 : i1 to i32
    %cond3A_76 = arith.constant 0 : i32
    %cond3A_77 = arith.cmpi ne, %convert_element_type3A_75, %cond3A_76 : i32
    scf.if %cond3A_77 {
      %mul3A_120 = arith.constant 80 : i32
      %mul3A_121 = arith.muli %add3A_72, %mul3A_120 : i32
      %mul3A_122 = arith.constant 80 : i32
      %mul3A_123 = arith.muli %add3A_72, %mul3A_122 : i32
      "tpu.region"() ({
        %run_scoped3A = tpu.sem_alloc : memref<!tpu.dma_semaphore, #tpu.memory_space<semaphore_mem>>
        %dma_start3A = arith.constant 0 : i32
        %dma_start3A_124 = arith.constant 0 : i32
        %dma_start3A_125 = tpu.memref_slice %arg5[%arg0, %dma_start3A, %dma_start3A_124] : memref<2x10000x128xf32, #tpu.memory_space<hbm>> -> memref<1x10000x128xf32, #tpu.memory_space<hbm>>
        %dma_start3A_126 = tpu.memref_squeeze %dma_start3A_125 : memref<1x10000x128xf32, #tpu.memory_space<hbm>> -> memref<10000x128xf32, #tpu.memory_space<hbm>>
        %dma_start3A_127 = arith.constant 0 : i32
        %dma_start3A_128 = tpu.memref_slice %dma_start3A_126[%mul3A_123, %dma_start3A_127] : memref<10000x128xf32, #tpu.memory_space<hbm>> -> memref<80x128xf32, #tpu.memory_space<hbm>>
        %dma_start3A_129 = arith.constant 0 : i32
        %dma_start3A_130 = tpu.memref_slice %arg9[%mul3A_121, %dma_start3A_129] : memref<10000x128xf32, #tpu.memory_space<vmem_shared>> -> memref<80x128xf32, #tpu.memory_space<vmem_shared>>
        tpu.enqueue_dma source(%dma_start3A_130 : memref<80x128xf32, #tpu.memory_space<vmem_shared>>) target(%dma_start3A_128 : memref<80x128xf32, #tpu.memory_space<hbm>>) target_semaphore(%run_scoped3A : memref<!tpu.dma_semaphore, #tpu.memory_space<semaphore_mem>>)
        %dma_wait3A = arith.constant 0 : i32
        %dma_wait3A_131 = arith.constant 0 : i32
        %dma_wait3A_132 = tpu.memref_slice %arg5[%arg0, %dma_wait3A, %dma_wait3A_131] : memref<2x10000x128xf32, #tpu.memory_space<hbm>> -> memref<1x10000x128xf32, #tpu.memory_space<hbm>>
        %dma_wait3A_133 = tpu.memref_squeeze %dma_wait3A_132 : memref<1x10000x128xf32, #tpu.memory_space<hbm>> -> memref<10000x128xf32, #tpu.memory_space<hbm>>
        %dma_wait3A_134 = arith.constant 0 : i32
        %dma_wait3A_135 = tpu.memref_slice %dma_wait3A_133[%mul3A_123, %dma_wait3A_134] : memref<10000x128xf32, #tpu.memory_space<hbm>> -> memref<80x128xf32, #tpu.memory_space<hbm>>
        %dma_wait3A_136 = arith.constant 0 : i32
        %dma_wait3A_137 = tpu.memref_slice %arg9[%mul3A_121, %dma_wait3A_136] : memref<10000x128xf32, #tpu.memory_space<vmem_shared>> -> memref<80x128xf32, #tpu.memory_space<vmem_shared>>
        tpu.wait_dma2 semaphore(%run_scoped3A : memref<!tpu.dma_semaphore, #tpu.memory_space<semaphore_mem>>) src(%dma_wait3A_137 : memref<80x128xf32, #tpu.memory_space<vmem_shared>>) dst(%dma_wait3A_135 : memref<80x128xf32, #tpu.memory_space<hbm>>)
        tpu.yield
      }) : () -> ()
    } else {
    }
    %add3A_78 = arith.constant 32 : i32
    %add3A_79 = arith.addi %arg1, %add3A_78 : i32
    %lt3A_80 = arith.constant 125 : i32
    %lt3A_81 = arith.cmpi slt, %add3A_79, %lt3A_80 : i32
    %convert_element_type3A_82 = arith.extui %lt3A_81 : i1 to i32
    %cond3A_83 = arith.constant 0 : i32
    %cond3A_84 = arith.cmpi ne, %convert_element_type3A_82, %cond3A_83 : i32
    scf.if %cond3A_84 {
      %mul3A_120 = arith.constant 80 : i32
      %mul3A_121 = arith.muli %add3A_79, %mul3A_120 : i32
      %mul3A_122 = arith.constant 80 : i32
      %mul3A_123 = arith.muli %add3A_79, %mul3A_122 : i32
      "tpu.region"() ({
        %run_scoped3A = tpu.sem_alloc : memref<!tpu.dma_semaphore, #tpu.memory_space<semaphore_mem>>
        %dma_start3A = arith.constant 0 : i32
        %dma_start3A_124 = arith.constant 0 : i32
        %dma_start3A_125 = tpu.memref_slice %arg5[%arg0, %dma_start3A, %dma_start3A_124] : memref<2x10000x128xf32, #tpu.memory_space<hbm>> -> memref<1x10000x128xf32, #tpu.memory_space<hbm>>
        %dma_start3A_126 = tpu.memref_squeeze %dma_start3A_125 : memref<1x10000x128xf32, #tpu.memory_space<hbm>> -> memref<10000x128xf32, #tpu.memory_space<hbm>>
        %dma_start3A_127 = arith.constant 0 : i32
        %dma_start3A_128 = tpu.memref_slice %dma_start3A_126[%mul3A_123, %dma_start3A_127] : memref<10000x128xf32, #tpu.memory_space<hbm>> -> memref<80x128xf32, #tpu.memory_space<hbm>>
        %dma_start3A_129 = arith.constant 0 : i32
        %dma_start3A_130 = tpu.memref_slice %arg9[%mul3A_121, %dma_start3A_129] : memref<10000x128xf32, #tpu.memory_space<vmem_shared>> -> memref<80x128xf32, #tpu.memory_space<vmem_shared>>
        tpu.enqueue_dma source(%dma_start3A_130 : memref<80x128xf32, #tpu.memory_space<vmem_shared>>) target(%dma_start3A_128 : memref<80x128xf32, #tpu.memory_space<hbm>>) target_semaphore(%run_scoped3A : memref<!tpu.dma_semaphore, #tpu.memory_space<semaphore_mem>>)
        %dma_wait3A = arith.constant 0 : i32
        %dma_wait3A_131 = arith.constant 0 : i32
        %dma_wait3A_132 = tpu.memref_slice %arg5[%arg0, %dma_wait3A, %dma_wait3A_131] : memref<2x10000x128xf32, #tpu.memory_space<hbm>> -> memref<1x10000x128xf32, #tpu.memory_space<hbm>>
        %dma_wait3A_133 = tpu.memref_squeeze %dma_wait3A_132 : memref<1x10000x128xf32, #tpu.memory_space<hbm>> -> memref<10000x128xf32, #tpu.memory_space<hbm>>
        %dma_wait3A_134 = arith.constant 0 : i32
        %dma_wait3A_135 = tpu.memref_slice %dma_wait3A_133[%mul3A_123, %dma_wait3A_134] : memref<10000x128xf32, #tpu.memory_space<hbm>> -> memref<80x128xf32, #tpu.memory_space<hbm>>
        %dma_wait3A_136 = arith.constant 0 : i32
        %dma_wait3A_137 = tpu.memref_slice %arg9[%mul3A_121, %dma_wait3A_136] : memref<10000x128xf32, #tpu.memory_space<vmem_shared>> -> memref<80x128xf32, #tpu.memory_space<vmem_shared>>
        tpu.wait_dma2 semaphore(%run_scoped3A : memref<!tpu.dma_semaphore, #tpu.memory_space<semaphore_mem>>) src(%dma_wait3A_137 : memref<80x128xf32, #tpu.memory_space<vmem_shared>>) dst(%dma_wait3A_135 : memref<80x128xf32, #tpu.memory_space<hbm>>)
        tpu.yield
      }) : () -> ()
    } else {
    }
    %add3A_85 = arith.constant 48 : i32
    %add3A_86 = arith.addi %arg1, %add3A_85 : i32
    %lt3A_87 = arith.constant 125 : i32
    %lt3A_88 = arith.cmpi slt, %add3A_86, %lt3A_87 : i32
    %convert_element_type3A_89 = arith.extui %lt3A_88 : i1 to i32
    %cond3A_90 = arith.constant 0 : i32
    %cond3A_91 = arith.cmpi ne, %convert_element_type3A_89, %cond3A_90 : i32
    scf.if %cond3A_91 {
      %mul3A_120 = arith.constant 80 : i32
      %mul3A_121 = arith.muli %add3A_86, %mul3A_120 : i32
      %mul3A_122 = arith.constant 80 : i32
      %mul3A_123 = arith.muli %add3A_86, %mul3A_122 : i32
      "tpu.region"() ({
        %run_scoped3A = tpu.sem_alloc : memref<!tpu.dma_semaphore, #tpu.memory_space<semaphore_mem>>
        %dma_start3A = arith.constant 0 : i32
        %dma_start3A_124 = arith.constant 0 : i32
        %dma_start3A_125 = tpu.memref_slice %arg5[%arg0, %dma_start3A, %dma_start3A_124] : memref<2x10000x128xf32, #tpu.memory_space<hbm>> -> memref<1x10000x128xf32, #tpu.memory_space<hbm>>
        %dma_start3A_126 = tpu.memref_squeeze %dma_start3A_125 : memref<1x10000x128xf32, #tpu.memory_space<hbm>> -> memref<10000x128xf32, #tpu.memory_space<hbm>>
        %dma_start3A_127 = arith.constant 0 : i32
        %dma_start3A_128 = tpu.memref_slice %dma_start3A_126[%mul3A_123, %dma_start3A_127] : memref<10000x128xf32, #tpu.memory_space<hbm>> -> memref<80x128xf32, #tpu.memory_space<hbm>>
        %dma_start3A_129 = arith.constant 0 : i32
        %dma_start3A_130 = tpu.memref_slice %arg9[%mul3A_121, %dma_start3A_129] : memref<10000x128xf32, #tpu.memory_space<vmem_shared>> -> memref<80x128xf32, #tpu.memory_space<vmem_shared>>
        tpu.enqueue_dma source(%dma_start3A_130 : memref<80x128xf32, #tpu.memory_space<vmem_shared>>) target(%dma_start3A_128 : memref<80x128xf32, #tpu.memory_space<hbm>>) target_semaphore(%run_scoped3A : memref<!tpu.dma_semaphore, #tpu.memory_space<semaphore_mem>>)
        %dma_wait3A = arith.constant 0 : i32
        %dma_wait3A_131 = arith.constant 0 : i32
        %dma_wait3A_132 = tpu.memref_slice %arg5[%arg0, %dma_wait3A, %dma_wait3A_131] : memref<2x10000x128xf32, #tpu.memory_space<hbm>> -> memref<1x10000x128xf32, #tpu.memory_space<hbm>>
        %dma_wait3A_133 = tpu.memref_squeeze %dma_wait3A_132 : memref<1x10000x128xf32, #tpu.memory_space<hbm>> -> memref<10000x128xf32, #tpu.memory_space<hbm>>
        %dma_wait3A_134 = arith.constant 0 : i32
        %dma_wait3A_135 = tpu.memref_slice %dma_wait3A_133[%mul3A_123, %dma_wait3A_134] : memref<10000x128xf32, #tpu.memory_space<hbm>> -> memref<80x128xf32, #tpu.memory_space<hbm>>
        %dma_wait3A_136 = arith.constant 0 : i32
        %dma_wait3A_137 = tpu.memref_slice %arg9[%mul3A_121, %dma_wait3A_136] : memref<10000x128xf32, #tpu.memory_space<vmem_shared>> -> memref<80x128xf32, #tpu.memory_space<vmem_shared>>
        tpu.wait_dma2 semaphore(%run_scoped3A : memref<!tpu.dma_semaphore, #tpu.memory_space<semaphore_mem>>) src(%dma_wait3A_137 : memref<80x128xf32, #tpu.memory_space<vmem_shared>>) dst(%dma_wait3A_135 : memref<80x128xf32, #tpu.memory_space<hbm>>)
        tpu.yield
      }) : () -> ()
    } else {
    }
    %add3A_92 = arith.constant 64 : i32
    %add3A_93 = arith.addi %arg1, %add3A_92 : i32
    %lt3A_94 = arith.constant 125 : i32
    %lt3A_95 = arith.cmpi slt, %add3A_93, %lt3A_94 : i32
    %convert_element_type3A_96 = arith.extui %lt3A_95 : i1 to i32
    %cond3A_97 = arith.constant 0 : i32
    %cond3A_98 = arith.cmpi ne, %convert_element_type3A_96, %cond3A_97 : i32
    scf.if %cond3A_98 {
      %mul3A_120 = arith.constant 80 : i32
      %mul3A_121 = arith.muli %add3A_93, %mul3A_120 : i32
      %mul3A_122 = arith.constant 80 : i32
      %mul3A_123 = arith.muli %add3A_93, %mul3A_122 : i32
      "tpu.region"() ({
        %run_scoped3A = tpu.sem_alloc : memref<!tpu.dma_semaphore, #tpu.memory_space<semaphore_mem>>
        %dma_start3A = arith.constant 0 : i32
        %dma_start3A_124 = arith.constant 0 : i32
        %dma_start3A_125 = tpu.memref_slice %arg5[%arg0, %dma_start3A, %dma_start3A_124] : memref<2x10000x128xf32, #tpu.memory_space<hbm>> -> memref<1x10000x128xf32, #tpu.memory_space<hbm>>
        %dma_start3A_126 = tpu.memref_squeeze %dma_start3A_125 : memref<1x10000x128xf32, #tpu.memory_space<hbm>> -> memref<10000x128xf32, #tpu.memory_space<hbm>>
        %dma_start3A_127 = arith.constant 0 : i32
        %dma_start3A_128 = tpu.memref_slice %dma_start3A_126[%mul3A_123, %dma_start3A_127] : memref<10000x128xf32, #tpu.memory_space<hbm>> -> memref<80x128xf32, #tpu.memory_space<hbm>>
        %dma_start3A_129 = arith.constant 0 : i32
        %dma_start3A_130 = tpu.memref_slice %arg9[%mul3A_121, %dma_start3A_129] : memref<10000x128xf32, #tpu.memory_space<vmem_shared>> -> memref<80x128xf32, #tpu.memory_space<vmem_shared>>
        tpu.enqueue_dma source(%dma_start3A_130 : memref<80x128xf32, #tpu.memory_space<vmem_shared>>) target(%dma_start3A_128 : memref<80x128xf32, #tpu.memory_space<hbm>>) target_semaphore(%run_scoped3A : memref<!tpu.dma_semaphore, #tpu.memory_space<semaphore_mem>>)
        %dma_wait3A = arith.constant 0 : i32
        %dma_wait3A_131 = arith.constant 0 : i32
        %dma_wait3A_132 = tpu.memref_slice %arg5[%arg0, %dma_wait3A, %dma_wait3A_131] : memref<2x10000x128xf32, #tpu.memory_space<hbm>> -> memref<1x10000x128xf32, #tpu.memory_space<hbm>>
        %dma_wait3A_133 = tpu.memref_squeeze %dma_wait3A_132 : memref<1x10000x128xf32, #tpu.memory_space<hbm>> -> memref<10000x128xf32, #tpu.memory_space<hbm>>
        %dma_wait3A_134 = arith.constant 0 : i32
        %dma_wait3A_135 = tpu.memref_slice %dma_wait3A_133[%mul3A_123, %dma_wait3A_134] : memref<10000x128xf32, #tpu.memory_space<hbm>> -> memref<80x128xf32, #tpu.memory_space<hbm>>
        %dma_wait3A_136 = arith.constant 0 : i32
        %dma_wait3A_137 = tpu.memref_slice %arg9[%mul3A_121, %dma_wait3A_136] : memref<10000x128xf32, #tpu.memory_space<vmem_shared>> -> memref<80x128xf32, #tpu.memory_space<vmem_shared>>
        tpu.wait_dma2 semaphore(%run_scoped3A : memref<!tpu.dma_semaphore, #tpu.memory_space<semaphore_mem>>) src(%dma_wait3A_137 : memref<80x128xf32, #tpu.memory_space<vmem_shared>>) dst(%dma_wait3A_135 : memref<80x128xf32, #tpu.memory_space<hbm>>)
        tpu.yield
      }) : () -> ()
    } else {
    }
    %add3A_99 = arith.constant 80 : i32
    %add3A_100 = arith.addi %arg1, %add3A_99 : i32
    %lt3A_101 = arith.constant 125 : i32
    %lt3A_102 = arith.cmpi slt, %add3A_100, %lt3A_101 : i32
    %convert_element_type3A_103 = arith.extui %lt3A_102 : i1 to i32
    %cond3A_104 = arith.constant 0 : i32
    %cond3A_105 = arith.cmpi ne, %convert_element_type3A_103, %cond3A_104 : i32
    scf.if %cond3A_105 {
      %mul3A_120 = arith.constant 80 : i32
      %mul3A_121 = arith.muli %add3A_100, %mul3A_120 : i32
      %mul3A_122 = arith.constant 80 : i32
      %mul3A_123 = arith.muli %add3A_100, %mul3A_122 : i32
      "tpu.region"() ({
        %run_scoped3A = tpu.sem_alloc : memref<!tpu.dma_semaphore, #tpu.memory_space<semaphore_mem>>
        %dma_start3A = arith.constant 0 : i32
        %dma_start3A_124 = arith.constant 0 : i32
        %dma_start3A_125 = tpu.memref_slice %arg5[%arg0, %dma_start3A, %dma_start3A_124] : memref<2x10000x128xf32, #tpu.memory_space<hbm>> -> memref<1x10000x128xf32, #tpu.memory_space<hbm>>
        %dma_start3A_126 = tpu.memref_squeeze %dma_start3A_125 : memref<1x10000x128xf32, #tpu.memory_space<hbm>> -> memref<10000x128xf32, #tpu.memory_space<hbm>>
        %dma_start3A_127 = arith.constant 0 : i32
        %dma_start3A_128 = tpu.memref_slice %dma_start3A_126[%mul3A_123, %dma_start3A_127] : memref<10000x128xf32, #tpu.memory_space<hbm>> -> memref<80x128xf32, #tpu.memory_space<hbm>>
        %dma_start3A_129 = arith.constant 0 : i32
        %dma_start3A_130 = tpu.memref_slice %arg9[%mul3A_121, %dma_start3A_129] : memref<10000x128xf32, #tpu.memory_space<vmem_shared>> -> memref<80x128xf32, #tpu.memory_space<vmem_shared>>
        tpu.enqueue_dma source(%dma_start3A_130 : memref<80x128xf32, #tpu.memory_space<vmem_shared>>) target(%dma_start3A_128 : memref<80x128xf32, #tpu.memory_space<hbm>>) target_semaphore(%run_scoped3A : memref<!tpu.dma_semaphore, #tpu.memory_space<semaphore_mem>>)
        %dma_wait3A = arith.constant 0 : i32
        %dma_wait3A_131 = arith.constant 0 : i32
        %dma_wait3A_132 = tpu.memref_slice %arg5[%arg0, %dma_wait3A, %dma_wait3A_131] : memref<2x10000x128xf32, #tpu.memory_space<hbm>> -> memref<1x10000x128xf32, #tpu.memory_space<hbm>>
        %dma_wait3A_133 = tpu.memref_squeeze %dma_wait3A_132 : memref<1x10000x128xf32, #tpu.memory_space<hbm>> -> memref<10000x128xf32, #tpu.memory_space<hbm>>
        %dma_wait3A_134 = arith.constant 0 : i32
        %dma_wait3A_135 = tpu.memref_slice %dma_wait3A_133[%mul3A_123, %dma_wait3A_134] : memref<10000x128xf32, #tpu.memory_space<hbm>> -> memref<80x128xf32, #tpu.memory_space<hbm>>
        %dma_wait3A_136 = arith.constant 0 : i32
        %dma_wait3A_137 = tpu.memref_slice %arg9[%mul3A_121, %dma_wait3A_136] : memref<10000x128xf32, #tpu.memory_space<vmem_shared>> -> memref<80x128xf32, #tpu.memory_space<vmem_shared>>
        tpu.wait_dma2 semaphore(%run_scoped3A : memref<!tpu.dma_semaphore, #tpu.memory_space<semaphore_mem>>) src(%dma_wait3A_137 : memref<80x128xf32, #tpu.memory_space<vmem_shared>>) dst(%dma_wait3A_135 : memref<80x128xf32, #tpu.memory_space<hbm>>)
        tpu.yield
      }) : () -> ()
    } else {
    }
    %add3A_106 = arith.constant 96 : i32
    %add3A_107 = arith.addi %arg1, %add3A_106 : i32
    %lt3A_108 = arith.constant 125 : i32
    %lt3A_109 = arith.cmpi slt, %add3A_107, %lt3A_108 : i32
    %convert_element_type3A_110 = arith.extui %lt3A_109 : i1 to i32
    %cond3A_111 = arith.constant 0 : i32
    %cond3A_112 = arith.cmpi ne, %convert_element_type3A_110, %cond3A_111 : i32
    scf.if %cond3A_112 {
      %mul3A_120 = arith.constant 80 : i32
      %mul3A_121 = arith.muli %add3A_107, %mul3A_120 : i32
      %mul3A_122 = arith.constant 80 : i32
      %mul3A_123 = arith.muli %add3A_107, %mul3A_122 : i32
      "tpu.region"() ({
        %run_scoped3A = tpu.sem_alloc : memref<!tpu.dma_semaphore, #tpu.memory_space<semaphore_mem>>
        %dma_start3A = arith.constant 0 : i32
        %dma_start3A_124 = arith.constant 0 : i32
        %dma_start3A_125 = tpu.memref_slice %arg5[%arg0, %dma_start3A, %dma_start3A_124] : memref<2x10000x128xf32, #tpu.memory_space<hbm>> -> memref<1x10000x128xf32, #tpu.memory_space<hbm>>
        %dma_start3A_126 = tpu.memref_squeeze %dma_start3A_125 : memref<1x10000x128xf32, #tpu.memory_space<hbm>> -> memref<10000x128xf32, #tpu.memory_space<hbm>>
        %dma_start3A_127 = arith.constant 0 : i32
        %dma_start3A_128 = tpu.memref_slice %dma_start3A_126[%mul3A_123, %dma_start3A_127] : memref<10000x128xf32, #tpu.memory_space<hbm>> -> memref<80x128xf32, #tpu.memory_space<hbm>>
        %dma_start3A_129 = arith.constant 0 : i32
        %dma_start3A_130 = tpu.memref_slice %arg9[%mul3A_121, %dma_start3A_129] : memref<10000x128xf32, #tpu.memory_space<vmem_shared>> -> memref<80x128xf32, #tpu.memory_space<vmem_shared>>
        tpu.enqueue_dma source(%dma_start3A_130 : memref<80x128xf32, #tpu.memory_space<vmem_shared>>) target(%dma_start3A_128 : memref<80x128xf32, #tpu.memory_space<hbm>>) target_semaphore(%run_scoped3A : memref<!tpu.dma_semaphore, #tpu.memory_space<semaphore_mem>>)
        %dma_wait3A = arith.constant 0 : i32
        %dma_wait3A_131 = arith.constant 0 : i32
        %dma_wait3A_132 = tpu.memref_slice %arg5[%arg0, %dma_wait3A, %dma_wait3A_131] : memref<2x10000x128xf32, #tpu.memory_space<hbm>> -> memref<1x10000x128xf32, #tpu.memory_space<hbm>>
        %dma_wait3A_133 = tpu.memref_squeeze %dma_wait3A_132 : memref<1x10000x128xf32, #tpu.memory_space<hbm>> -> memref<10000x128xf32, #tpu.memory_space<hbm>>
        %dma_wait3A_134 = arith.constant 0 : i32
        %dma_wait3A_135 = tpu.memref_slice %dma_wait3A_133[%mul3A_123, %dma_wait3A_134] : memref<10000x128xf32, #tpu.memory_space<hbm>> -> memref<80x128xf32, #tpu.memory_space<hbm>>
        %dma_wait3A_136 = arith.constant 0 : i32
        %dma_wait3A_137 = tpu.memref_slice %arg9[%mul3A_121, %dma_wait3A_136] : memref<10000x128xf32, #tpu.memory_space<vmem_shared>> -> memref<80x128xf32, #tpu.memory_space<vmem_shared>>
        tpu.wait_dma2 semaphore(%run_scoped3A : memref<!tpu.dma_semaphore, #tpu.memory_space<semaphore_mem>>) src(%dma_wait3A_137 : memref<80x128xf32, #tpu.memory_space<vmem_shared>>) dst(%dma_wait3A_135 : memref<80x128xf32, #tpu.memory_space<hbm>>)
        tpu.yield
      }) : () -> ()
    } else {
    }
    %add3A_113 = arith.constant 112 : i32
    %add3A_114 = arith.addi %arg1, %add3A_113 : i32
    %lt3A_115 = arith.constant 125 : i32
    %lt3A_116 = arith.cmpi slt, %add3A_114, %lt3A_115 : i32
    %convert_element_type3A_117 = arith.extui %lt3A_116 : i1 to i32
    %cond3A_118 = arith.constant 0 : i32
    %cond3A_119 = arith.cmpi ne, %convert_element_type3A_117, %cond3A_118 : i32
    scf.if %cond3A_119 {
      %mul3A_120 = arith.constant 80 : i32
      %mul3A_121 = arith.muli %add3A_114, %mul3A_120 : i32
      %mul3A_122 = arith.constant 80 : i32
      %mul3A_123 = arith.muli %add3A_114, %mul3A_122 : i32
      "tpu.region"() ({
        %run_scoped3A = tpu.sem_alloc : memref<!tpu.dma_semaphore, #tpu.memory_space<semaphore_mem>>
        %dma_start3A = arith.constant 0 : i32
        %dma_start3A_124 = arith.constant 0 : i32
        %dma_start3A_125 = tpu.memref_slice %arg5[%arg0, %dma_start3A, %dma_start3A_124] : memref<2x10000x128xf32, #tpu.memory_space<hbm>> -> memref<1x10000x128xf32, #tpu.memory_space<hbm>>
        %dma_start3A_126 = tpu.memref_squeeze %dma_start3A_125 : memref<1x10000x128xf32, #tpu.memory_space<hbm>> -> memref<10000x128xf32, #tpu.memory_space<hbm>>
        %dma_start3A_127 = arith.constant 0 : i32
        %dma_start3A_128 = tpu.memref_slice %dma_start3A_126[%mul3A_123, %dma_start3A_127] : memref<10000x128xf32, #tpu.memory_space<hbm>> -> memref<80x128xf32, #tpu.memory_space<hbm>>
        %dma_start3A_129 = arith.constant 0 : i32
        %dma_start3A_130 = tpu.memref_slice %arg9[%mul3A_121, %dma_start3A_129] : memref<10000x128xf32, #tpu.memory_space<vmem_shared>> -> memref<80x128xf32, #tpu.memory_space<vmem_shared>>
        tpu.enqueue_dma source(%dma_start3A_130 : memref<80x128xf32, #tpu.memory_space<vmem_shared>>) target(%dma_start3A_128 : memref<80x128xf32, #tpu.memory_space<hbm>>) target_semaphore(%run_scoped3A : memref<!tpu.dma_semaphore, #tpu.memory_space<semaphore_mem>>)
        %dma_wait3A = arith.constant 0 : i32
        %dma_wait3A_131 = arith.constant 0 : i32
        %dma_wait3A_132 = tpu.memref_slice %arg5[%arg0, %dma_wait3A, %dma_wait3A_131] : memref<2x10000x128xf32, #tpu.memory_space<hbm>> -> memref<1x10000x128xf32, #tpu.memory_space<hbm>>
        %dma_wait3A_133 = tpu.memref_squeeze %dma_wait3A_132 : memref<1x10000x128xf32, #tpu.memory_space<hbm>> -> memref<10000x128xf32, #tpu.memory_space<hbm>>
        %dma_wait3A_134 = arith.constant 0 : i32
        %dma_wait3A_135 = tpu.memref_slice %dma_wait3A_133[%mul3A_123, %dma_wait3A_134] : memref<10000x128xf32, #tpu.memory_space<hbm>> -> memref<80x128xf32, #tpu.memory_space<hbm>>
        %dma_wait3A_136 = arith.constant 0 : i32
        %dma_wait3A_137 = tpu.memref_slice %arg9[%mul3A_121, %dma_wait3A_136] : memref<10000x128xf32, #tpu.memory_space<vmem_shared>> -> memref<80x128xf32, #tpu.memory_space<vmem_shared>>
        tpu.wait_dma2 semaphore(%run_scoped3A : memref<!tpu.dma_semaphore, #tpu.memory_space<semaphore_mem>>) src(%dma_wait3A_137 : memref<80x128xf32, #tpu.memory_space<vmem_shared>>) dst(%dma_wait3A_135 : memref<80x128xf32, #tpu.memory_space<hbm>>)
        tpu.yield
      }) : () -> ()
    } else {
    }
    return
  }
}

#map = affine_map<(d0, d1) -> (0, 0)>
#map1 = affine_map<(d0, d1) -> (0, 0, 0)>
module attributes {stable_mosaic.version = 14 : i64} {
  func.func @prop_kernel(%arg0: i32, %arg1: i32, %arg2: memref<10000x128xf32, #tpu.memory_space<hbm>>, %arg3: memref<32x125x80xi32, #tpu.memory_space<hbm>>, %arg4: memref<32x125x80xi32, #tpu.memory_space<hbm>>, %arg5: memref<2x10000x128xf32, #tpu.memory_space<hbm>>, %arg6: memref<125x80xi32, #tpu.memory_space<vmem>>, %arg7: memref<125x80xi32, #tpu.memory_space<vmem>>, %arg8: memref<80x128xf32, #tpu.memory_space<vmem>>, %arg9: memref<10000x128xf32, #tpu.memory_space<vmem_shared>>) attributes {dimension_semantics = [#tpu.dimension_semantics<core_parallel>, #tpu.dimension_semantics<subcore_parallel>], iteration_bounds = array<i64: 2, 16>, scalar_prefetch = 0 : i64, scratch_operands = 4 : i64, tpu.core_type = #tpu.core_type<sc_vector_subcore>, window_params = [{transform_indices = #map}, {transform_indices = #map1}, {transform_indices = #map1}, {transform_indices = #map1}]} {
    %mul3A = arith.constant 16 : i32
    %mul3A_0 = arith.muli %arg0, %mul3A : i32
    %add3A = arith.addi %mul3A_0, %arg1 : i32
    %scan3A = arith.constant 0 : i32
    %scan3A_1 = arith.constant 80 : i32
    %scan3A_2 = arith.addi %scan3A, %scan3A_1 : i32
    %scan3A_3 = arith.constant 1 : i32
    scf.for %scan3A_120 = %scan3A to %scan3A_2 step %scan3A_3  : i32 {
      %mul3A_121 = arith.constant 1 : i32
      %mul3A_122 = arith.muli %scan3A_120, %mul3A_121 : i32
      %add3A_123 = arith.constant 0 : i32
      %add3A_124 = arith.addi %add3A_123, %mul3A_122 : i32
      %broadcast_in_dim3A = arith.constant 0.000000e+00 : f32
      %broadcast_in_dim3A_125 = vector.broadcast %broadcast_in_dim3A : f32 to vector<16xf32>
      %swap3A = arith.index_cast %add3A_124 : i32 to index
      %swap3A_126 = arith.constant 0 : index
      %swap3A_127 = tpu.vector_load %arg8[%swap3A, %swap3A_126] {strides = array<i32>} : memref<80x128xf32, #tpu.memory_space<vmem>>, vector<1x16xf32>,
      %swap3A_128 = vector.shape_cast %swap3A_127 : vector<1x16xf32> to vector<16xf32>
      %swap3A_129 = vector.shape_cast %broadcast_in_dim3A_125 : vector<16xf32> to vector<1x16xf32>
      tpu.vector_store %arg8[%swap3A, %swap3A_126], %swap3A_129 {strides = array<i32>} : memref<80x128xf32, #tpu.memory_space<vmem>>, vector<1x16xf32>,
      %broadcast_in_dim3A_130 = arith.constant 0.000000e+00 : f32
      %broadcast_in_dim3A_131 = vector.broadcast %broadcast_in_dim3A_130 : f32 to vector<16xf32>
      %swap3A_132 = arith.index_cast %add3A_124 : i32 to index
      %swap3A_133 = arith.constant 16 : index
      %swap3A_134 = tpu.vector_load %arg8[%swap3A_132, %swap3A_133] {strides = array<i32>} : memref<80x128xf32, #tpu.memory_space<vmem>>, vector<1x16xf32>,
      %swap3A_135 = vector.shape_cast %swap3A_134 : vector<1x16xf32> to vector<16xf32>
      %swap3A_136 = vector.shape_cast %broadcast_in_dim3A_131 : vector<16xf32> to vector<1x16xf32>
      tpu.vector_store %arg8[%swap3A_132, %swap3A_133], %swap3A_136 {strides = array<i32>} : memref<80x128xf32, #tpu.memory_space<vmem>>, vector<1x16xf32>,
      %broadcast_in_dim3A_137 = arith.constant 0.000000e+00 : f32
      %broadcast_in_dim3A_138 = vector.broadcast %broadcast_in_dim3A_137 : f32 to vector<16xf32>
      %swap3A_139 = arith.index_cast %add3A_124 : i32 to index
      %swap3A_140 = arith.constant 32 : index
      %swap3A_141 = tpu.vector_load %arg8[%swap3A_139, %swap3A_140] {strides = array<i32>} : memref<80x128xf32, #tpu.memory_space<vmem>>, vector<1x16xf32>,
      %swap3A_142 = vector.shape_cast %swap3A_141 : vector<1x16xf32> to vector<16xf32>
      %swap3A_143 = vector.shape_cast %broadcast_in_dim3A_138 : vector<16xf32> to vector<1x16xf32>
      tpu.vector_store %arg8[%swap3A_139, %swap3A_140], %swap3A_143 {strides = array<i32>} : memref<80x128xf32, #tpu.memory_space<vmem>>, vector<1x16xf32>,
      %broadcast_in_dim3A_144 = arith.constant 0.000000e+00 : f32
      %broadcast_in_dim3A_145 = vector.broadcast %broadcast_in_dim3A_144 : f32 to vector<16xf32>
      %swap3A_146 = arith.index_cast %add3A_124 : i32 to index
      %swap3A_147 = arith.constant 48 : index
      %swap3A_148 = tpu.vector_load %arg8[%swap3A_146, %swap3A_147] {strides = array<i32>} : memref<80x128xf32, #tpu.memory_space<vmem>>, vector<1x16xf32>,
      %swap3A_149 = vector.shape_cast %swap3A_148 : vector<1x16xf32> to vector<16xf32>
      %swap3A_150 = vector.shape_cast %broadcast_in_dim3A_145 : vector<16xf32> to vector<1x16xf32>
      tpu.vector_store %arg8[%swap3A_146, %swap3A_147], %swap3A_150 {strides = array<i32>} : memref<80x128xf32, #tpu.memory_space<vmem>>, vector<1x16xf32>,
      %broadcast_in_dim3A_151 = arith.constant 0.000000e+00 : f32
      %broadcast_in_dim3A_152 = vector.broadcast %broadcast_in_dim3A_151 : f32 to vector<16xf32>
      %swap3A_153 = arith.index_cast %add3A_124 : i32 to index
      %swap3A_154 = arith.constant 64 : index
      %swap3A_155 = tpu.vector_load %arg8[%swap3A_153, %swap3A_154] {strides = array<i32>} : memref<80x128xf32, #tpu.memory_space<vmem>>, vector<1x16xf32>,
      %swap3A_156 = vector.shape_cast %swap3A_155 : vector<1x16xf32> to vector<16xf32>
      %swap3A_157 = vector.shape_cast %broadcast_in_dim3A_152 : vector<16xf32> to vector<1x16xf32>
      tpu.vector_store %arg8[%swap3A_153, %swap3A_154], %swap3A_157 {strides = array<i32>} : memref<80x128xf32, #tpu.memory_space<vmem>>, vector<1x16xf32>,
      %broadcast_in_dim3A_158 = arith.constant 0.000000e+00 : f32
      %broadcast_in_dim3A_159 = vector.broadcast %broadcast_in_dim3A_158 : f32 to vector<16xf32>
      %swap3A_160 = arith.index_cast %add3A_124 : i32 to index
      %swap3A_161 = arith.constant 80 : index
      %swap3A_162 = tpu.vector_load %arg8[%swap3A_160, %swap3A_161] {strides = array<i32>} : memref<80x128xf32, #tpu.memory_space<vmem>>, vector<1x16xf32>,
      %swap3A_163 = vector.shape_cast %swap3A_162 : vector<1x16xf32> to vector<16xf32>
      %swap3A_164 = vector.shape_cast %broadcast_in_dim3A_159 : vector<16xf32> to vector<1x16xf32>
      tpu.vector_store %arg8[%swap3A_160, %swap3A_161], %swap3A_164 {strides = array<i32>} : memref<80x128xf32, #tpu.memory_space<vmem>>, vector<1x16xf32>,
      %broadcast_in_dim3A_165 = arith.constant 0.000000e+00 : f32
      %broadcast_in_dim3A_166 = vector.broadcast %broadcast_in_dim3A_165 : f32 to vector<16xf32>
      %swap3A_167 = arith.index_cast %add3A_124 : i32 to index
      %swap3A_168 = arith.constant 96 : index
      %swap3A_169 = tpu.vector_load %arg8[%swap3A_167, %swap3A_168] {strides = array<i32>} : memref<80x128xf32, #tpu.memory_space<vmem>>, vector<1x16xf32>,
      %swap3A_170 = vector.shape_cast %swap3A_169 : vector<1x16xf32> to vector<16xf32>
      %swap3A_171 = vector.shape_cast %broadcast_in_dim3A_166 : vector<16xf32> to vector<1x16xf32>
      tpu.vector_store %arg8[%swap3A_167, %swap3A_168], %swap3A_171 {strides = array<i32>} : memref<80x128xf32, #tpu.memory_space<vmem>>, vector<1x16xf32>,
      %broadcast_in_dim3A_172 = arith.constant 0.000000e+00 : f32
      %broadcast_in_dim3A_173 = vector.broadcast %broadcast_in_dim3A_172 : f32 to vector<16xf32>
      %swap3A_174 = arith.index_cast %add3A_124 : i32 to index
      %swap3A_175 = arith.constant 112 : index
      %swap3A_176 = tpu.vector_load %arg8[%swap3A_174, %swap3A_175] {strides = array<i32>} : memref<80x128xf32, #tpu.memory_space<vmem>>, vector<1x16xf32>,
      %swap3A_177 = vector.shape_cast %swap3A_176 : vector<1x16xf32> to vector<16xf32>
      %swap3A_178 = vector.shape_cast %broadcast_in_dim3A_173 : vector<16xf32> to vector<1x16xf32>
      tpu.vector_store %arg8[%swap3A_174, %swap3A_175], %swap3A_178 {strides = array<i32>} : memref<80x128xf32, #tpu.memory_space<vmem>>, vector<1x16xf32>,
    }
    %scan3A_4 = arith.constant 80 : i32
    %add3A_5 = arith.constant 0 : i32
    %add3A_6 = arith.addi %arg1, %add3A_5 : i32
    %lt3A = arith.constant 125 : i32
    %lt3A_7 = arith.cmpi slt, %add3A_6, %lt3A : i32
    %convert_element_type3A = arith.extui %lt3A_7 : i1 to i32
    %cond3A = arith.constant 0 : i32
    %cond3A_8 = arith.cmpi ne, %convert_element_type3A, %cond3A : i32
    scf.if %cond3A_8 {
      %mul3A_120 = arith.constant 80 : i32
      %mul3A_121 = arith.muli %add3A_6, %mul3A_120 : i32
      "tpu.region"() ({
        %run_scoped3A = tpu.sem_alloc : memref<!tpu.dma_semaphore, #tpu.memory_space<semaphore_mem>>
        %dma_start3A = arith.constant 0 : i32
        %dma_start3A_122 = arith.constant 0 : i32
        %dma_start3A_123 = tpu.memref_slice %arg8[%dma_start3A, %dma_start3A_122] : memref<80x128xf32, #tpu.memory_space<vmem>> -> memref<80x128xf32, #tpu.memory_space<vmem>>
        %dma_start3A_124 = arith.constant 0 : i32
        %dma_start3A_125 = tpu.memref_slice %arg9[%mul3A_121, %dma_start3A_124] : memref<10000x128xf32, #tpu.memory_space<vmem_shared>> -> memref<80x128xf32, #tpu.memory_space<vmem_shared>>
        %dma_start3A_126 = arith.constant 0 : i32
        %dma_start3A_127 = tpu.memref_slice %arg9[%mul3A_121, %dma_start3A_126] : memref<10000x128xf32, #tpu.memory_space<vmem_shared>> -> memref<80x128xf32, #tpu.memory_space<vmem_shared>>
        %dma_start3A_128 = arith.constant 0 : i32
        %dma_start3A_129 = arith.constant 0 : i32
        %dma_start3A_130 = tpu.memref_slice %arg8[%dma_start3A_128, %dma_start3A_129] : memref<80x128xf32, #tpu.memory_space<vmem>> -> memref<80x128xf32, #tpu.memory_space<vmem>>
        tpu.enqueue_dma source(%dma_start3A_130 : memref<80x128xf32, #tpu.memory_space<vmem>>) target(%dma_start3A_127 : memref<80x128xf32, #tpu.memory_space<vmem_shared>>) target_semaphore(%run_scoped3A : memref<!tpu.dma_semaphore, #tpu.memory_space<semaphore_mem>>)
        %dma_wait3A = arith.constant 0 : i32
        %dma_wait3A_131 = arith.constant 0 : i32
        %dma_wait3A_132 = tpu.memref_slice %arg8[%dma_wait3A, %dma_wait3A_131] : memref<80x128xf32, #tpu.memory_space<vmem>> -> memref<80x128xf32, #tpu.memory_space<vmem>>
        %dma_wait3A_133 = arith.constant 0 : i32
        %dma_wait3A_134 = tpu.memref_slice %arg9[%mul3A_121, %dma_wait3A_133] : memref<10000x128xf32, #tpu.memory_space<vmem_shared>> -> memref<80x128xf32, #tpu.memory_space<vmem_shared>>
        %dma_wait3A_135 = arith.constant 0 : i32
        %dma_wait3A_136 = tpu.memref_slice %arg9[%mul3A_121, %dma_wait3A_135] : memref<10000x128xf32, #tpu.memory_space<vmem_shared>> -> memref<80x128xf32, #tpu.memory_space<vmem_shared>>
        %dma_wait3A_137 = arith.constant 0 : i32
        %dma_wait3A_138 = arith.constant 0 : i32
        %dma_wait3A_139 = tpu.memref_slice %arg8[%dma_wait3A_137, %dma_wait3A_138] : memref<80x128xf32, #tpu.memory_space<vmem>> -> memref<80x128xf32, #tpu.memory_space<vmem>>
        tpu.wait_dma2 semaphore(%run_scoped3A : memref<!tpu.dma_semaphore, #tpu.memory_space<semaphore_mem>>) src(%dma_wait3A_139 : memref<80x128xf32, #tpu.memory_space<vmem>>) dst(%dma_wait3A_136 : memref<80x128xf32, #tpu.memory_space<vmem_shared>>)
        tpu.yield
      }) : () -> ()
    } else {
    }
    %add3A_9 = arith.constant 16 : i32
    %add3A_10 = arith.addi %arg1, %add3A_9 : i32
    %lt3A_11 = arith.constant 125 : i32
    %lt3A_12 = arith.cmpi slt, %add3A_10, %lt3A_11 : i32
    %convert_element_type3A_13 = arith.extui %lt3A_12 : i1 to i32
    %cond3A_14 = arith.constant 0 : i32
    %cond3A_15 = arith.cmpi ne, %convert_element_type3A_13, %cond3A_14 : i32
    scf.if %cond3A_15 {
      %mul3A_120 = arith.constant 80 : i32
      %mul3A_121 = arith.muli %add3A_10, %mul3A_120 : i32
      "tpu.region"() ({
        %run_scoped3A = tpu.sem_alloc : memref<!tpu.dma_semaphore, #tpu.memory_space<semaphore_mem>>
        %dma_start3A = arith.constant 0 : i32
        %dma_start3A_122 = arith.constant 0 : i32
        %dma_start3A_123 = tpu.memref_slice %arg8[%dma_start3A, %dma_start3A_122] : memref<80x128xf32, #tpu.memory_space<vmem>> -> memref<80x128xf32, #tpu.memory_space<vmem>>
        %dma_start3A_124 = arith.constant 0 : i32
        %dma_start3A_125 = tpu.memref_slice %arg9[%mul3A_121, %dma_start3A_124] : memref<10000x128xf32, #tpu.memory_space<vmem_shared>> -> memref<80x128xf32, #tpu.memory_space<vmem_shared>>
        %dma_start3A_126 = arith.constant 0 : i32
        %dma_start3A_127 = tpu.memref_slice %arg9[%mul3A_121, %dma_start3A_126] : memref<10000x128xf32, #tpu.memory_space<vmem_shared>> -> memref<80x128xf32, #tpu.memory_space<vmem_shared>>
        %dma_start3A_128 = arith.constant 0 : i32
        %dma_start3A_129 = arith.constant 0 : i32
        %dma_start3A_130 = tpu.memref_slice %arg8[%dma_start3A_128, %dma_start3A_129] : memref<80x128xf32, #tpu.memory_space<vmem>> -> memref<80x128xf32, #tpu.memory_space<vmem>>
        tpu.enqueue_dma source(%dma_start3A_130 : memref<80x128xf32, #tpu.memory_space<vmem>>) target(%dma_start3A_127 : memref<80x128xf32, #tpu.memory_space<vmem_shared>>) target_semaphore(%run_scoped3A : memref<!tpu.dma_semaphore, #tpu.memory_space<semaphore_mem>>)
        %dma_wait3A = arith.constant 0 : i32
        %dma_wait3A_131 = arith.constant 0 : i32
        %dma_wait3A_132 = tpu.memref_slice %arg8[%dma_wait3A, %dma_wait3A_131] : memref<80x128xf32, #tpu.memory_space<vmem>> -> memref<80x128xf32, #tpu.memory_space<vmem>>
        %dma_wait3A_133 = arith.constant 0 : i32
        %dma_wait3A_134 = tpu.memref_slice %arg9[%mul3A_121, %dma_wait3A_133] : memref<10000x128xf32, #tpu.memory_space<vmem_shared>> -> memref<80x128xf32, #tpu.memory_space<vmem_shared>>
        %dma_wait3A_135 = arith.constant 0 : i32
        %dma_wait3A_136 = tpu.memref_slice %arg9[%mul3A_121, %dma_wait3A_135] : memref<10000x128xf32, #tpu.memory_space<vmem_shared>> -> memref<80x128xf32, #tpu.memory_space<vmem_shared>>
        %dma_wait3A_137 = arith.constant 0 : i32
        %dma_wait3A_138 = arith.constant 0 : i32
        %dma_wait3A_139 = tpu.memref_slice %arg8[%dma_wait3A_137, %dma_wait3A_138] : memref<80x128xf32, #tpu.memory_space<vmem>> -> memref<80x128xf32, #tpu.memory_space<vmem>>
        tpu.wait_dma2 semaphore(%run_scoped3A : memref<!tpu.dma_semaphore, #tpu.memory_space<semaphore_mem>>) src(%dma_wait3A_139 : memref<80x128xf32, #tpu.memory_space<vmem>>) dst(%dma_wait3A_136 : memref<80x128xf32, #tpu.memory_space<vmem_shared>>)
        tpu.yield
      }) : () -> ()
    } else {
    }
    %add3A_16 = arith.constant 32 : i32
    %add3A_17 = arith.addi %arg1, %add3A_16 : i32
    %lt3A_18 = arith.constant 125 : i32
    %lt3A_19 = arith.cmpi slt, %add3A_17, %lt3A_18 : i32
    %convert_element_type3A_20 = arith.extui %lt3A_19 : i1 to i32
    %cond3A_21 = arith.constant 0 : i32
    %cond3A_22 = arith.cmpi ne, %convert_element_type3A_20, %cond3A_21 : i32
    scf.if %cond3A_22 {
      %mul3A_120 = arith.constant 80 : i32
      %mul3A_121 = arith.muli %add3A_17, %mul3A_120 : i32
      "tpu.region"() ({
        %run_scoped3A = tpu.sem_alloc : memref<!tpu.dma_semaphore, #tpu.memory_space<semaphore_mem>>
        %dma_start3A = arith.constant 0 : i32
        %dma_start3A_122 = arith.constant 0 : i32
        %dma_start3A_123 = tpu.memref_slice %arg8[%dma_start3A, %dma_start3A_122] : memref<80x128xf32, #tpu.memory_space<vmem>> -> memref<80x128xf32, #tpu.memory_space<vmem>>
        %dma_start3A_124 = arith.constant 0 : i32
        %dma_start3A_125 = tpu.memref_slice %arg9[%mul3A_121, %dma_start3A_124] : memref<10000x128xf32, #tpu.memory_space<vmem_shared>> -> memref<80x128xf32, #tpu.memory_space<vmem_shared>>
        %dma_start3A_126 = arith.constant 0 : i32
        %dma_start3A_127 = tpu.memref_slice %arg9[%mul3A_121, %dma_start3A_126] : memref<10000x128xf32, #tpu.memory_space<vmem_shared>> -> memref<80x128xf32, #tpu.memory_space<vmem_shared>>
        %dma_start3A_128 = arith.constant 0 : i32
        %dma_start3A_129 = arith.constant 0 : i32
        %dma_start3A_130 = tpu.memref_slice %arg8[%dma_start3A_128, %dma_start3A_129] : memref<80x128xf32, #tpu.memory_space<vmem>> -> memref<80x128xf32, #tpu.memory_space<vmem>>
        tpu.enqueue_dma source(%dma_start3A_130 : memref<80x128xf32, #tpu.memory_space<vmem>>) target(%dma_start3A_127 : memref<80x128xf32, #tpu.memory_space<vmem_shared>>) target_semaphore(%run_scoped3A : memref<!tpu.dma_semaphore, #tpu.memory_space<semaphore_mem>>)
        %dma_wait3A = arith.constant 0 : i32
        %dma_wait3A_131 = arith.constant 0 : i32
        %dma_wait3A_132 = tpu.memref_slice %arg8[%dma_wait3A, %dma_wait3A_131] : memref<80x128xf32, #tpu.memory_space<vmem>> -> memref<80x128xf32, #tpu.memory_space<vmem>>
        %dma_wait3A_133 = arith.constant 0 : i32
        %dma_wait3A_134 = tpu.memref_slice %arg9[%mul3A_121, %dma_wait3A_133] : memref<10000x128xf32, #tpu.memory_space<vmem_shared>> -> memref<80x128xf32, #tpu.memory_space<vmem_shared>>
        %dma_wait3A_135 = arith.constant 0 : i32
        %dma_wait3A_136 = tpu.memref_slice %arg9[%mul3A_121, %dma_wait3A_135] : memref<10000x128xf32, #tpu.memory_space<vmem_shared>> -> memref<80x128xf32, #tpu.memory_space<vmem_shared>>
        %dma_wait3A_137 = arith.constant 0 : i32
        %dma_wait3A_138 = arith.constant 0 : i32
        %dma_wait3A_139 = tpu.memref_slice %arg8[%dma_wait3A_137, %dma_wait3A_138] : memref<80x128xf32, #tpu.memory_space<vmem>> -> memref<80x128xf32, #tpu.memory_space<vmem>>
        tpu.wait_dma2 semaphore(%run_scoped3A : memref<!tpu.dma_semaphore, #tpu.memory_space<semaphore_mem>>) src(%dma_wait3A_139 : memref<80x128xf32, #tpu.memory_space<vmem>>) dst(%dma_wait3A_136 : memref<80x128xf32, #tpu.memory_space<vmem_shared>>)
        tpu.yield
      }) : () -> ()
    } else {
    }
    %add3A_23 = arith.constant 48 : i32
    %add3A_24 = arith.addi %arg1, %add3A_23 : i32
    %lt3A_25 = arith.constant 125 : i32
    %lt3A_26 = arith.cmpi slt, %add3A_24, %lt3A_25 : i32
    %convert_element_type3A_27 = arith.extui %lt3A_26 : i1 to i32
    %cond3A_28 = arith.constant 0 : i32
    %cond3A_29 = arith.cmpi ne, %convert_element_type3A_27, %cond3A_28 : i32
    scf.if %cond3A_29 {
      %mul3A_120 = arith.constant 80 : i32
      %mul3A_121 = arith.muli %add3A_24, %mul3A_120 : i32
      "tpu.region"() ({
        %run_scoped3A = tpu.sem_alloc : memref<!tpu.dma_semaphore, #tpu.memory_space<semaphore_mem>>
        %dma_start3A = arith.constant 0 : i32
        %dma_start3A_122 = arith.constant 0 : i32
        %dma_start3A_123 = tpu.memref_slice %arg8[%dma_start3A, %dma_start3A_122] : memref<80x128xf32, #tpu.memory_space<vmem>> -> memref<80x128xf32, #tpu.memory_space<vmem>>
        %dma_start3A_124 = arith.constant 0 : i32
        %dma_start3A_125 = tpu.memref_slice %arg9[%mul3A_121, %dma_start3A_124] : memref<10000x128xf32, #tpu.memory_space<vmem_shared>> -> memref<80x128xf32, #tpu.memory_space<vmem_shared>>
        %dma_start3A_126 = arith.constant 0 : i32
        %dma_start3A_127 = tpu.memref_slice %arg9[%mul3A_121, %dma_start3A_126] : memref<10000x128xf32, #tpu.memory_space<vmem_shared>> -> memref<80x128xf32, #tpu.memory_space<vmem_shared>>
        %dma_start3A_128 = arith.constant 0 : i32
        %dma_start3A_129 = arith.constant 0 : i32
        %dma_start3A_130 = tpu.memref_slice %arg8[%dma_start3A_128, %dma_start3A_129] : memref<80x128xf32, #tpu.memory_space<vmem>> -> memref<80x128xf32, #tpu.memory_space<vmem>>
        tpu.enqueue_dma source(%dma_start3A_130 : memref<80x128xf32, #tpu.memory_space<vmem>>) target(%dma_start3A_127 : memref<80x128xf32, #tpu.memory_space<vmem_shared>>) target_semaphore(%run_scoped3A : memref<!tpu.dma_semaphore, #tpu.memory_space<semaphore_mem>>)
        %dma_wait3A = arith.constant 0 : i32
        %dma_wait3A_131 = arith.constant 0 : i32
        %dma_wait3A_132 = tpu.memref_slice %arg8[%dma_wait3A, %dma_wait3A_131] : memref<80x128xf32, #tpu.memory_space<vmem>> -> memref<80x128xf32, #tpu.memory_space<vmem>>
        %dma_wait3A_133 = arith.constant 0 : i32
        %dma_wait3A_134 = tpu.memref_slice %arg9[%mul3A_121, %dma_wait3A_133] : memref<10000x128xf32, #tpu.memory_space<vmem_shared>> -> memref<80x128xf32, #tpu.memory_space<vmem_shared>>
        %dma_wait3A_135 = arith.constant 0 : i32
        %dma_wait3A_136 = tpu.memref_slice %arg9[%mul3A_121, %dma_wait3A_135] : memref<10000x128xf32, #tpu.memory_space<vmem_shared>> -> memref<80x128xf32, #tpu.memory_space<vmem_shared>>
        %dma_wait3A_137 = arith.constant 0 : i32
        %dma_wait3A_138 = arith.constant 0 : i32
        %dma_wait3A_139 = tpu.memref_slice %arg8[%dma_wait3A_137, %dma_wait3A_138] : memref<80x128xf32, #tpu.memory_space<vmem>> -> memref<80x128xf32, #tpu.memory_space<vmem>>
        tpu.wait_dma2 semaphore(%run_scoped3A : memref<!tpu.dma_semaphore, #tpu.memory_space<semaphore_mem>>) src(%dma_wait3A_139 : memref<80x128xf32, #tpu.memory_space<vmem>>) dst(%dma_wait3A_136 : memref<80x128xf32, #tpu.memory_space<vmem_shared>>)
        tpu.yield
      }) : () -> ()
    } else {
    }
    %add3A_30 = arith.constant 64 : i32
    %add3A_31 = arith.addi %arg1, %add3A_30 : i32
    %lt3A_32 = arith.constant 125 : i32
    %lt3A_33 = arith.cmpi slt, %add3A_31, %lt3A_32 : i32
    %convert_element_type3A_34 = arith.extui %lt3A_33 : i1 to i32
    %cond3A_35 = arith.constant 0 : i32
    %cond3A_36 = arith.cmpi ne, %convert_element_type3A_34, %cond3A_35 : i32
    scf.if %cond3A_36 {
      %mul3A_120 = arith.constant 80 : i32
      %mul3A_121 = arith.muli %add3A_31, %mul3A_120 : i32
      "tpu.region"() ({
        %run_scoped3A = tpu.sem_alloc : memref<!tpu.dma_semaphore, #tpu.memory_space<semaphore_mem>>
        %dma_start3A = arith.constant 0 : i32
        %dma_start3A_122 = arith.constant 0 : i32
        %dma_start3A_123 = tpu.memref_slice %arg8[%dma_start3A, %dma_start3A_122] : memref<80x128xf32, #tpu.memory_space<vmem>> -> memref<80x128xf32, #tpu.memory_space<vmem>>
        %dma_start3A_124 = arith.constant 0 : i32
        %dma_start3A_125 = tpu.memref_slice %arg9[%mul3A_121, %dma_start3A_124] : memref<10000x128xf32, #tpu.memory_space<vmem_shared>> -> memref<80x128xf32, #tpu.memory_space<vmem_shared>>
        %dma_start3A_126 = arith.constant 0 : i32
        %dma_start3A_127 = tpu.memref_slice %arg9[%mul3A_121, %dma_start3A_126] : memref<10000x128xf32, #tpu.memory_space<vmem_shared>> -> memref<80x128xf32, #tpu.memory_space<vmem_shared>>
        %dma_start3A_128 = arith.constant 0 : i32
        %dma_start3A_129 = arith.constant 0 : i32
        %dma_start3A_130 = tpu.memref_slice %arg8[%dma_start3A_128, %dma_start3A_129] : memref<80x128xf32, #tpu.memory_space<vmem>> -> memref<80x128xf32, #tpu.memory_space<vmem>>
        tpu.enqueue_dma source(%dma_start3A_130 : memref<80x128xf32, #tpu.memory_space<vmem>>) target(%dma_start3A_127 : memref<80x128xf32, #tpu.memory_space<vmem_shared>>) target_semaphore(%run_scoped3A : memref<!tpu.dma_semaphore, #tpu.memory_space<semaphore_mem>>)
        %dma_wait3A = arith.constant 0 : i32
        %dma_wait3A_131 = arith.constant 0 : i32
        %dma_wait3A_132 = tpu.memref_slice %arg8[%dma_wait3A, %dma_wait3A_131] : memref<80x128xf32, #tpu.memory_space<vmem>> -> memref<80x128xf32, #tpu.memory_space<vmem>>
        %dma_wait3A_133 = arith.constant 0 : i32
        %dma_wait3A_134 = tpu.memref_slice %arg9[%mul3A_121, %dma_wait3A_133] : memref<10000x128xf32, #tpu.memory_space<vmem_shared>> -> memref<80x128xf32, #tpu.memory_space<vmem_shared>>
        %dma_wait3A_135 = arith.constant 0 : i32
        %dma_wait3A_136 = tpu.memref_slice %arg9[%mul3A_121, %dma_wait3A_135] : memref<10000x128xf32, #tpu.memory_space<vmem_shared>> -> memref<80x128xf32, #tpu.memory_space<vmem_shared>>
        %dma_wait3A_137 = arith.constant 0 : i32
        %dma_wait3A_138 = arith.constant 0 : i32
        %dma_wait3A_139 = tpu.memref_slice %arg8[%dma_wait3A_137, %dma_wait3A_138] : memref<80x128xf32, #tpu.memory_space<vmem>> -> memref<80x128xf32, #tpu.memory_space<vmem>>
        tpu.wait_dma2 semaphore(%run_scoped3A : memref<!tpu.dma_semaphore, #tpu.memory_space<semaphore_mem>>) src(%dma_wait3A_139 : memref<80x128xf32, #tpu.memory_space<vmem>>) dst(%dma_wait3A_136 : memref<80x128xf32, #tpu.memory_space<vmem_shared>>)
        tpu.yield
      }) : () -> ()
    } else {
    }
    %add3A_37 = arith.constant 80 : i32
    %add3A_38 = arith.addi %arg1, %add3A_37 : i32
    %lt3A_39 = arith.constant 125 : i32
    %lt3A_40 = arith.cmpi slt, %add3A_38, %lt3A_39 : i32
    %convert_element_type3A_41 = arith.extui %lt3A_40 : i1 to i32
    %cond3A_42 = arith.constant 0 : i32
    %cond3A_43 = arith.cmpi ne, %convert_element_type3A_41, %cond3A_42 : i32
    scf.if %cond3A_43 {
      %mul3A_120 = arith.constant 80 : i32
      %mul3A_121 = arith.muli %add3A_38, %mul3A_120 : i32
      "tpu.region"() ({
        %run_scoped3A = tpu.sem_alloc : memref<!tpu.dma_semaphore, #tpu.memory_space<semaphore_mem>>
        %dma_start3A = arith.constant 0 : i32
        %dma_start3A_122 = arith.constant 0 : i32
        %dma_start3A_123 = tpu.memref_slice %arg8[%dma_start3A, %dma_start3A_122] : memref<80x128xf32, #tpu.memory_space<vmem>> -> memref<80x128xf32, #tpu.memory_space<vmem>>
        %dma_start3A_124 = arith.constant 0 : i32
        %dma_start3A_125 = tpu.memref_slice %arg9[%mul3A_121, %dma_start3A_124] : memref<10000x128xf32, #tpu.memory_space<vmem_shared>> -> memref<80x128xf32, #tpu.memory_space<vmem_shared>>
        %dma_start3A_126 = arith.constant 0 : i32
        %dma_start3A_127 = tpu.memref_slice %arg9[%mul3A_121, %dma_start3A_126] : memref<10000x128xf32, #tpu.memory_space<vmem_shared>> -> memref<80x128xf32, #tpu.memory_space<vmem_shared>>
        %dma_start3A_128 = arith.constant 0 : i32
        %dma_start3A_129 = arith.constant 0 : i32
        %dma_start3A_130 = tpu.memref_slice %arg8[%dma_start3A_128, %dma_start3A_129] : memref<80x128xf32, #tpu.memory_space<vmem>> -> memref<80x128xf32, #tpu.memory_space<vmem>>
        tpu.enqueue_dma source(%dma_start3A_130 : memref<80x128xf32, #tpu.memory_space<vmem>>) target(%dma_start3A_127 : memref<80x128xf32, #tpu.memory_space<vmem_shared>>) target_semaphore(%run_scoped3A : memref<!tpu.dma_semaphore, #tpu.memory_space<semaphore_mem>>)
        %dma_wait3A = arith.constant 0 : i32
        %dma_wait3A_131 = arith.constant 0 : i32
        %dma_wait3A_132 = tpu.memref_slice %arg8[%dma_wait3A, %dma_wait3A_131] : memref<80x128xf32, #tpu.memory_space<vmem>> -> memref<80x128xf32, #tpu.memory_space<vmem>>
        %dma_wait3A_133 = arith.constant 0 : i32
        %dma_wait3A_134 = tpu.memref_slice %arg9[%mul3A_121, %dma_wait3A_133] : memref<10000x128xf32, #tpu.memory_space<vmem_shared>> -> memref<80x128xf32, #tpu.memory_space<vmem_shared>>
        %dma_wait3A_135 = arith.constant 0 : i32
        %dma_wait3A_136 = tpu.memref_slice %arg9[%mul3A_121, %dma_wait3A_135] : memref<10000x128xf32, #tpu.memory_space<vmem_shared>> -> memref<80x128xf32, #tpu.memory_space<vmem_shared>>
        %dma_wait3A_137 = arith.constant 0 : i32
        %dma_wait3A_138 = arith.constant 0 : i32
        %dma_wait3A_139 = tpu.memref_slice %arg8[%dma_wait3A_137, %dma_wait3A_138] : memref<80x128xf32, #tpu.memory_space<vmem>> -> memref<80x128xf32, #tpu.memory_space<vmem>>
        tpu.wait_dma2 semaphore(%run_scoped3A : memref<!tpu.dma_semaphore, #tpu.memory_space<semaphore_mem>>) src(%dma_wait3A_139 : memref<80x128xf32, #tpu.memory_space<vmem>>) dst(%dma_wait3A_136 : memref<80x128xf32, #tpu.memory_space<vmem_shared>>)
        tpu.yield
      }) : () -> ()
    } else {
    }
    %add3A_44 = arith.constant 96 : i32
    %add3A_45 = arith.addi %arg1, %add3A_44 : i32
    %lt3A_46 = arith.constant 125 : i32
    %lt3A_47 = arith.cmpi slt, %add3A_45, %lt3A_46 : i32
    %convert_element_type3A_48 = arith.extui %lt3A_47 : i1 to i32
    %cond3A_49 = arith.constant 0 : i32
    %cond3A_50 = arith.cmpi ne, %convert_element_type3A_48, %cond3A_49 : i32
    scf.if %cond3A_50 {
      %mul3A_120 = arith.constant 80 : i32
      %mul3A_121 = arith.muli %add3A_45, %mul3A_120 : i32
      "tpu.region"() ({
        %run_scoped3A = tpu.sem_alloc : memref<!tpu.dma_semaphore, #tpu.memory_space<semaphore_mem>>
        %dma_start3A = arith.constant 0 : i32
        %dma_start3A_122 = arith.constant 0 : i32
        %dma_start3A_123 = tpu.memref_slice %arg8[%dma_start3A, %dma_start3A_122] : memref<80x128xf32, #tpu.memory_space<vmem>> -> memref<80x128xf32, #tpu.memory_space<vmem>>
        %dma_start3A_124 = arith.constant 0 : i32
        %dma_start3A_125 = tpu.memref_slice %arg9[%mul3A_121, %dma_start3A_124] : memref<10000x128xf32, #tpu.memory_space<vmem_shared>> -> memref<80x128xf32, #tpu.memory_space<vmem_shared>>
        %dma_start3A_126 = arith.constant 0 : i32
        %dma_start3A_127 = tpu.memref_slice %arg9[%mul3A_121, %dma_start3A_126] : memref<10000x128xf32, #tpu.memory_space<vmem_shared>> -> memref<80x128xf32, #tpu.memory_space<vmem_shared>>
        %dma_start3A_128 = arith.constant 0 : i32
        %dma_start3A_129 = arith.constant 0 : i32
        %dma_start3A_130 = tpu.memref_slice %arg8[%dma_start3A_128, %dma_start3A_129] : memref<80x128xf32, #tpu.memory_space<vmem>> -> memref<80x128xf32, #tpu.memory_space<vmem>>
        tpu.enqueue_dma source(%dma_start3A_130 : memref<80x128xf32, #tpu.memory_space<vmem>>) target(%dma_start3A_127 : memref<80x128xf32, #tpu.memory_space<vmem_shared>>) target_semaphore(%run_scoped3A : memref<!tpu.dma_semaphore, #tpu.memory_space<semaphore_mem>>)
        %dma_wait3A = arith.constant 0 : i32
        %dma_wait3A_131 = arith.constant 0 : i32
        %dma_wait3A_132 = tpu.memref_slice %arg8[%dma_wait3A, %dma_wait3A_131] : memref<80x128xf32, #tpu.memory_space<vmem>> -> memref<80x128xf32, #tpu.memory_space<vmem>>
        %dma_wait3A_133 = arith.constant 0 : i32
        %dma_wait3A_134 = tpu.memref_slice %arg9[%mul3A_121, %dma_wait3A_133] : memref<10000x128xf32, #tpu.memory_space<vmem_shared>> -> memref<80x128xf32, #tpu.memory_space<vmem_shared>>
        %dma_wait3A_135 = arith.constant 0 : i32
        %dma_wait3A_136 = tpu.memref_slice %arg9[%mul3A_121, %dma_wait3A_135] : memref<10000x128xf32, #tpu.memory_space<vmem_shared>> -> memref<80x128xf32, #tpu.memory_space<vmem_shared>>
        %dma_wait3A_137 = arith.constant 0 : i32
        %dma_wait3A_138 = arith.constant 0 : i32
        %dma_wait3A_139 = tpu.memref_slice %arg8[%dma_wait3A_137, %dma_wait3A_138] : memref<80x128xf32, #tpu.memory_space<vmem>> -> memref<80x128xf32, #tpu.memory_space<vmem>>
        tpu.wait_dma2 semaphore(%run_scoped3A : memref<!tpu.dma_semaphore, #tpu.memory_space<semaphore_mem>>) src(%dma_wait3A_139 : memref<80x128xf32, #tpu.memory_space<vmem>>) dst(%dma_wait3A_136 : memref<80x128xf32, #tpu.memory_space<vmem_shared>>)
        tpu.yield
      }) : () -> ()
    } else {
    }
    %add3A_51 = arith.constant 112 : i32
    %add3A_52 = arith.addi %arg1, %add3A_51 : i32
    %lt3A_53 = arith.constant 125 : i32
    %lt3A_54 = arith.cmpi slt, %add3A_52, %lt3A_53 : i32
    %convert_element_type3A_55 = arith.extui %lt3A_54 : i1 to i32
    %cond3A_56 = arith.constant 0 : i32
    %cond3A_57 = arith.cmpi ne, %convert_element_type3A_55, %cond3A_56 : i32
    scf.if %cond3A_57 {
      %mul3A_120 = arith.constant 80 : i32
      %mul3A_121 = arith.muli %add3A_52, %mul3A_120 : i32
      "tpu.region"() ({
        %run_scoped3A = tpu.sem_alloc : memref<!tpu.dma_semaphore, #tpu.memory_space<semaphore_mem>>
        %dma_start3A = arith.constant 0 : i32
        %dma_start3A_122 = arith.constant 0 : i32
        %dma_start3A_123 = tpu.memref_slice %arg8[%dma_start3A, %dma_start3A_122] : memref<80x128xf32, #tpu.memory_space<vmem>> -> memref<80x128xf32, #tpu.memory_space<vmem>>
        %dma_start3A_124 = arith.constant 0 : i32
        %dma_start3A_125 = tpu.memref_slice %arg9[%mul3A_121, %dma_start3A_124] : memref<10000x128xf32, #tpu.memory_space<vmem_shared>> -> memref<80x128xf32, #tpu.memory_space<vmem_shared>>
        %dma_start3A_126 = arith.constant 0 : i32
        %dma_start3A_127 = tpu.memref_slice %arg9[%mul3A_121, %dma_start3A_126] : memref<10000x128xf32, #tpu.memory_space<vmem_shared>> -> memref<80x128xf32, #tpu.memory_space<vmem_shared>>
        %dma_start3A_128 = arith.constant 0 : i32
        %dma_start3A_129 = arith.constant 0 : i32
        %dma_start3A_130 = tpu.memref_slice %arg8[%dma_start3A_128, %dma_start3A_129] : memref<80x128xf32, #tpu.memory_space<vmem>> -> memref<80x128xf32, #tpu.memory_space<vmem>>
        tpu.enqueue_dma source(%dma_start3A_130 : memref<80x128xf32, #tpu.memory_space<vmem>>) target(%dma_start3A_127 : memref<80x128xf32, #tpu.memory_space<vmem_shared>>) target_semaphore(%run_scoped3A : memref<!tpu.dma_semaphore, #tpu.memory_space<semaphore_mem>>)
        %dma_wait3A = arith.constant 0 : i32
        %dma_wait3A_131 = arith.constant 0 : i32
        %dma_wait3A_132 = tpu.memref_slice %arg8[%dma_wait3A, %dma_wait3A_131] : memref<80x128xf32, #tpu.memory_space<vmem>> -> memref<80x128xf32, #tpu.memory_space<vmem>>
        %dma_wait3A_133 = arith.constant 0 : i32
        %dma_wait3A_134 = tpu.memref_slice %arg9[%mul3A_121, %dma_wait3A_133] : memref<10000x128xf32, #tpu.memory_space<vmem_shared>> -> memref<80x128xf32, #tpu.memory_space<vmem_shared>>
        %dma_wait3A_135 = arith.constant 0 : i32
        %dma_wait3A_136 = tpu.memref_slice %arg9[%mul3A_121, %dma_wait3A_135] : memref<10000x128xf32, #tpu.memory_space<vmem_shared>> -> memref<80x128xf32, #tpu.memory_space<vmem_shared>>
        %dma_wait3A_137 = arith.constant 0 : i32
        %dma_wait3A_138 = arith.constant 0 : i32
        %dma_wait3A_139 = tpu.memref_slice %arg8[%dma_wait3A_137, %dma_wait3A_138] : memref<80x128xf32, #tpu.memory_space<vmem>> -> memref<80x128xf32, #tpu.memory_space<vmem>>
        tpu.wait_dma2 semaphore(%run_scoped3A : memref<!tpu.dma_semaphore, #tpu.memory_space<semaphore_mem>>) src(%dma_wait3A_139 : memref<80x128xf32, #tpu.memory_space<vmem>>) dst(%dma_wait3A_136 : memref<80x128xf32, #tpu.memory_space<vmem_shared>>)
        tpu.yield
      }) : () -> ()
    } else {
    }
    %barrier3A = arith.constant 0 : index
    tpu.barrier barrier_id(%barrier3A)
    "tpu.region"() ({
      %run_scoped3A = tpu.sem_alloc : memref<!tpu.dma_semaphore, #tpu.memory_space<semaphore_mem>>
      %dma_start3A = arith.constant 0 : i32
      %dma_start3A_120 = arith.constant 0 : i32
      %dma_start3A_121 = tpu.memref_slice %arg3[%add3A, %dma_start3A, %dma_start3A_120] : memref<32x125x80xi32, #tpu.memory_space<hbm>> -> memref<1x125x80xi32, #tpu.memory_space<hbm>>
      %dma_start3A_122 = tpu.memref_squeeze %dma_start3A_121 : memref<1x125x80xi32, #tpu.memory_space<hbm>> -> memref<125x80xi32, #tpu.memory_space<hbm>>
      %dma_start3A_123 = arith.constant 0 : i32
      %dma_start3A_124 = arith.constant 0 : i32
      %dma_start3A_125 = tpu.memref_slice %arg3[%add3A, %dma_start3A_123, %dma_start3A_124] : memref<32x125x80xi32, #tpu.memory_space<hbm>> -> memref<1x125x80xi32, #tpu.memory_space<hbm>>
      %dma_start3A_126 = tpu.memref_squeeze %dma_start3A_125 : memref<1x125x80xi32, #tpu.memory_space<hbm>> -> memref<125x80xi32, #tpu.memory_space<hbm>>
      tpu.enqueue_dma source(%dma_start3A_126 : memref<125x80xi32, #tpu.memory_space<hbm>>) target(%arg6 : memref<125x80xi32, #tpu.memory_space<vmem>>) target_semaphore(%run_scoped3A : memref<!tpu.dma_semaphore, #tpu.memory_space<semaphore_mem>>)
      %dma_wait3A = arith.constant 0 : i32
      %dma_wait3A_127 = arith.constant 0 : i32
      %dma_wait3A_128 = tpu.memref_slice %arg3[%add3A, %dma_wait3A, %dma_wait3A_127] : memref<32x125x80xi32, #tpu.memory_space<hbm>> -> memref<1x125x80xi32, #tpu.memory_space<hbm>>
      %dma_wait3A_129 = tpu.memref_squeeze %dma_wait3A_128 : memref<1x125x80xi32, #tpu.memory_space<hbm>> -> memref<125x80xi32, #tpu.memory_space<hbm>>
      %dma_wait3A_130 = arith.constant 0 : i32
      %dma_wait3A_131 = arith.constant 0 : i32
      %dma_wait3A_132 = tpu.memref_slice %arg3[%add3A, %dma_wait3A_130, %dma_wait3A_131] : memref<32x125x80xi32, #tpu.memory_space<hbm>> -> memref<1x125x80xi32, #tpu.memory_space<hbm>>
      %dma_wait3A_133 = tpu.memref_squeeze %dma_wait3A_132 : memref<1x125x80xi32, #tpu.memory_space<hbm>> -> memref<125x80xi32, #tpu.memory_space<hbm>>
      tpu.wait_dma2 semaphore(%run_scoped3A : memref<!tpu.dma_semaphore, #tpu.memory_space<semaphore_mem>>) src(%dma_wait3A_133 : memref<125x80xi32, #tpu.memory_space<hbm>>) dst(%arg6 : memref<125x80xi32, #tpu.memory_space<vmem>>)
      tpu.yield
    }) : () -> ()
    "tpu.region"() ({
      %run_scoped3A = tpu.sem_alloc : memref<!tpu.dma_semaphore, #tpu.memory_space<semaphore_mem>>
      %dma_start3A = arith.constant 0 : i32
      %dma_start3A_120 = arith.constant 0 : i32
      %dma_start3A_121 = tpu.memref_slice %arg4[%add3A, %dma_start3A, %dma_start3A_120] : memref<32x125x80xi32, #tpu.memory_space<hbm>> -> memref<1x125x80xi32, #tpu.memory_space<hbm>>
      %dma_start3A_122 = tpu.memref_squeeze %dma_start3A_121 : memref<1x125x80xi32, #tpu.memory_space<hbm>> -> memref<125x80xi32, #tpu.memory_space<hbm>>
      %dma_start3A_123 = arith.constant 0 : i32
      %dma_start3A_124 = arith.constant 0 : i32
      %dma_start3A_125 = tpu.memref_slice %arg4[%add3A, %dma_start3A_123, %dma_start3A_124] : memref<32x125x80xi32, #tpu.memory_space<hbm>> -> memref<1x125x80xi32, #tpu.memory_space<hbm>>
      %dma_start3A_126 = tpu.memref_squeeze %dma_start3A_125 : memref<1x125x80xi32, #tpu.memory_space<hbm>> -> memref<125x80xi32, #tpu.memory_space<hbm>>
      tpu.enqueue_dma source(%dma_start3A_126 : memref<125x80xi32, #tpu.memory_space<hbm>>) target(%arg7 : memref<125x80xi32, #tpu.memory_space<vmem>>) target_semaphore(%run_scoped3A : memref<!tpu.dma_semaphore, #tpu.memory_space<semaphore_mem>>)
      %dma_wait3A = arith.constant 0 : i32
      %dma_wait3A_127 = arith.constant 0 : i32
      %dma_wait3A_128 = tpu.memref_slice %arg4[%add3A, %dma_wait3A, %dma_wait3A_127] : memref<32x125x80xi32, #tpu.memory_space<hbm>> -> memref<1x125x80xi32, #tpu.memory_space<hbm>>
      %dma_wait3A_129 = tpu.memref_squeeze %dma_wait3A_128 : memref<1x125x80xi32, #tpu.memory_space<hbm>> -> memref<125x80xi32, #tpu.memory_space<hbm>>
      %dma_wait3A_130 = arith.constant 0 : i32
      %dma_wait3A_131 = arith.constant 0 : i32
      %dma_wait3A_132 = tpu.memref_slice %arg4[%add3A, %dma_wait3A_130, %dma_wait3A_131] : memref<32x125x80xi32, #tpu.memory_space<hbm>> -> memref<1x125x80xi32, #tpu.memory_space<hbm>>
      %dma_wait3A_133 = tpu.memref_squeeze %dma_wait3A_132 : memref<1x125x80xi32, #tpu.memory_space<hbm>> -> memref<125x80xi32, #tpu.memory_space<hbm>>
      tpu.wait_dma2 semaphore(%run_scoped3A : memref<!tpu.dma_semaphore, #tpu.memory_space<semaphore_mem>>) src(%dma_wait3A_133 : memref<125x80xi32, #tpu.memory_space<hbm>>) dst(%arg7 : memref<125x80xi32, #tpu.memory_space<vmem>>)
      tpu.yield
    }) : () -> ()
    %scan3A_58 = arith.constant 0 : i32
    %scan3A_59 = arith.constant 125 : i32
    %scan3A_60 = arith.addi %scan3A_58, %scan3A_59 : i32
    %scan3A_61 = arith.constant 1 : i32
    scf.for %scan3A_120 = %scan3A_58 to %scan3A_60 step %scan3A_61  : i32 {
      %mul3A_121 = arith.constant 1 : i32
      %mul3A_122 = arith.muli %scan3A_120, %mul3A_121 : i32
      %add3A_123 = arith.constant 0 : i32
      %add3A_124 = arith.addi %add3A_123, %mul3A_122 : i32
      "tpu.region"() ({
        %run_scoped3A = tpu.sem_alloc : memref<!tpu.dma_semaphore, #tpu.memory_space<semaphore_mem>>
        %dma_start3A = arith.constant 0 : i32
        %dma_start3A_125 = tpu.memref_slice %arg6[%add3A_124, %dma_start3A] : memref<125x80xi32, #tpu.memory_space<vmem>> -> memref<1x80xi32, #tpu.memory_space<vmem>>
        %dma_start3A_126 = tpu.memref_squeeze %dma_start3A_125 : memref<1x80xi32, #tpu.memory_space<vmem>> -> memref<80xi32, #tpu.memory_space<vmem>>
        %dma_start3A_127 = arith.constant 0 : i32
        %dma_start3A_128 = arith.constant 0 : i32
        %dma_start3A_129 = tpu.memref_slice %arg2[%dma_start3A_127, %dma_start3A_128] : memref<10000x128xf32, #tpu.memory_space<hbm>> -> memref<10000x128xf32, #tpu.memory_space<hbm>>
        tpu.enqueue_indirect_dma source(%dma_start3A_129 : memref<10000x128xf32, #tpu.memory_space<hbm>>) target(%arg8 : memref<80x128xf32, #tpu.memory_space<vmem>>) offsets(%dma_start3A_126 : memref<80xi32, #tpu.memory_space<vmem>>) semaphore(%run_scoped3A : memref<!tpu.dma_semaphore, #tpu.memory_space<semaphore_mem>>)
        %dma_wait3A = arith.constant 0 : i32
        %dma_wait3A_130 = tpu.memref_slice %arg6[%add3A_124, %dma_wait3A] : memref<125x80xi32, #tpu.memory_space<vmem>> -> memref<1x80xi32, #tpu.memory_space<vmem>>
        %dma_wait3A_131 = tpu.memref_squeeze %dma_wait3A_130 : memref<1x80xi32, #tpu.memory_space<vmem>> -> memref<80xi32, #tpu.memory_space<vmem>>
        %dma_wait3A_132 = arith.constant 0 : i32
        %dma_wait3A_133 = arith.constant 0 : i32
        %dma_wait3A_134 = tpu.memref_slice %arg2[%dma_wait3A_132, %dma_wait3A_133] : memref<10000x128xf32, #tpu.memory_space<hbm>> -> memref<10000x128xf32, #tpu.memory_space<hbm>>
        tpu.wait_indirect_dma semaphore(%run_scoped3A : memref<!tpu.dma_semaphore, #tpu.memory_space<semaphore_mem>>) src(%dma_wait3A_134 : memref<10000x128xf32, #tpu.memory_space<hbm>>) dst(%arg8 : memref<80x128xf32, #tpu.memory_space<vmem>>)
        tpu.yield
      }) : () -> ()
      "tpu.region"() ({
        %run_scoped3A = tpu.sem_alloc : memref<!tpu.dma_semaphore, #tpu.memory_space<semaphore_mem>>
        %dma_start3A = arith.constant 0 : i32
        %dma_start3A_125 = tpu.memref_slice %arg7[%add3A_124, %dma_start3A] : memref<125x80xi32, #tpu.memory_space<vmem>> -> memref<1x80xi32, #tpu.memory_space<vmem>>
        %dma_start3A_126 = tpu.memref_squeeze %dma_start3A_125 : memref<1x80xi32, #tpu.memory_space<vmem>> -> memref<80xi32, #tpu.memory_space<vmem>>
        %dma_start3A_127 = arith.constant 0 : i32
        %dma_start3A_128 = arith.constant 0 : i32
        %dma_start3A_129 = tpu.memref_slice %arg9[%dma_start3A_127, %dma_start3A_128] : memref<10000x128xf32, #tpu.memory_space<vmem_shared>> -> memref<10000x128xf32, #tpu.memory_space<vmem_shared>>
        tpu.enqueue_indirect_dma source(%arg8 : memref<80x128xf32, #tpu.memory_space<vmem>>) target(%dma_start3A_129 : memref<10000x128xf32, #tpu.memory_space<vmem_shared>>) offsets(%dma_start3A_126 : memref<80xi32, #tpu.memory_space<vmem>>) semaphore(%run_scoped3A : memref<!tpu.dma_semaphore, #tpu.memory_space<semaphore_mem>>) {add = true}
        %dma_wait3A = arith.constant 0 : i32
        %dma_wait3A_130 = tpu.memref_slice %arg7[%add3A_124, %dma_wait3A] : memref<125x80xi32, #tpu.memory_space<vmem>> -> memref<1x80xi32, #tpu.memory_space<vmem>>
        %dma_wait3A_131 = tpu.memref_squeeze %dma_wait3A_130 : memref<1x80xi32, #tpu.memory_space<vmem>> -> memref<80xi32, #tpu.memory_space<vmem>>
        %dma_wait3A_132 = arith.constant 0 : i32
        %dma_wait3A_133 = arith.constant 0 : i32
        %dma_wait3A_134 = tpu.memref_slice %arg9[%dma_wait3A_132, %dma_wait3A_133] : memref<10000x128xf32, #tpu.memory_space<vmem_shared>> -> memref<10000x128xf32, #tpu.memory_space<vmem_shared>>
        tpu.wait_indirect_dma semaphore(%run_scoped3A : memref<!tpu.dma_semaphore, #tpu.memory_space<semaphore_mem>>) src(%arg8 : memref<80x128xf32, #tpu.memory_space<vmem>>) dst(%dma_wait3A_134 : memref<10000x128xf32, #tpu.memory_space<vmem_shared>>)
        tpu.yield
      }) : () -> ()
    }
    %scan3A_62 = arith.constant 125 : i32
    %barrier3A_63 = arith.constant 0 : index
    tpu.barrier barrier_id(%barrier3A_63)
    %add3A_64 = arith.constant 0 : i32
    %add3A_65 = arith.addi %arg1, %add3A_64 : i32
    %lt3A_66 = arith.constant 125 : i32
    %lt3A_67 = arith.cmpi slt, %add3A_65, %lt3A_66 : i32
    %convert_element_type3A_68 = arith.extui %lt3A_67 : i1 to i32
    %cond3A_69 = arith.constant 0 : i32
    %cond3A_70 = arith.cmpi ne, %convert_element_type3A_68, %cond3A_69 : i32
    scf.if %cond3A_70 {
      %mul3A_120 = arith.constant 80 : i32
      %mul3A_121 = arith.muli %add3A_65, %mul3A_120 : i32
      %mul3A_122 = arith.constant 80 : i32
      %mul3A_123 = arith.muli %add3A_65, %mul3A_122 : i32
      "tpu.region"() ({
        %run_scoped3A = tpu.sem_alloc : memref<!tpu.dma_semaphore, #tpu.memory_space<semaphore_mem>>
        %dma_start3A = arith.constant 0 : i32
        %dma_start3A_124 = arith.constant 0 : i32
        %dma_start3A_125 = tpu.memref_slice %arg5[%arg0, %dma_start3A, %dma_start3A_124] : memref<2x10000x128xf32, #tpu.memory_space<hbm>> -> memref<1x10000x128xf32, #tpu.memory_space<hbm>>
        %dma_start3A_126 = tpu.memref_squeeze %dma_start3A_125 : memref<1x10000x128xf32, #tpu.memory_space<hbm>> -> memref<10000x128xf32, #tpu.memory_space<hbm>>
        %dma_start3A_127 = arith.constant 0 : i32
        %dma_start3A_128 = tpu.memref_slice %dma_start3A_126[%mul3A_123, %dma_start3A_127] : memref<10000x128xf32, #tpu.memory_space<hbm>> -> memref<80x128xf32, #tpu.memory_space<hbm>>
        %dma_start3A_129 = arith.constant 0 : i32
        %dma_start3A_130 = tpu.memref_slice %arg9[%mul3A_121, %dma_start3A_129] : memref<10000x128xf32, #tpu.memory_space<vmem_shared>> -> memref<80x128xf32, #tpu.memory_space<vmem_shared>>
        tpu.enqueue_dma source(%dma_start3A_130 : memref<80x128xf32, #tpu.memory_space<vmem_shared>>) target(%dma_start3A_128 : memref<80x128xf32, #tpu.memory_space<hbm>>) target_semaphore(%run_scoped3A : memref<!tpu.dma_semaphore, #tpu.memory_space<semaphore_mem>>)
        %dma_wait3A = arith.constant 0 : i32
        %dma_wait3A_131 = arith.constant 0 : i32
        %dma_wait3A_132 = tpu.memref_slice %arg5[%arg0, %dma_wait3A, %dma_wait3A_131] : memref<2x10000x128xf32, #tpu.memory_space<hbm>> -> memref<1x10000x128xf32, #tpu.memory_space<hbm>>
        %dma_wait3A_133 = tpu.memref_squeeze %dma_wait3A_132 : memref<1x10000x128xf32, #tpu.memory_space<hbm>> -> memref<10000x128xf32, #tpu.memory_space<hbm>>
        %dma_wait3A_134 = arith.constant 0 : i32
        %dma_wait3A_135 = tpu.memref_slice %dma_wait3A_133[%mul3A_123, %dma_wait3A_134] : memref<10000x128xf32, #tpu.memory_space<hbm>> -> memref<80x128xf32, #tpu.memory_space<hbm>>
        %dma_wait3A_136 = arith.constant 0 : i32
        %dma_wait3A_137 = tpu.memref_slice %arg9[%mul3A_121, %dma_wait3A_136] : memref<10000x128xf32, #tpu.memory_space<vmem_shared>> -> memref<80x128xf32, #tpu.memory_space<vmem_shared>>
        tpu.wait_dma2 semaphore(%run_scoped3A : memref<!tpu.dma_semaphore, #tpu.memory_space<semaphore_mem>>) src(%dma_wait3A_137 : memref<80x128xf32, #tpu.memory_space<vmem_shared>>) dst(%dma_wait3A_135 : memref<80x128xf32, #tpu.memory_space<hbm>>)
        tpu.yield
      }) : () -> ()
    } else {
    }
    %add3A_71 = arith.constant 16 : i32
    %add3A_72 = arith.addi %arg1, %add3A_71 : i32
    %lt3A_73 = arith.constant 125 : i32
    %lt3A_74 = arith.cmpi slt, %add3A_72, %lt3A_73 : i32
    %convert_element_type3A_75 = arith.extui %lt3A_74 : i1 to i32
    %cond3A_76 = arith.constant 0 : i32
    %cond3A_77 = arith.cmpi ne, %convert_element_type3A_75, %cond3A_76 : i32
    scf.if %cond3A_77 {
      %mul3A_120 = arith.constant 80 : i32
      %mul3A_121 = arith.muli %add3A_72, %mul3A_120 : i32
      %mul3A_122 = arith.constant 80 : i32
      %mul3A_123 = arith.muli %add3A_72, %mul3A_122 : i32
      "tpu.region"() ({
        %run_scoped3A = tpu.sem_alloc : memref<!tpu.dma_semaphore, #tpu.memory_space<semaphore_mem>>
        %dma_start3A = arith.constant 0 : i32
        %dma_start3A_124 = arith.constant 0 : i32
        %dma_start3A_125 = tpu.memref_slice %arg5[%arg0, %dma_start3A, %dma_start3A_124] : memref<2x10000x128xf32, #tpu.memory_space<hbm>> -> memref<1x10000x128xf32, #tpu.memory_space<hbm>>
        %dma_start3A_126 = tpu.memref_squeeze %dma_start3A_125 : memref<1x10000x128xf32, #tpu.memory_space<hbm>> -> memref<10000x128xf32, #tpu.memory_space<hbm>>
        %dma_start3A_127 = arith.constant 0 : i32
        %dma_start3A_128 = tpu.memref_slice %dma_start3A_126[%mul3A_123, %dma_start3A_127] : memref<10000x128xf32, #tpu.memory_space<hbm>> -> memref<80x128xf32, #tpu.memory_space<hbm>>
        %dma_start3A_129 = arith.constant 0 : i32
        %dma_start3A_130 = tpu.memref_slice %arg9[%mul3A_121, %dma_start3A_129] : memref<10000x128xf32, #tpu.memory_space<vmem_shared>> -> memref<80x128xf32, #tpu.memory_space<vmem_shared>>
        tpu.enqueue_dma source(%dma_start3A_130 : memref<80x128xf32, #tpu.memory_space<vmem_shared>>) target(%dma_start3A_128 : memref<80x128xf32, #tpu.memory_space<hbm>>) target_semaphore(%run_scoped3A : memref<!tpu.dma_semaphore, #tpu.memory_space<semaphore_mem>>)
        %dma_wait3A = arith.constant 0 : i32
        %dma_wait3A_131 = arith.constant 0 : i32
        %dma_wait3A_132 = tpu.memref_slice %arg5[%arg0, %dma_wait3A, %dma_wait3A_131] : memref<2x10000x128xf32, #tpu.memory_space<hbm>> -> memref<1x10000x128xf32, #tpu.memory_space<hbm>>
        %dma_wait3A_133 = tpu.memref_squeeze %dma_wait3A_132 : memref<1x10000x128xf32, #tpu.memory_space<hbm>> -> memref<10000x128xf32, #tpu.memory_space<hbm>>
        %dma_wait3A_134 = arith.constant 0 : i32
        %dma_wait3A_135 = tpu.memref_slice %dma_wait3A_133[%mul3A_123, %dma_wait3A_134] : memref<10000x128xf32, #tpu.memory_space<hbm>> -> memref<80x128xf32, #tpu.memory_space<hbm>>
        %dma_wait3A_136 = arith.constant 0 : i32
        %dma_wait3A_137 = tpu.memref_slice %arg9[%mul3A_121, %dma_wait3A_136] : memref<10000x128xf32, #tpu.memory_space<vmem_shared>> -> memref<80x128xf32, #tpu.memory_space<vmem_shared>>
        tpu.wait_dma2 semaphore(%run_scoped3A : memref<!tpu.dma_semaphore, #tpu.memory_space<semaphore_mem>>) src(%dma_wait3A_137 : memref<80x128xf32, #tpu.memory_space<vmem_shared>>) dst(%dma_wait3A_135 : memref<80x128xf32, #tpu.memory_space<hbm>>)
        tpu.yield
      }) : () -> ()
    } else {
    }
    %add3A_78 = arith.constant 32 : i32
    %add3A_79 = arith.addi %arg1, %add3A_78 : i32
    %lt3A_80 = arith.constant 125 : i32
    %lt3A_81 = arith.cmpi slt, %add3A_79, %lt3A_80 : i32
    %convert_element_type3A_82 = arith.extui %lt3A_81 : i1 to i32
    %cond3A_83 = arith.constant 0 : i32
    %cond3A_84 = arith.cmpi ne, %convert_element_type3A_82, %cond3A_83 : i32
    scf.if %cond3A_84 {
      %mul3A_120 = arith.constant 80 : i32
      %mul3A_121 = arith.muli %add3A_79, %mul3A_120 : i32
      %mul3A_122 = arith.constant 80 : i32
      %mul3A_123 = arith.muli %add3A_79, %mul3A_122 : i32
      "tpu.region"() ({
        %run_scoped3A = tpu.sem_alloc : memref<!tpu.dma_semaphore, #tpu.memory_space<semaphore_mem>>
        %dma_start3A = arith.constant 0 : i32
        %dma_start3A_124 = arith.constant 0 : i32
        %dma_start3A_125 = tpu.memref_slice %arg5[%arg0, %dma_start3A, %dma_start3A_124] : memref<2x10000x128xf32, #tpu.memory_space<hbm>> -> memref<1x10000x128xf32, #tpu.memory_space<hbm>>
        %dma_start3A_126 = tpu.memref_squeeze %dma_start3A_125 : memref<1x10000x128xf32, #tpu.memory_space<hbm>> -> memref<10000x128xf32, #tpu.memory_space<hbm>>
        %dma_start3A_127 = arith.constant 0 : i32
        %dma_start3A_128 = tpu.memref_slice %dma_start3A_126[%mul3A_123, %dma_start3A_127] : memref<10000x128xf32, #tpu.memory_space<hbm>> -> memref<80x128xf32, #tpu.memory_space<hbm>>
        %dma_start3A_129 = arith.constant 0 : i32
        %dma_start3A_130 = tpu.memref_slice %arg9[%mul3A_121, %dma_start3A_129] : memref<10000x128xf32, #tpu.memory_space<vmem_shared>> -> memref<80x128xf32, #tpu.memory_space<vmem_shared>>
        tpu.enqueue_dma source(%dma_start3A_130 : memref<80x128xf32, #tpu.memory_space<vmem_shared>>) target(%dma_start3A_128 : memref<80x128xf32, #tpu.memory_space<hbm>>) target_semaphore(%run_scoped3A : memref<!tpu.dma_semaphore, #tpu.memory_space<semaphore_mem>>)
        %dma_wait3A = arith.constant 0 : i32
        %dma_wait3A_131 = arith.constant 0 : i32
        %dma_wait3A_132 = tpu.memref_slice %arg5[%arg0, %dma_wait3A, %dma_wait3A_131] : memref<2x10000x128xf32, #tpu.memory_space<hbm>> -> memref<1x10000x128xf32, #tpu.memory_space<hbm>>
        %dma_wait3A_133 = tpu.memref_squeeze %dma_wait3A_132 : memref<1x10000x128xf32, #tpu.memory_space<hbm>> -> memref<10000x128xf32, #tpu.memory_space<hbm>>
        %dma_wait3A_134 = arith.constant 0 : i32
        %dma_wait3A_135 = tpu.memref_slice %dma_wait3A_133[%mul3A_123, %dma_wait3A_134] : memref<10000x128xf32, #tpu.memory_space<hbm>> -> memref<80x128xf32, #tpu.memory_space<hbm>>
        %dma_wait3A_136 = arith.constant 0 : i32
        %dma_wait3A_137 = tpu.memref_slice %arg9[%mul3A_121, %dma_wait3A_136] : memref<10000x128xf32, #tpu.memory_space<vmem_shared>> -> memref<80x128xf32, #tpu.memory_space<vmem_shared>>
        tpu.wait_dma2 semaphore(%run_scoped3A : memref<!tpu.dma_semaphore, #tpu.memory_space<semaphore_mem>>) src(%dma_wait3A_137 : memref<80x128xf32, #tpu.memory_space<vmem_shared>>) dst(%dma_wait3A_135 : memref<80x128xf32, #tpu.memory_space<hbm>>)
        tpu.yield
      }) : () -> ()
    } else {
    }
    %add3A_85 = arith.constant 48 : i32
    %add3A_86 = arith.addi %arg1, %add3A_85 : i32
    %lt3A_87 = arith.constant 125 : i32
    %lt3A_88 = arith.cmpi slt, %add3A_86, %lt3A_87 : i32
    %convert_element_type3A_89 = arith.extui %lt3A_88 : i1 to i32
    %cond3A_90 = arith.constant 0 : i32
    %cond3A_91 = arith.cmpi ne, %convert_element_type3A_89, %cond3A_90 : i32
    scf.if %cond3A_91 {
      %mul3A_120 = arith.constant 80 : i32
      %mul3A_121 = arith.muli %add3A_86, %mul3A_120 : i32
      %mul3A_122 = arith.constant 80 : i32
      %mul3A_123 = arith.muli %add3A_86, %mul3A_122 : i32
      "tpu.region"() ({
        %run_scoped3A = tpu.sem_alloc : memref<!tpu.dma_semaphore, #tpu.memory_space<semaphore_mem>>
        %dma_start3A = arith.constant 0 : i32
        %dma_start3A_124 = arith.constant 0 : i32
        %dma_start3A_125 = tpu.memref_slice %arg5[%arg0, %dma_start3A, %dma_start3A_124] : memref<2x10000x128xf32, #tpu.memory_space<hbm>> -> memref<1x10000x128xf32, #tpu.memory_space<hbm>>
        %dma_start3A_126 = tpu.memref_squeeze %dma_start3A_125 : memref<1x10000x128xf32, #tpu.memory_space<hbm>> -> memref<10000x128xf32, #tpu.memory_space<hbm>>
        %dma_start3A_127 = arith.constant 0 : i32
        %dma_start3A_128 = tpu.memref_slice %dma_start3A_126[%mul3A_123, %dma_start3A_127] : memref<10000x128xf32, #tpu.memory_space<hbm>> -> memref<80x128xf32, #tpu.memory_space<hbm>>
        %dma_start3A_129 = arith.constant 0 : i32
        %dma_start3A_130 = tpu.memref_slice %arg9[%mul3A_121, %dma_start3A_129] : memref<10000x128xf32, #tpu.memory_space<vmem_shared>> -> memref<80x128xf32, #tpu.memory_space<vmem_shared>>
        tpu.enqueue_dma source(%dma_start3A_130 : memref<80x128xf32, #tpu.memory_space<vmem_shared>>) target(%dma_start3A_128 : memref<80x128xf32, #tpu.memory_space<hbm>>) target_semaphore(%run_scoped3A : memref<!tpu.dma_semaphore, #tpu.memory_space<semaphore_mem>>)
        %dma_wait3A = arith.constant 0 : i32
        %dma_wait3A_131 = arith.constant 0 : i32
        %dma_wait3A_132 = tpu.memref_slice %arg5[%arg0, %dma_wait3A, %dma_wait3A_131] : memref<2x10000x128xf32, #tpu.memory_space<hbm>> -> memref<1x10000x128xf32, #tpu.memory_space<hbm>>
        %dma_wait3A_133 = tpu.memref_squeeze %dma_wait3A_132 : memref<1x10000x128xf32, #tpu.memory_space<hbm>> -> memref<10000x128xf32, #tpu.memory_space<hbm>>
        %dma_wait3A_134 = arith.constant 0 : i32
        %dma_wait3A_135 = tpu.memref_slice %dma_wait3A_133[%mul3A_123, %dma_wait3A_134] : memref<10000x128xf32, #tpu.memory_space<hbm>> -> memref<80x128xf32, #tpu.memory_space<hbm>>
        %dma_wait3A_136 = arith.constant 0 : i32
        %dma_wait3A_137 = tpu.memref_slice %arg9[%mul3A_121, %dma_wait3A_136] : memref<10000x128xf32, #tpu.memory_space<vmem_shared>> -> memref<80x128xf32, #tpu.memory_space<vmem_shared>>
        tpu.wait_dma2 semaphore(%run_scoped3A : memref<!tpu.dma_semaphore, #tpu.memory_space<semaphore_mem>>) src(%dma_wait3A_137 : memref<80x128xf32, #tpu.memory_space<vmem_shared>>) dst(%dma_wait3A_135 : memref<80x128xf32, #tpu.memory_space<hbm>>)
        tpu.yield
      }) : () -> ()
    } else {
    }
    %add3A_92 = arith.constant 64 : i32
    %add3A_93 = arith.addi %arg1, %add3A_92 : i32
    %lt3A_94 = arith.constant 125 : i32
    %lt3A_95 = arith.cmpi slt, %add3A_93, %lt3A_94 : i32
    %convert_element_type3A_96 = arith.extui %lt3A_95 : i1 to i32
    %cond3A_97 = arith.constant 0 : i32
    %cond3A_98 = arith.cmpi ne, %convert_element_type3A_96, %cond3A_97 : i32
    scf.if %cond3A_98 {
      %mul3A_120 = arith.constant 80 : i32
      %mul3A_121 = arith.muli %add3A_93, %mul3A_120 : i32
      %mul3A_122 = arith.constant 80 : i32
      %mul3A_123 = arith.muli %add3A_93, %mul3A_122 : i32
      "tpu.region"() ({
        %run_scoped3A = tpu.sem_alloc : memref<!tpu.dma_semaphore, #tpu.memory_space<semaphore_mem>>
        %dma_start3A = arith.constant 0 : i32
        %dma_start3A_124 = arith.constant 0 : i32
        %dma_start3A_125 = tpu.memref_slice %arg5[%arg0, %dma_start3A, %dma_start3A_124] : memref<2x10000x128xf32, #tpu.memory_space<hbm>> -> memref<1x10000x128xf32, #tpu.memory_space<hbm>>
        %dma_start3A_126 = tpu.memref_squeeze %dma_start3A_125 : memref<1x10000x128xf32, #tpu.memory_space<hbm>> -> memref<10000x128xf32, #tpu.memory_space<hbm>>
        %dma_start3A_127 = arith.constant 0 : i32
        %dma_start3A_128 = tpu.memref_slice %dma_start3A_126[%mul3A_123, %dma_start3A_127] : memref<10000x128xf32, #tpu.memory_space<hbm>> -> memref<80x128xf32, #tpu.memory_space<hbm>>
        %dma_start3A_129 = arith.constant 0 : i32
        %dma_start3A_130 = tpu.memref_slice %arg9[%mul3A_121, %dma_start3A_129] : memref<10000x128xf32, #tpu.memory_space<vmem_shared>> -> memref<80x128xf32, #tpu.memory_space<vmem_shared>>
        tpu.enqueue_dma source(%dma_start3A_130 : memref<80x128xf32, #tpu.memory_space<vmem_shared>>) target(%dma_start3A_128 : memref<80x128xf32, #tpu.memory_space<hbm>>) target_semaphore(%run_scoped3A : memref<!tpu.dma_semaphore, #tpu.memory_space<semaphore_mem>>)
        %dma_wait3A = arith.constant 0 : i32
        %dma_wait3A_131 = arith.constant 0 : i32
        %dma_wait3A_132 = tpu.memref_slice %arg5[%arg0, %dma_wait3A, %dma_wait3A_131] : memref<2x10000x128xf32, #tpu.memory_space<hbm>> -> memref<1x10000x128xf32, #tpu.memory_space<hbm>>
        %dma_wait3A_133 = tpu.memref_squeeze %dma_wait3A_132 : memref<1x10000x128xf32, #tpu.memory_space<hbm>> -> memref<10000x128xf32, #tpu.memory_space<hbm>>
        %dma_wait3A_134 = arith.constant 0 : i32
        %dma_wait3A_135 = tpu.memref_slice %dma_wait3A_133[%mul3A_123, %dma_wait3A_134] : memref<10000x128xf32, #tpu.memory_space<hbm>> -> memref<80x128xf32, #tpu.memory_space<hbm>>
        %dma_wait3A_136 = arith.constant 0 : i32
        %dma_wait3A_137 = tpu.memref_slice %arg9[%mul3A_121, %dma_wait3A_136] : memref<10000x128xf32, #tpu.memory_space<vmem_shared>> -> memref<80x128xf32, #tpu.memory_space<vmem_shared>>
        tpu.wait_dma2 semaphore(%run_scoped3A : memref<!tpu.dma_semaphore, #tpu.memory_space<semaphore_mem>>) src(%dma_wait3A_137 : memref<80x128xf32, #tpu.memory_space<vmem_shared>>) dst(%dma_wait3A_135 : memref<80x128xf32, #tpu.memory_space<hbm>>)
        tpu.yield
      }) : () -> ()
    } else {
    }
    %add3A_99 = arith.constant 80 : i32
    %add3A_100 = arith.addi %arg1, %add3A_99 : i32
    %lt3A_101 = arith.constant 125 : i32
    %lt3A_102 = arith.cmpi slt, %add3A_100, %lt3A_101 : i32
    %convert_element_type3A_103 = arith.extui %lt3A_102 : i1 to i32
    %cond3A_104 = arith.constant 0 : i32
    %cond3A_105 = arith.cmpi ne, %convert_element_type3A_103, %cond3A_104 : i32
    scf.if %cond3A_105 {
      %mul3A_120 = arith.constant 80 : i32
      %mul3A_121 = arith.muli %add3A_100, %mul3A_120 : i32
      %mul3A_122 = arith.constant 80 : i32
      %mul3A_123 = arith.muli %add3A_100, %mul3A_122 : i32
      "tpu.region"() ({
        %run_scoped3A = tpu.sem_alloc : memref<!tpu.dma_semaphore, #tpu.memory_space<semaphore_mem>>
        %dma_start3A = arith.constant 0 : i32
        %dma_start3A_124 = arith.constant 0 : i32
        %dma_start3A_125 = tpu.memref_slice %arg5[%arg0, %dma_start3A, %dma_start3A_124] : memref<2x10000x128xf32, #tpu.memory_space<hbm>> -> memref<1x10000x128xf32, #tpu.memory_space<hbm>>
        %dma_start3A_126 = tpu.memref_squeeze %dma_start3A_125 : memref<1x10000x128xf32, #tpu.memory_space<hbm>> -> memref<10000x128xf32, #tpu.memory_space<hbm>>
        %dma_start3A_127 = arith.constant 0 : i32
        %dma_start3A_128 = tpu.memref_slice %dma_start3A_126[%mul3A_123, %dma_start3A_127] : memref<10000x128xf32, #tpu.memory_space<hbm>> -> memref<80x128xf32, #tpu.memory_space<hbm>>
        %dma_start3A_129 = arith.constant 0 : i32
        %dma_start3A_130 = tpu.memref_slice %arg9[%mul3A_121, %dma_start3A_129] : memref<10000x128xf32, #tpu.memory_space<vmem_shared>> -> memref<80x128xf32, #tpu.memory_space<vmem_shared>>
        tpu.enqueue_dma source(%dma_start3A_130 : memref<80x128xf32, #tpu.memory_space<vmem_shared>>) target(%dma_start3A_128 : memref<80x128xf32, #tpu.memory_space<hbm>>) target_semaphore(%run_scoped3A : memref<!tpu.dma_semaphore, #tpu.memory_space<semaphore_mem>>)
        %dma_wait3A = arith.constant 0 : i32
        %dma_wait3A_131 = arith.constant 0 : i32
        %dma_wait3A_132 = tpu.memref_slice %arg5[%arg0, %dma_wait3A, %dma_wait3A_131] : memref<2x10000x128xf32, #tpu.memory_space<hbm>> -> memref<1x10000x128xf32, #tpu.memory_space<hbm>>
        %dma_wait3A_133 = tpu.memref_squeeze %dma_wait3A_132 : memref<1x10000x128xf32, #tpu.memory_space<hbm>> -> memref<10000x128xf32, #tpu.memory_space<hbm>>
        %dma_wait3A_134 = arith.constant 0 : i32
        %dma_wait3A_135 = tpu.memref_slice %dma_wait3A_133[%mul3A_123, %dma_wait3A_134] : memref<10000x128xf32, #tpu.memory_space<hbm>> -> memref<80x128xf32, #tpu.memory_space<hbm>>
        %dma_wait3A_136 = arith.constant 0 : i32
        %dma_wait3A_137 = tpu.memref_slice %arg9[%mul3A_121, %dma_wait3A_136] : memref<10000x128xf32, #tpu.memory_space<vmem_shared>> -> memref<80x128xf32, #tpu.memory_space<vmem_shared>>
        tpu.wait_dma2 semaphore(%run_scoped3A : memref<!tpu.dma_semaphore, #tpu.memory_space<semaphore_mem>>) src(%dma_wait3A_137 : memref<80x128xf32, #tpu.memory_space<vmem_shared>>) dst(%dma_wait3A_135 : memref<80x128xf32, #tpu.memory_space<hbm>>)
        tpu.yield
      }) : () -> ()
    } else {
    }
    %add3A_106 = arith.constant 96 : i32
    %add3A_107 = arith.addi %arg1, %add3A_106 : i32
    %lt3A_108 = arith.constant 125 : i32
    %lt3A_109 = arith.cmpi slt, %add3A_107, %lt3A_108 : i32
    %convert_element_type3A_110 = arith.extui %lt3A_109 : i1 to i32
    %cond3A_111 = arith.constant 0 : i32
    %cond3A_112 = arith.cmpi ne, %convert_element_type3A_110, %cond3A_111 : i32
    scf.if %cond3A_112 {
      %mul3A_120 = arith.constant 80 : i32
      %mul3A_121 = arith.muli %add3A_107, %mul3A_120 : i32
      %mul3A_122 = arith.constant 80 : i32
      %mul3A_123 = arith.muli %add3A_107, %mul3A_122 : i32
      "tpu.region"() ({
        %run_scoped3A = tpu.sem_alloc : memref<!tpu.dma_semaphore, #tpu.memory_space<semaphore_mem>>
        %dma_start3A = arith.constant 0 : i32
        %dma_start3A_124 = arith.constant 0 : i32
        %dma_start3A_125 = tpu.memref_slice %arg5[%arg0, %dma_start3A, %dma_start3A_124] : memref<2x10000x128xf32, #tpu.memory_space<hbm>> -> memref<1x10000x128xf32, #tpu.memory_space<hbm>>
        %dma_start3A_126 = tpu.memref_squeeze %dma_start3A_125 : memref<1x10000x128xf32, #tpu.memory_space<hbm>> -> memref<10000x128xf32, #tpu.memory_space<hbm>>
        %dma_start3A_127 = arith.constant 0 : i32
        %dma_start3A_128 = tpu.memref_slice %dma_start3A_126[%mul3A_123, %dma_start3A_127] : memref<10000x128xf32, #tpu.memory_space<hbm>> -> memref<80x128xf32, #tpu.memory_space<hbm>>
        %dma_start3A_129 = arith.constant 0 : i32
        %dma_start3A_130 = tpu.memref_slice %arg9[%mul3A_121, %dma_start3A_129] : memref<10000x128xf32, #tpu.memory_space<vmem_shared>> -> memref<80x128xf32, #tpu.memory_space<vmem_shared>>
        tpu.enqueue_dma source(%dma_start3A_130 : memref<80x128xf32, #tpu.memory_space<vmem_shared>>) target(%dma_start3A_128 : memref<80x128xf32, #tpu.memory_space<hbm>>) target_semaphore(%run_scoped3A : memref<!tpu.dma_semaphore, #tpu.memory_space<semaphore_mem>>)
        %dma_wait3A = arith.constant 0 : i32
        %dma_wait3A_131 = arith.constant 0 : i32
        %dma_wait3A_132 = tpu.memref_slice %arg5[%arg0, %dma_wait3A, %dma_wait3A_131] : memref<2x10000x128xf32, #tpu.memory_space<hbm>> -> memref<1x10000x128xf32, #tpu.memory_space<hbm>>
        %dma_wait3A_133 = tpu.memref_squeeze %dma_wait3A_132 : memref<1x10000x128xf32, #tpu.memory_space<hbm>> -> memref<10000x128xf32, #tpu.memory_space<hbm>>
        %dma_wait3A_134 = arith.constant 0 : i32
        %dma_wait3A_135 = tpu.memref_slice %dma_wait3A_133[%mul3A_123, %dma_wait3A_134] : memref<10000x128xf32, #tpu.memory_space<hbm>> -> memref<80x128xf32, #tpu.memory_space<hbm>>
        %dma_wait3A_136 = arith.constant 0 : i32
        %dma_wait3A_137 = tpu.memref_slice %arg9[%mul3A_121, %dma_wait3A_136] : memref<10000x128xf32, #tpu.memory_space<vmem_shared>> -> memref<80x128xf32, #tpu.memory_space<vmem_shared>>
        tpu.wait_dma2 semaphore(%run_scoped3A : memref<!tpu.dma_semaphore, #tpu.memory_space<semaphore_mem>>) src(%dma_wait3A_137 : memref<80x128xf32, #tpu.memory_space<vmem_shared>>) dst(%dma_wait3A_135 : memref<80x128xf32, #tpu.memory_space<hbm>>)
        tpu.yield
      }) : () -> ()
    } else {
    }
    %add3A_113 = arith.constant 112 : i32
    %add3A_114 = arith.addi %arg1, %add3A_113 : i32
    %lt3A_115 = arith.constant 125 : i32
    %lt3A_116 = arith.cmpi slt, %add3A_114, %lt3A_115 : i32
    %convert_element_type3A_117 = arith.extui %lt3A_116 : i1 to i32
    %cond3A_118 = arith.constant 0 : i32
    %cond3A_119 = arith.cmpi ne, %convert_element_type3A_117, %cond3A_118 : i32
    scf.if %cond3A_119 {
      %mul3A_120 = arith.constant 80 : i32
      %mul3A_121 = arith.muli %add3A_114, %mul3A_120 : i32
      %mul3A_122 = arith.constant 80 : i32
      %mul3A_123 = arith.muli %add3A_114, %mul3A_122 : i32
      "tpu.region"() ({
        %run_scoped3A = tpu.sem_alloc : memref<!tpu.dma_semaphore, #tpu.memory_space<semaphore_mem>>
        %dma_start3A = arith.constant 0 : i32
        %dma_start3A_124 = arith.constant 0 : i32
        %dma_start3A_125 = tpu.memref_slice %arg5[%arg0, %dma_start3A, %dma_start3A_124] : memref<2x10000x128xf32, #tpu.memory_space<hbm>> -> memref<1x10000x128xf32, #tpu.memory_space<hbm>>
        %dma_start3A_126 = tpu.memref_squeeze %dma_start3A_125 : memref<1x10000x128xf32, #tpu.memory_space<hbm>> -> memref<10000x128xf32, #tpu.memory_space<hbm>>
        %dma_start3A_127 = arith.constant 0 : i32
        %dma_start3A_128 = tpu.memref_slice %dma_start3A_126[%mul3A_123, %dma_start3A_127] : memref<10000x128xf32, #tpu.memory_space<hbm>> -> memref<80x128xf32, #tpu.memory_space<hbm>>
        %dma_start3A_129 = arith.constant 0 : i32
        %dma_start3A_130 = tpu.memref_slice %arg9[%mul3A_121, %dma_start3A_129] : memref<10000x128xf32, #tpu.memory_space<vmem_shared>> -> memref<80x128xf32, #tpu.memory_space<vmem_shared>>
        tpu.enqueue_dma source(%dma_start3A_130 : memref<80x128xf32, #tpu.memory_space<vmem_shared>>) target(%dma_start3A_128 : memref<80x128xf32, #tpu.memory_space<hbm>>) target_semaphore(%run_scoped3A : memref<!tpu.dma_semaphore, #tpu.memory_space<semaphore_mem>>)
        %dma_wait3A = arith.constant 0 : i32
        %dma_wait3A_131 = arith.constant 0 : i32
        %dma_wait3A_132 = tpu.memref_slice %arg5[%arg0, %dma_wait3A, %dma_wait3A_131] : memref<2x10000x128xf32, #tpu.memory_space<hbm>> -> memref<1x10000x128xf32, #tpu.memory_space<hbm>>
        %dma_wait3A_133 = tpu.memref_squeeze %dma_wait3A_132 : memref<1x10000x128xf32, #tpu.memory_space<hbm>> -> memref<10000x128xf32, #tpu.memory_space<hbm>>
        %dma_wait3A_134 = arith.constant 0 : i32
        %dma_wait3A_135 = tpu.memref_slice %dma_wait3A_133[%mul3A_123, %dma_wait3A_134] : memref<10000x128xf32, #tpu.memory_space<hbm>> -> memref<80x128xf32, #tpu.memory_space<hbm>>
        %dma_wait3A_136 = arith.constant 0 : i32
        %dma_wait3A_137 = tpu.memref_slice %arg9[%mul3A_121, %dma_wait3A_136] : memref<10000x128xf32, #tpu.memory_space<vmem_shared>> -> memref<80x128xf32, #tpu.memory_space<vmem_shared>>
        tpu.wait_dma2 semaphore(%run_scoped3A : memref<!tpu.dma_semaphore, #tpu.memory_space<semaphore_mem>>) src(%dma_wait3A_137 : memref<80x128xf32, #tpu.memory_space<vmem_shared>>) dst(%dma_wait3A_135 : memref<80x128xf32, #tpu.memory_space<hbm>>)
        tpu.yield
      }) : () -> ()
    } else {
    }
    return
  }
}

#map = affine_map<(d0, d1) -> (0, 0, 0)>
module attributes {stable_mosaic.version = 14 : i64} {
  func.func @deg_kernel(%arg0: i32, %arg1: i32, %arg2: memref<32x125x80xi32, #tpu.memory_space<hbm>>, %arg3: memref<2x10000x16xf32, #tpu.memory_space<hbm>>, %arg4: memref<125x80xi32, #tpu.memory_space<vmem>>, %arg5: memref<80x16xf32, #tpu.memory_space<vmem>>, %arg6: memref<80x16xf32, #tpu.memory_space<vmem>>, %arg7: memref<10000x16xf32, #tpu.memory_space<vmem_shared>>) attributes {dimension_semantics = [#tpu.dimension_semantics<core_parallel>, #tpu.dimension_semantics<subcore_parallel>], iteration_bounds = array<i64: 2, 16>, scalar_prefetch = 0 : i64, scratch_operands = 4 : i64, tpu.core_type = #tpu.core_type<sc_vector_subcore>, window_params = [{transform_indices = #map}, {transform_indices = #map}]} {
    %mul3A = arith.constant 16 : i32
    %mul3A_0 = arith.muli %arg0, %mul3A : i32
    %add3A = arith.addi %mul3A_0, %arg1 : i32
    %scan3A = arith.constant 0 : i32
    %scan3A_1 = arith.constant 80 : i32
    %scan3A_2 = arith.addi %scan3A, %scan3A_1 : i32
    %scan3A_3 = arith.constant 1 : i32
    scf.for %scan3A_120 = %scan3A to %scan3A_2 step %scan3A_3  : i32 {
      %mul3A_121 = arith.constant 1 : i32
      %mul3A_122 = arith.muli %scan3A_120, %mul3A_121 : i32
      %add3A_123 = arith.constant 0 : i32
      %add3A_124 = arith.addi %add3A_123, %mul3A_122 : i32
      %broadcast_in_dim3A = arith.constant 1.000000e+00 : f32
      %broadcast_in_dim3A_125 = vector.broadcast %broadcast_in_dim3A : f32 to vector<16xf32>
      %swap3A = arith.index_cast %add3A_124 : i32 to index
      %swap3A_126 = arith.constant 0 : index
      %swap3A_127 = tpu.vector_load %arg5[%swap3A, %swap3A_126] {strides = array<i32>} : memref<80x16xf32, #tpu.memory_space<vmem>>, vector<1x16xf32>,
      %swap3A_128 = vector.shape_cast %swap3A_127 : vector<1x16xf32> to vector<16xf32>
      %swap3A_129 = vector.shape_cast %broadcast_in_dim3A_125 : vector<16xf32> to vector<1x16xf32>
      tpu.vector_store %arg5[%swap3A, %swap3A_126], %swap3A_129 {strides = array<i32>} : memref<80x16xf32, #tpu.memory_space<vmem>>, vector<1x16xf32>,
      %broadcast_in_dim3A_130 = arith.constant 0.000000e+00 : f32
      %broadcast_in_dim3A_131 = vector.broadcast %broadcast_in_dim3A_130 : f32 to vector<16xf32>
      %swap3A_132 = arith.index_cast %add3A_124 : i32 to index
      %swap3A_133 = arith.constant 0 : index
      %swap3A_134 = tpu.vector_load %arg6[%swap3A_132, %swap3A_133] {strides = array<i32>} : memref<80x16xf32, #tpu.memory_space<vmem>>, vector<1x16xf32>,
      %swap3A_135 = vector.shape_cast %swap3A_134 : vector<1x16xf32> to vector<16xf32>
      %swap3A_136 = vector.shape_cast %broadcast_in_dim3A_131 : vector<16xf32> to vector<1x16xf32>
      tpu.vector_store %arg6[%swap3A_132, %swap3A_133], %swap3A_136 {strides = array<i32>} : memref<80x16xf32, #tpu.memory_space<vmem>>, vector<1x16xf32>,
    }
    %scan3A_4 = arith.constant 80 : i32
    %add3A_5 = arith.constant 0 : i32
    %add3A_6 = arith.addi %arg1, %add3A_5 : i32
    %lt3A = arith.constant 125 : i32
    %lt3A_7 = arith.cmpi slt, %add3A_6, %lt3A : i32
    %convert_element_type3A = arith.extui %lt3A_7 : i1 to i32
    %cond3A = arith.constant 0 : i32
    %cond3A_8 = arith.cmpi ne, %convert_element_type3A, %cond3A : i32
    scf.if %cond3A_8 {
      %mul3A_120 = arith.constant 80 : i32
      %mul3A_121 = arith.muli %add3A_6, %mul3A_120 : i32
      "tpu.region"() ({
        %run_scoped3A = tpu.sem_alloc : memref<!tpu.dma_semaphore, #tpu.memory_space<semaphore_mem>>
        %dma_start3A = arith.constant 0 : i32
        %dma_start3A_122 = arith.constant 0 : i32
        %dma_start3A_123 = tpu.memref_slice %arg6[%dma_start3A, %dma_start3A_122] : memref<80x16xf32, #tpu.memory_space<vmem>> -> memref<80x16xf32, #tpu.memory_space<vmem>>
        %dma_start3A_124 = arith.constant 0 : i32
        %dma_start3A_125 = tpu.memref_slice %arg7[%mul3A_121, %dma_start3A_124] : memref<10000x16xf32, #tpu.memory_space<vmem_shared>> -> memref<80x16xf32, #tpu.memory_space<vmem_shared>>
        %dma_start3A_126 = arith.constant 0 : i32
        %dma_start3A_127 = tpu.memref_slice %arg7[%mul3A_121, %dma_start3A_126] : memref<10000x16xf32, #tpu.memory_space<vmem_shared>> -> memref<80x16xf32, #tpu.memory_space<vmem_shared>>
        %dma_start3A_128 = arith.constant 0 : i32
        %dma_start3A_129 = arith.constant 0 : i32
        %dma_start3A_130 = tpu.memref_slice %arg6[%dma_start3A_128, %dma_start3A_129] : memref<80x16xf32, #tpu.memory_space<vmem>> -> memref<80x16xf32, #tpu.memory_space<vmem>>
        tpu.enqueue_dma source(%dma_start3A_130 : memref<80x16xf32, #tpu.memory_space<vmem>>) target(%dma_start3A_127 : memref<80x16xf32, #tpu.memory_space<vmem_shared>>) target_semaphore(%run_scoped3A : memref<!tpu.dma_semaphore, #tpu.memory_space<semaphore_mem>>)
        %dma_wait3A = arith.constant 0 : i32
        %dma_wait3A_131 = arith.constant 0 : i32
        %dma_wait3A_132 = tpu.memref_slice %arg6[%dma_wait3A, %dma_wait3A_131] : memref<80x16xf32, #tpu.memory_space<vmem>> -> memref<80x16xf32, #tpu.memory_space<vmem>>
        %dma_wait3A_133 = arith.constant 0 : i32
        %dma_wait3A_134 = tpu.memref_slice %arg7[%mul3A_121, %dma_wait3A_133] : memref<10000x16xf32, #tpu.memory_space<vmem_shared>> -> memref<80x16xf32, #tpu.memory_space<vmem_shared>>
        %dma_wait3A_135 = arith.constant 0 : i32
        %dma_wait3A_136 = tpu.memref_slice %arg7[%mul3A_121, %dma_wait3A_135] : memref<10000x16xf32, #tpu.memory_space<vmem_shared>> -> memref<80x16xf32, #tpu.memory_space<vmem_shared>>
        %dma_wait3A_137 = arith.constant 0 : i32
        %dma_wait3A_138 = arith.constant 0 : i32
        %dma_wait3A_139 = tpu.memref_slice %arg6[%dma_wait3A_137, %dma_wait3A_138] : memref<80x16xf32, #tpu.memory_space<vmem>> -> memref<80x16xf32, #tpu.memory_space<vmem>>
        tpu.wait_dma2 semaphore(%run_scoped3A : memref<!tpu.dma_semaphore, #tpu.memory_space<semaphore_mem>>) src(%dma_wait3A_139 : memref<80x16xf32, #tpu.memory_space<vmem>>) dst(%dma_wait3A_136 : memref<80x16xf32, #tpu.memory_space<vmem_shared>>)
        tpu.yield
      }) : () -> ()
    } else {
    }
    %add3A_9 = arith.constant 16 : i32
    %add3A_10 = arith.addi %arg1, %add3A_9 : i32
    %lt3A_11 = arith.constant 125 : i32
    %lt3A_12 = arith.cmpi slt, %add3A_10, %lt3A_11 : i32
    %convert_element_type3A_13 = arith.extui %lt3A_12 : i1 to i32
    %cond3A_14 = arith.constant 0 : i32
    %cond3A_15 = arith.cmpi ne, %convert_element_type3A_13, %cond3A_14 : i32
    scf.if %cond3A_15 {
      %mul3A_120 = arith.constant 80 : i32
      %mul3A_121 = arith.muli %add3A_10, %mul3A_120 : i32
      "tpu.region"() ({
        %run_scoped3A = tpu.sem_alloc : memref<!tpu.dma_semaphore, #tpu.memory_space<semaphore_mem>>
        %dma_start3A = arith.constant 0 : i32
        %dma_start3A_122 = arith.constant 0 : i32
        %dma_start3A_123 = tpu.memref_slice %arg6[%dma_start3A, %dma_start3A_122] : memref<80x16xf32, #tpu.memory_space<vmem>> -> memref<80x16xf32, #tpu.memory_space<vmem>>
        %dma_start3A_124 = arith.constant 0 : i32
        %dma_start3A_125 = tpu.memref_slice %arg7[%mul3A_121, %dma_start3A_124] : memref<10000x16xf32, #tpu.memory_space<vmem_shared>> -> memref<80x16xf32, #tpu.memory_space<vmem_shared>>
        %dma_start3A_126 = arith.constant 0 : i32
        %dma_start3A_127 = tpu.memref_slice %arg7[%mul3A_121, %dma_start3A_126] : memref<10000x16xf32, #tpu.memory_space<vmem_shared>> -> memref<80x16xf32, #tpu.memory_space<vmem_shared>>
        %dma_start3A_128 = arith.constant 0 : i32
        %dma_start3A_129 = arith.constant 0 : i32
        %dma_start3A_130 = tpu.memref_slice %arg6[%dma_start3A_128, %dma_start3A_129] : memref<80x16xf32, #tpu.memory_space<vmem>> -> memref<80x16xf32, #tpu.memory_space<vmem>>
        tpu.enqueue_dma source(%dma_start3A_130 : memref<80x16xf32, #tpu.memory_space<vmem>>) target(%dma_start3A_127 : memref<80x16xf32, #tpu.memory_space<vmem_shared>>) target_semaphore(%run_scoped3A : memref<!tpu.dma_semaphore, #tpu.memory_space<semaphore_mem>>)
        %dma_wait3A = arith.constant 0 : i32
        %dma_wait3A_131 = arith.constant 0 : i32
        %dma_wait3A_132 = tpu.memref_slice %arg6[%dma_wait3A, %dma_wait3A_131] : memref<80x16xf32, #tpu.memory_space<vmem>> -> memref<80x16xf32, #tpu.memory_space<vmem>>
        %dma_wait3A_133 = arith.constant 0 : i32
        %dma_wait3A_134 = tpu.memref_slice %arg7[%mul3A_121, %dma_wait3A_133] : memref<10000x16xf32, #tpu.memory_space<vmem_shared>> -> memref<80x16xf32, #tpu.memory_space<vmem_shared>>
        %dma_wait3A_135 = arith.constant 0 : i32
        %dma_wait3A_136 = tpu.memref_slice %arg7[%mul3A_121, %dma_wait3A_135] : memref<10000x16xf32, #tpu.memory_space<vmem_shared>> -> memref<80x16xf32, #tpu.memory_space<vmem_shared>>
        %dma_wait3A_137 = arith.constant 0 : i32
        %dma_wait3A_138 = arith.constant 0 : i32
        %dma_wait3A_139 = tpu.memref_slice %arg6[%dma_wait3A_137, %dma_wait3A_138] : memref<80x16xf32, #tpu.memory_space<vmem>> -> memref<80x16xf32, #tpu.memory_space<vmem>>
        tpu.wait_dma2 semaphore(%run_scoped3A : memref<!tpu.dma_semaphore, #tpu.memory_space<semaphore_mem>>) src(%dma_wait3A_139 : memref<80x16xf32, #tpu.memory_space<vmem>>) dst(%dma_wait3A_136 : memref<80x16xf32, #tpu.memory_space<vmem_shared>>)
        tpu.yield
      }) : () -> ()
    } else {
    }
    %add3A_16 = arith.constant 32 : i32
    %add3A_17 = arith.addi %arg1, %add3A_16 : i32
    %lt3A_18 = arith.constant 125 : i32
    %lt3A_19 = arith.cmpi slt, %add3A_17, %lt3A_18 : i32
    %convert_element_type3A_20 = arith.extui %lt3A_19 : i1 to i32
    %cond3A_21 = arith.constant 0 : i32
    %cond3A_22 = arith.cmpi ne, %convert_element_type3A_20, %cond3A_21 : i32
    scf.if %cond3A_22 {
      %mul3A_120 = arith.constant 80 : i32
      %mul3A_121 = arith.muli %add3A_17, %mul3A_120 : i32
      "tpu.region"() ({
        %run_scoped3A = tpu.sem_alloc : memref<!tpu.dma_semaphore, #tpu.memory_space<semaphore_mem>>
        %dma_start3A = arith.constant 0 : i32
        %dma_start3A_122 = arith.constant 0 : i32
        %dma_start3A_123 = tpu.memref_slice %arg6[%dma_start3A, %dma_start3A_122] : memref<80x16xf32, #tpu.memory_space<vmem>> -> memref<80x16xf32, #tpu.memory_space<vmem>>
        %dma_start3A_124 = arith.constant 0 : i32
        %dma_start3A_125 = tpu.memref_slice %arg7[%mul3A_121, %dma_start3A_124] : memref<10000x16xf32, #tpu.memory_space<vmem_shared>> -> memref<80x16xf32, #tpu.memory_space<vmem_shared>>
        %dma_start3A_126 = arith.constant 0 : i32
        %dma_start3A_127 = tpu.memref_slice %arg7[%mul3A_121, %dma_start3A_126] : memref<10000x16xf32, #tpu.memory_space<vmem_shared>> -> memref<80x16xf32, #tpu.memory_space<vmem_shared>>
        %dma_start3A_128 = arith.constant 0 : i32
        %dma_start3A_129 = arith.constant 0 : i32
        %dma_start3A_130 = tpu.memref_slice %arg6[%dma_start3A_128, %dma_start3A_129] : memref<80x16xf32, #tpu.memory_space<vmem>> -> memref<80x16xf32, #tpu.memory_space<vmem>>
        tpu.enqueue_dma source(%dma_start3A_130 : memref<80x16xf32, #tpu.memory_space<vmem>>) target(%dma_start3A_127 : memref<80x16xf32, #tpu.memory_space<vmem_shared>>) target_semaphore(%run_scoped3A : memref<!tpu.dma_semaphore, #tpu.memory_space<semaphore_mem>>)
        %dma_wait3A = arith.constant 0 : i32
        %dma_wait3A_131 = arith.constant 0 : i32
        %dma_wait3A_132 = tpu.memref_slice %arg6[%dma_wait3A, %dma_wait3A_131] : memref<80x16xf32, #tpu.memory_space<vmem>> -> memref<80x16xf32, #tpu.memory_space<vmem>>
        %dma_wait3A_133 = arith.constant 0 : i32
        %dma_wait3A_134 = tpu.memref_slice %arg7[%mul3A_121, %dma_wait3A_133] : memref<10000x16xf32, #tpu.memory_space<vmem_shared>> -> memref<80x16xf32, #tpu.memory_space<vmem_shared>>
        %dma_wait3A_135 = arith.constant 0 : i32
        %dma_wait3A_136 = tpu.memref_slice %arg7[%mul3A_121, %dma_wait3A_135] : memref<10000x16xf32, #tpu.memory_space<vmem_shared>> -> memref<80x16xf32, #tpu.memory_space<vmem_shared>>
        %dma_wait3A_137 = arith.constant 0 : i32
        %dma_wait3A_138 = arith.constant 0 : i32
        %dma_wait3A_139 = tpu.memref_slice %arg6[%dma_wait3A_137, %dma_wait3A_138] : memref<80x16xf32, #tpu.memory_space<vmem>> -> memref<80x16xf32, #tpu.memory_space<vmem>>
        tpu.wait_dma2 semaphore(%run_scoped3A : memref<!tpu.dma_semaphore, #tpu.memory_space<semaphore_mem>>) src(%dma_wait3A_139 : memref<80x16xf32, #tpu.memory_space<vmem>>) dst(%dma_wait3A_136 : memref<80x16xf32, #tpu.memory_space<vmem_shared>>)
        tpu.yield
      }) : () -> ()
    } else {
    }
    %add3A_23 = arith.constant 48 : i32
    %add3A_24 = arith.addi %arg1, %add3A_23 : i32
    %lt3A_25 = arith.constant 125 : i32
    %lt3A_26 = arith.cmpi slt, %add3A_24, %lt3A_25 : i32
    %convert_element_type3A_27 = arith.extui %lt3A_26 : i1 to i32
    %cond3A_28 = arith.constant 0 : i32
    %cond3A_29 = arith.cmpi ne, %convert_element_type3A_27, %cond3A_28 : i32
    scf.if %cond3A_29 {
      %mul3A_120 = arith.constant 80 : i32
      %mul3A_121 = arith.muli %add3A_24, %mul3A_120 : i32
      "tpu.region"() ({
        %run_scoped3A = tpu.sem_alloc : memref<!tpu.dma_semaphore, #tpu.memory_space<semaphore_mem>>
        %dma_start3A = arith.constant 0 : i32
        %dma_start3A_122 = arith.constant 0 : i32
        %dma_start3A_123 = tpu.memref_slice %arg6[%dma_start3A, %dma_start3A_122] : memref<80x16xf32, #tpu.memory_space<vmem>> -> memref<80x16xf32, #tpu.memory_space<vmem>>
        %dma_start3A_124 = arith.constant 0 : i32
        %dma_start3A_125 = tpu.memref_slice %arg7[%mul3A_121, %dma_start3A_124] : memref<10000x16xf32, #tpu.memory_space<vmem_shared>> -> memref<80x16xf32, #tpu.memory_space<vmem_shared>>
        %dma_start3A_126 = arith.constant 0 : i32
        %dma_start3A_127 = tpu.memref_slice %arg7[%mul3A_121, %dma_start3A_126] : memref<10000x16xf32, #tpu.memory_space<vmem_shared>> -> memref<80x16xf32, #tpu.memory_space<vmem_shared>>
        %dma_start3A_128 = arith.constant 0 : i32
        %dma_start3A_129 = arith.constant 0 : i32
        %dma_start3A_130 = tpu.memref_slice %arg6[%dma_start3A_128, %dma_start3A_129] : memref<80x16xf32, #tpu.memory_space<vmem>> -> memref<80x16xf32, #tpu.memory_space<vmem>>
        tpu.enqueue_dma source(%dma_start3A_130 : memref<80x16xf32, #tpu.memory_space<vmem>>) target(%dma_start3A_127 : memref<80x16xf32, #tpu.memory_space<vmem_shared>>) target_semaphore(%run_scoped3A : memref<!tpu.dma_semaphore, #tpu.memory_space<semaphore_mem>>)
        %dma_wait3A = arith.constant 0 : i32
        %dma_wait3A_131 = arith.constant 0 : i32
        %dma_wait3A_132 = tpu.memref_slice %arg6[%dma_wait3A, %dma_wait3A_131] : memref<80x16xf32, #tpu.memory_space<vmem>> -> memref<80x16xf32, #tpu.memory_space<vmem>>
        %dma_wait3A_133 = arith.constant 0 : i32
        %dma_wait3A_134 = tpu.memref_slice %arg7[%mul3A_121, %dma_wait3A_133] : memref<10000x16xf32, #tpu.memory_space<vmem_shared>> -> memref<80x16xf32, #tpu.memory_space<vmem_shared>>
        %dma_wait3A_135 = arith.constant 0 : i32
        %dma_wait3A_136 = tpu.memref_slice %arg7[%mul3A_121, %dma_wait3A_135] : memref<10000x16xf32, #tpu.memory_space<vmem_shared>> -> memref<80x16xf32, #tpu.memory_space<vmem_shared>>
        %dma_wait3A_137 = arith.constant 0 : i32
        %dma_wait3A_138 = arith.constant 0 : i32
        %dma_wait3A_139 = tpu.memref_slice %arg6[%dma_wait3A_137, %dma_wait3A_138] : memref<80x16xf32, #tpu.memory_space<vmem>> -> memref<80x16xf32, #tpu.memory_space<vmem>>
        tpu.wait_dma2 semaphore(%run_scoped3A : memref<!tpu.dma_semaphore, #tpu.memory_space<semaphore_mem>>) src(%dma_wait3A_139 : memref<80x16xf32, #tpu.memory_space<vmem>>) dst(%dma_wait3A_136 : memref<80x16xf32, #tpu.memory_space<vmem_shared>>)
        tpu.yield
      }) : () -> ()
    } else {
    }
    %add3A_30 = arith.constant 64 : i32
    %add3A_31 = arith.addi %arg1, %add3A_30 : i32
    %lt3A_32 = arith.constant 125 : i32
    %lt3A_33 = arith.cmpi slt, %add3A_31, %lt3A_32 : i32
    %convert_element_type3A_34 = arith.extui %lt3A_33 : i1 to i32
    %cond3A_35 = arith.constant 0 : i32
    %cond3A_36 = arith.cmpi ne, %convert_element_type3A_34, %cond3A_35 : i32
    scf.if %cond3A_36 {
      %mul3A_120 = arith.constant 80 : i32
      %mul3A_121 = arith.muli %add3A_31, %mul3A_120 : i32
      "tpu.region"() ({
        %run_scoped3A = tpu.sem_alloc : memref<!tpu.dma_semaphore, #tpu.memory_space<semaphore_mem>>
        %dma_start3A = arith.constant 0 : i32
        %dma_start3A_122 = arith.constant 0 : i32
        %dma_start3A_123 = tpu.memref_slice %arg6[%dma_start3A, %dma_start3A_122] : memref<80x16xf32, #tpu.memory_space<vmem>> -> memref<80x16xf32, #tpu.memory_space<vmem>>
        %dma_start3A_124 = arith.constant 0 : i32
        %dma_start3A_125 = tpu.memref_slice %arg7[%mul3A_121, %dma_start3A_124] : memref<10000x16xf32, #tpu.memory_space<vmem_shared>> -> memref<80x16xf32, #tpu.memory_space<vmem_shared>>
        %dma_start3A_126 = arith.constant 0 : i32
        %dma_start3A_127 = tpu.memref_slice %arg7[%mul3A_121, %dma_start3A_126] : memref<10000x16xf32, #tpu.memory_space<vmem_shared>> -> memref<80x16xf32, #tpu.memory_space<vmem_shared>>
        %dma_start3A_128 = arith.constant 0 : i32
        %dma_start3A_129 = arith.constant 0 : i32
        %dma_start3A_130 = tpu.memref_slice %arg6[%dma_start3A_128, %dma_start3A_129] : memref<80x16xf32, #tpu.memory_space<vmem>> -> memref<80x16xf32, #tpu.memory_space<vmem>>
        tpu.enqueue_dma source(%dma_start3A_130 : memref<80x16xf32, #tpu.memory_space<vmem>>) target(%dma_start3A_127 : memref<80x16xf32, #tpu.memory_space<vmem_shared>>) target_semaphore(%run_scoped3A : memref<!tpu.dma_semaphore, #tpu.memory_space<semaphore_mem>>)
        %dma_wait3A = arith.constant 0 : i32
        %dma_wait3A_131 = arith.constant 0 : i32
        %dma_wait3A_132 = tpu.memref_slice %arg6[%dma_wait3A, %dma_wait3A_131] : memref<80x16xf32, #tpu.memory_space<vmem>> -> memref<80x16xf32, #tpu.memory_space<vmem>>
        %dma_wait3A_133 = arith.constant 0 : i32
        %dma_wait3A_134 = tpu.memref_slice %arg7[%mul3A_121, %dma_wait3A_133] : memref<10000x16xf32, #tpu.memory_space<vmem_shared>> -> memref<80x16xf32, #tpu.memory_space<vmem_shared>>
        %dma_wait3A_135 = arith.constant 0 : i32
        %dma_wait3A_136 = tpu.memref_slice %arg7[%mul3A_121, %dma_wait3A_135] : memref<10000x16xf32, #tpu.memory_space<vmem_shared>> -> memref<80x16xf32, #tpu.memory_space<vmem_shared>>
        %dma_wait3A_137 = arith.constant 0 : i32
        %dma_wait3A_138 = arith.constant 0 : i32
        %dma_wait3A_139 = tpu.memref_slice %arg6[%dma_wait3A_137, %dma_wait3A_138] : memref<80x16xf32, #tpu.memory_space<vmem>> -> memref<80x16xf32, #tpu.memory_space<vmem>>
        tpu.wait_dma2 semaphore(%run_scoped3A : memref<!tpu.dma_semaphore, #tpu.memory_space<semaphore_mem>>) src(%dma_wait3A_139 : memref<80x16xf32, #tpu.memory_space<vmem>>) dst(%dma_wait3A_136 : memref<80x16xf32, #tpu.memory_space<vmem_shared>>)
        tpu.yield
      }) : () -> ()
    } else {
    }
    %add3A_37 = arith.constant 80 : i32
    %add3A_38 = arith.addi %arg1, %add3A_37 : i32
    %lt3A_39 = arith.constant 125 : i32
    %lt3A_40 = arith.cmpi slt, %add3A_38, %lt3A_39 : i32
    %convert_element_type3A_41 = arith.extui %lt3A_40 : i1 to i32
    %cond3A_42 = arith.constant 0 : i32
    %cond3A_43 = arith.cmpi ne, %convert_element_type3A_41, %cond3A_42 : i32
    scf.if %cond3A_43 {
      %mul3A_120 = arith.constant 80 : i32
      %mul3A_121 = arith.muli %add3A_38, %mul3A_120 : i32
      "tpu.region"() ({
        %run_scoped3A = tpu.sem_alloc : memref<!tpu.dma_semaphore, #tpu.memory_space<semaphore_mem>>
        %dma_start3A = arith.constant 0 : i32
        %dma_start3A_122 = arith.constant 0 : i32
        %dma_start3A_123 = tpu.memref_slice %arg6[%dma_start3A, %dma_start3A_122] : memref<80x16xf32, #tpu.memory_space<vmem>> -> memref<80x16xf32, #tpu.memory_space<vmem>>
        %dma_start3A_124 = arith.constant 0 : i32
        %dma_start3A_125 = tpu.memref_slice %arg7[%mul3A_121, %dma_start3A_124] : memref<10000x16xf32, #tpu.memory_space<vmem_shared>> -> memref<80x16xf32, #tpu.memory_space<vmem_shared>>
        %dma_start3A_126 = arith.constant 0 : i32
        %dma_start3A_127 = tpu.memref_slice %arg7[%mul3A_121, %dma_start3A_126] : memref<10000x16xf32, #tpu.memory_space<vmem_shared>> -> memref<80x16xf32, #tpu.memory_space<vmem_shared>>
        %dma_start3A_128 = arith.constant 0 : i32
        %dma_start3A_129 = arith.constant 0 : i32
        %dma_start3A_130 = tpu.memref_slice %arg6[%dma_start3A_128, %dma_start3A_129] : memref<80x16xf32, #tpu.memory_space<vmem>> -> memref<80x16xf32, #tpu.memory_space<vmem>>
        tpu.enqueue_dma source(%dma_start3A_130 : memref<80x16xf32, #tpu.memory_space<vmem>>) target(%dma_start3A_127 : memref<80x16xf32, #tpu.memory_space<vmem_shared>>) target_semaphore(%run_scoped3A : memref<!tpu.dma_semaphore, #tpu.memory_space<semaphore_mem>>)
        %dma_wait3A = arith.constant 0 : i32
        %dma_wait3A_131 = arith.constant 0 : i32
        %dma_wait3A_132 = tpu.memref_slice %arg6[%dma_wait3A, %dma_wait3A_131] : memref<80x16xf32, #tpu.memory_space<vmem>> -> memref<80x16xf32, #tpu.memory_space<vmem>>
        %dma_wait3A_133 = arith.constant 0 : i32
        %dma_wait3A_134 = tpu.memref_slice %arg7[%mul3A_121, %dma_wait3A_133] : memref<10000x16xf32, #tpu.memory_space<vmem_shared>> -> memref<80x16xf32, #tpu.memory_space<vmem_shared>>
        %dma_wait3A_135 = arith.constant 0 : i32
        %dma_wait3A_136 = tpu.memref_slice %arg7[%mul3A_121, %dma_wait3A_135] : memref<10000x16xf32, #tpu.memory_space<vmem_shared>> -> memref<80x16xf32, #tpu.memory_space<vmem_shared>>
        %dma_wait3A_137 = arith.constant 0 : i32
        %dma_wait3A_138 = arith.constant 0 : i32
        %dma_wait3A_139 = tpu.memref_slice %arg6[%dma_wait3A_137, %dma_wait3A_138] : memref<80x16xf32, #tpu.memory_space<vmem>> -> memref<80x16xf32, #tpu.memory_space<vmem>>
        tpu.wait_dma2 semaphore(%run_scoped3A : memref<!tpu.dma_semaphore, #tpu.memory_space<semaphore_mem>>) src(%dma_wait3A_139 : memref<80x16xf32, #tpu.memory_space<vmem>>) dst(%dma_wait3A_136 : memref<80x16xf32, #tpu.memory_space<vmem_shared>>)
        tpu.yield
      }) : () -> ()
    } else {
    }
    %add3A_44 = arith.constant 96 : i32
    %add3A_45 = arith.addi %arg1, %add3A_44 : i32
    %lt3A_46 = arith.constant 125 : i32
    %lt3A_47 = arith.cmpi slt, %add3A_45, %lt3A_46 : i32
    %convert_element_type3A_48 = arith.extui %lt3A_47 : i1 to i32
    %cond3A_49 = arith.constant 0 : i32
    %cond3A_50 = arith.cmpi ne, %convert_element_type3A_48, %cond3A_49 : i32
    scf.if %cond3A_50 {
      %mul3A_120 = arith.constant 80 : i32
      %mul3A_121 = arith.muli %add3A_45, %mul3A_120 : i32
      "tpu.region"() ({
        %run_scoped3A = tpu.sem_alloc : memref<!tpu.dma_semaphore, #tpu.memory_space<semaphore_mem>>
        %dma_start3A = arith.constant 0 : i32
        %dma_start3A_122 = arith.constant 0 : i32
        %dma_start3A_123 = tpu.memref_slice %arg6[%dma_start3A, %dma_start3A_122] : memref<80x16xf32, #tpu.memory_space<vmem>> -> memref<80x16xf32, #tpu.memory_space<vmem>>
        %dma_start3A_124 = arith.constant 0 : i32
        %dma_start3A_125 = tpu.memref_slice %arg7[%mul3A_121, %dma_start3A_124] : memref<10000x16xf32, #tpu.memory_space<vmem_shared>> -> memref<80x16xf32, #tpu.memory_space<vmem_shared>>
        %dma_start3A_126 = arith.constant 0 : i32
        %dma_start3A_127 = tpu.memref_slice %arg7[%mul3A_121, %dma_start3A_126] : memref<10000x16xf32, #tpu.memory_space<vmem_shared>> -> memref<80x16xf32, #tpu.memory_space<vmem_shared>>
        %dma_start3A_128 = arith.constant 0 : i32
        %dma_start3A_129 = arith.constant 0 : i32
        %dma_start3A_130 = tpu.memref_slice %arg6[%dma_start3A_128, %dma_start3A_129] : memref<80x16xf32, #tpu.memory_space<vmem>> -> memref<80x16xf32, #tpu.memory_space<vmem>>
        tpu.enqueue_dma source(%dma_start3A_130 : memref<80x16xf32, #tpu.memory_space<vmem>>) target(%dma_start3A_127 : memref<80x16xf32, #tpu.memory_space<vmem_shared>>) target_semaphore(%run_scoped3A : memref<!tpu.dma_semaphore, #tpu.memory_space<semaphore_mem>>)
        %dma_wait3A = arith.constant 0 : i32
        %dma_wait3A_131 = arith.constant 0 : i32
        %dma_wait3A_132 = tpu.memref_slice %arg6[%dma_wait3A, %dma_wait3A_131] : memref<80x16xf32, #tpu.memory_space<vmem>> -> memref<80x16xf32, #tpu.memory_space<vmem>>
        %dma_wait3A_133 = arith.constant 0 : i32
        %dma_wait3A_134 = tpu.memref_slice %arg7[%mul3A_121, %dma_wait3A_133] : memref<10000x16xf32, #tpu.memory_space<vmem_shared>> -> memref<80x16xf32, #tpu.memory_space<vmem_shared>>
        %dma_wait3A_135 = arith.constant 0 : i32
        %dma_wait3A_136 = tpu.memref_slice %arg7[%mul3A_121, %dma_wait3A_135] : memref<10000x16xf32, #tpu.memory_space<vmem_shared>> -> memref<80x16xf32, #tpu.memory_space<vmem_shared>>
        %dma_wait3A_137 = arith.constant 0 : i32
        %dma_wait3A_138 = arith.constant 0 : i32
        %dma_wait3A_139 = tpu.memref_slice %arg6[%dma_wait3A_137, %dma_wait3A_138] : memref<80x16xf32, #tpu.memory_space<vmem>> -> memref<80x16xf32, #tpu.memory_space<vmem>>
        tpu.wait_dma2 semaphore(%run_scoped3A : memref<!tpu.dma_semaphore, #tpu.memory_space<semaphore_mem>>) src(%dma_wait3A_139 : memref<80x16xf32, #tpu.memory_space<vmem>>) dst(%dma_wait3A_136 : memref<80x16xf32, #tpu.memory_space<vmem_shared>>)
        tpu.yield
      }) : () -> ()
    } else {
    }
    %add3A_51 = arith.constant 112 : i32
    %add3A_52 = arith.addi %arg1, %add3A_51 : i32
    %lt3A_53 = arith.constant 125 : i32
    %lt3A_54 = arith.cmpi slt, %add3A_52, %lt3A_53 : i32
    %convert_element_type3A_55 = arith.extui %lt3A_54 : i1 to i32
    %cond3A_56 = arith.constant 0 : i32
    %cond3A_57 = arith.cmpi ne, %convert_element_type3A_55, %cond3A_56 : i32
    scf.if %cond3A_57 {
      %mul3A_120 = arith.constant 80 : i32
      %mul3A_121 = arith.muli %add3A_52, %mul3A_120 : i32
      "tpu.region"() ({
        %run_scoped3A = tpu.sem_alloc : memref<!tpu.dma_semaphore, #tpu.memory_space<semaphore_mem>>
        %dma_start3A = arith.constant 0 : i32
        %dma_start3A_122 = arith.constant 0 : i32
        %dma_start3A_123 = tpu.memref_slice %arg6[%dma_start3A, %dma_start3A_122] : memref<80x16xf32, #tpu.memory_space<vmem>> -> memref<80x16xf32, #tpu.memory_space<vmem>>
        %dma_start3A_124 = arith.constant 0 : i32
        %dma_start3A_125 = tpu.memref_slice %arg7[%mul3A_121, %dma_start3A_124] : memref<10000x16xf32, #tpu.memory_space<vmem_shared>> -> memref<80x16xf32, #tpu.memory_space<vmem_shared>>
        %dma_start3A_126 = arith.constant 0 : i32
        %dma_start3A_127 = tpu.memref_slice %arg7[%mul3A_121, %dma_start3A_126] : memref<10000x16xf32, #tpu.memory_space<vmem_shared>> -> memref<80x16xf32, #tpu.memory_space<vmem_shared>>
        %dma_start3A_128 = arith.constant 0 : i32
        %dma_start3A_129 = arith.constant 0 : i32
        %dma_start3A_130 = tpu.memref_slice %arg6[%dma_start3A_128, %dma_start3A_129] : memref<80x16xf32, #tpu.memory_space<vmem>> -> memref<80x16xf32, #tpu.memory_space<vmem>>
        tpu.enqueue_dma source(%dma_start3A_130 : memref<80x16xf32, #tpu.memory_space<vmem>>) target(%dma_start3A_127 : memref<80x16xf32, #tpu.memory_space<vmem_shared>>) target_semaphore(%run_scoped3A : memref<!tpu.dma_semaphore, #tpu.memory_space<semaphore_mem>>)
        %dma_wait3A = arith.constant 0 : i32
        %dma_wait3A_131 = arith.constant 0 : i32
        %dma_wait3A_132 = tpu.memref_slice %arg6[%dma_wait3A, %dma_wait3A_131] : memref<80x16xf32, #tpu.memory_space<vmem>> -> memref<80x16xf32, #tpu.memory_space<vmem>>
        %dma_wait3A_133 = arith.constant 0 : i32
        %dma_wait3A_134 = tpu.memref_slice %arg7[%mul3A_121, %dma_wait3A_133] : memref<10000x16xf32, #tpu.memory_space<vmem_shared>> -> memref<80x16xf32, #tpu.memory_space<vmem_shared>>
        %dma_wait3A_135 = arith.constant 0 : i32
        %dma_wait3A_136 = tpu.memref_slice %arg7[%mul3A_121, %dma_wait3A_135] : memref<10000x16xf32, #tpu.memory_space<vmem_shared>> -> memref<80x16xf32, #tpu.memory_space<vmem_shared>>
        %dma_wait3A_137 = arith.constant 0 : i32
        %dma_wait3A_138 = arith.constant 0 : i32
        %dma_wait3A_139 = tpu.memref_slice %arg6[%dma_wait3A_137, %dma_wait3A_138] : memref<80x16xf32, #tpu.memory_space<vmem>> -> memref<80x16xf32, #tpu.memory_space<vmem>>
        tpu.wait_dma2 semaphore(%run_scoped3A : memref<!tpu.dma_semaphore, #tpu.memory_space<semaphore_mem>>) src(%dma_wait3A_139 : memref<80x16xf32, #tpu.memory_space<vmem>>) dst(%dma_wait3A_136 : memref<80x16xf32, #tpu.memory_space<vmem_shared>>)
        tpu.yield
      }) : () -> ()
    } else {
    }
    %barrier3A = arith.constant 0 : index
    tpu.barrier barrier_id(%barrier3A)
    "tpu.region"() ({
      %run_scoped3A = tpu.sem_alloc : memref<!tpu.dma_semaphore, #tpu.memory_space<semaphore_mem>>
      %dma_start3A = arith.constant 0 : i32
      %dma_start3A_120 = arith.constant 0 : i32
      %dma_start3A_121 = tpu.memref_slice %arg2[%add3A, %dma_start3A, %dma_start3A_120] : memref<32x125x80xi32, #tpu.memory_space<hbm>> -> memref<1x125x80xi32, #tpu.memory_space<hbm>>
      %dma_start3A_122 = tpu.memref_squeeze %dma_start3A_121 : memref<1x125x80xi32, #tpu.memory_space<hbm>> -> memref<125x80xi32, #tpu.memory_space<hbm>>
      %dma_start3A_123 = arith.constant 0 : i32
      %dma_start3A_124 = arith.constant 0 : i32
      %dma_start3A_125 = tpu.memref_slice %arg2[%add3A, %dma_start3A_123, %dma_start3A_124] : memref<32x125x80xi32, #tpu.memory_space<hbm>> -> memref<1x125x80xi32, #tpu.memory_space<hbm>>
      %dma_start3A_126 = tpu.memref_squeeze %dma_start3A_125 : memref<1x125x80xi32, #tpu.memory_space<hbm>> -> memref<125x80xi32, #tpu.memory_space<hbm>>
      tpu.enqueue_dma source(%dma_start3A_126 : memref<125x80xi32, #tpu.memory_space<hbm>>) target(%arg4 : memref<125x80xi32, #tpu.memory_space<vmem>>) target_semaphore(%run_scoped3A : memref<!tpu.dma_semaphore, #tpu.memory_space<semaphore_mem>>)
      %dma_wait3A = arith.constant 0 : i32
      %dma_wait3A_127 = arith.constant 0 : i32
      %dma_wait3A_128 = tpu.memref_slice %arg2[%add3A, %dma_wait3A, %dma_wait3A_127] : memref<32x125x80xi32, #tpu.memory_space<hbm>> -> memref<1x125x80xi32, #tpu.memory_space<hbm>>
      %dma_wait3A_129 = tpu.memref_squeeze %dma_wait3A_128 : memref<1x125x80xi32, #tpu.memory_space<hbm>> -> memref<125x80xi32, #tpu.memory_space<hbm>>
      %dma_wait3A_130 = arith.constant 0 : i32
      %dma_wait3A_131 = arith.constant 0 : i32
      %dma_wait3A_132 = tpu.memref_slice %arg2[%add3A, %dma_wait3A_130, %dma_wait3A_131] : memref<32x125x80xi32, #tpu.memory_space<hbm>> -> memref<1x125x80xi32, #tpu.memory_space<hbm>>
      %dma_wait3A_133 = tpu.memref_squeeze %dma_wait3A_132 : memref<1x125x80xi32, #tpu.memory_space<hbm>> -> memref<125x80xi32, #tpu.memory_space<hbm>>
      tpu.wait_dma2 semaphore(%run_scoped3A : memref<!tpu.dma_semaphore, #tpu.memory_space<semaphore_mem>>) src(%dma_wait3A_133 : memref<125x80xi32, #tpu.memory_space<hbm>>) dst(%arg4 : memref<125x80xi32, #tpu.memory_space<vmem>>)
      tpu.yield
    }) : () -> ()
    %scan3A_58 = arith.constant 0 : i32
    %scan3A_59 = arith.constant 125 : i32
    %scan3A_60 = arith.addi %scan3A_58, %scan3A_59 : i32
    %scan3A_61 = arith.constant 1 : i32
    scf.for %scan3A_120 = %scan3A_58 to %scan3A_60 step %scan3A_61  : i32 {
      %mul3A_121 = arith.constant 1 : i32
      %mul3A_122 = arith.muli %scan3A_120, %mul3A_121 : i32
      %add3A_123 = arith.constant 0 : i32
      %add3A_124 = arith.addi %add3A_123, %mul3A_122 : i32
      "tpu.region"() ({
        %run_scoped3A = tpu.sem_alloc : memref<!tpu.dma_semaphore, #tpu.memory_space<semaphore_mem>>
        %dma_start3A = arith.constant 0 : i32
        %dma_start3A_125 = tpu.memref_slice %arg4[%add3A_124, %dma_start3A] : memref<125x80xi32, #tpu.memory_space<vmem>> -> memref<1x80xi32, #tpu.memory_space<vmem>>
        %dma_start3A_126 = tpu.memref_squeeze %dma_start3A_125 : memref<1x80xi32, #tpu.memory_space<vmem>> -> memref<80xi32, #tpu.memory_space<vmem>>
        %dma_start3A_127 = arith.constant 0 : i32
        %dma_start3A_128 = arith.constant 0 : i32
        %dma_start3A_129 = tpu.memref_slice %arg7[%dma_start3A_127, %dma_start3A_128] : memref<10000x16xf32, #tpu.memory_space<vmem_shared>> -> memref<10000x16xf32, #tpu.memory_space<vmem_shared>>
        tpu.enqueue_indirect_dma source(%arg5 : memref<80x16xf32, #tpu.memory_space<vmem>>) target(%dma_start3A_129 : memref<10000x16xf32, #tpu.memory_space<vmem_shared>>) offsets(%dma_start3A_126 : memref<80xi32, #tpu.memory_space<vmem>>) semaphore(%run_scoped3A : memref<!tpu.dma_semaphore, #tpu.memory_space<semaphore_mem>>) {add = true}
        %dma_wait3A = arith.constant 0 : i32
        %dma_wait3A_130 = tpu.memref_slice %arg4[%add3A_124, %dma_wait3A] : memref<125x80xi32, #tpu.memory_space<vmem>> -> memref<1x80xi32, #tpu.memory_space<vmem>>
        %dma_wait3A_131 = tpu.memref_squeeze %dma_wait3A_130 : memref<1x80xi32, #tpu.memory_space<vmem>> -> memref<80xi32, #tpu.memory_space<vmem>>
        %dma_wait3A_132 = arith.constant 0 : i32
        %dma_wait3A_133 = arith.constant 0 : i32
        %dma_wait3A_134 = tpu.memref_slice %arg7[%dma_wait3A_132, %dma_wait3A_133] : memref<10000x16xf32, #tpu.memory_space<vmem_shared>> -> memref<10000x16xf32, #tpu.memory_space<vmem_shared>>
        tpu.wait_indirect_dma semaphore(%run_scoped3A : memref<!tpu.dma_semaphore, #tpu.memory_space<semaphore_mem>>) src(%arg5 : memref<80x16xf32, #tpu.memory_space<vmem>>) dst(%dma_wait3A_134 : memref<10000x16xf32, #tpu.memory_space<vmem_shared>>)
        tpu.yield
      }) : () -> ()
    }
    %scan3A_62 = arith.constant 125 : i32
    %barrier3A_63 = arith.constant 0 : index
    tpu.barrier barrier_id(%barrier3A_63)
    %add3A_64 = arith.constant 0 : i32
    %add3A_65 = arith.addi %arg1, %add3A_64 : i32
    %lt3A_66 = arith.constant 125 : i32
    %lt3A_67 = arith.cmpi slt, %add3A_65, %lt3A_66 : i32
    %convert_element_type3A_68 = arith.extui %lt3A_67 : i1 to i32
    %cond3A_69 = arith.constant 0 : i32
    %cond3A_70 = arith.cmpi ne, %convert_element_type3A_68, %cond3A_69 : i32
    scf.if %cond3A_70 {
      %mul3A_120 = arith.constant 80 : i32
      %mul3A_121 = arith.muli %add3A_65, %mul3A_120 : i32
      %mul3A_122 = arith.constant 80 : i32
      %mul3A_123 = arith.muli %add3A_65, %mul3A_122 : i32
      "tpu.region"() ({
        %run_scoped3A = tpu.sem_alloc : memref<!tpu.dma_semaphore, #tpu.memory_space<semaphore_mem>>
        %dma_start3A = arith.constant 0 : i32
        %dma_start3A_124 = arith.constant 0 : i32
        %dma_start3A_125 = tpu.memref_slice %arg3[%arg0, %dma_start3A, %dma_start3A_124] : memref<2x10000x16xf32, #tpu.memory_space<hbm>> -> memref<1x10000x16xf32, #tpu.memory_space<hbm>>
        %dma_start3A_126 = tpu.memref_squeeze %dma_start3A_125 : memref<1x10000x16xf32, #tpu.memory_space<hbm>> -> memref<10000x16xf32, #tpu.memory_space<hbm>>
        %dma_start3A_127 = arith.constant 0 : i32
        %dma_start3A_128 = tpu.memref_slice %dma_start3A_126[%mul3A_123, %dma_start3A_127] : memref<10000x16xf32, #tpu.memory_space<hbm>> -> memref<80x16xf32, #tpu.memory_space<hbm>>
        %dma_start3A_129 = arith.constant 0 : i32
        %dma_start3A_130 = tpu.memref_slice %arg7[%mul3A_121, %dma_start3A_129] : memref<10000x16xf32, #tpu.memory_space<vmem_shared>> -> memref<80x16xf32, #tpu.memory_space<vmem_shared>>
        tpu.enqueue_dma source(%dma_start3A_130 : memref<80x16xf32, #tpu.memory_space<vmem_shared>>) target(%dma_start3A_128 : memref<80x16xf32, #tpu.memory_space<hbm>>) target_semaphore(%run_scoped3A : memref<!tpu.dma_semaphore, #tpu.memory_space<semaphore_mem>>)
        %dma_wait3A = arith.constant 0 : i32
        %dma_wait3A_131 = arith.constant 0 : i32
        %dma_wait3A_132 = tpu.memref_slice %arg3[%arg0, %dma_wait3A, %dma_wait3A_131] : memref<2x10000x16xf32, #tpu.memory_space<hbm>> -> memref<1x10000x16xf32, #tpu.memory_space<hbm>>
        %dma_wait3A_133 = tpu.memref_squeeze %dma_wait3A_132 : memref<1x10000x16xf32, #tpu.memory_space<hbm>> -> memref<10000x16xf32, #tpu.memory_space<hbm>>
        %dma_wait3A_134 = arith.constant 0 : i32
        %dma_wait3A_135 = tpu.memref_slice %dma_wait3A_133[%mul3A_123, %dma_wait3A_134] : memref<10000x16xf32, #tpu.memory_space<hbm>> -> memref<80x16xf32, #tpu.memory_space<hbm>>
        %dma_wait3A_136 = arith.constant 0 : i32
        %dma_wait3A_137 = tpu.memref_slice %arg7[%mul3A_121, %dma_wait3A_136] : memref<10000x16xf32, #tpu.memory_space<vmem_shared>> -> memref<80x16xf32, #tpu.memory_space<vmem_shared>>
        tpu.wait_dma2 semaphore(%run_scoped3A : memref<!tpu.dma_semaphore, #tpu.memory_space<semaphore_mem>>) src(%dma_wait3A_137 : memref<80x16xf32, #tpu.memory_space<vmem_shared>>) dst(%dma_wait3A_135 : memref<80x16xf32, #tpu.memory_space<hbm>>)
        tpu.yield
      }) : () -> ()
    } else {
    }
    %add3A_71 = arith.constant 16 : i32
    %add3A_72 = arith.addi %arg1, %add3A_71 : i32
    %lt3A_73 = arith.constant 125 : i32
    %lt3A_74 = arith.cmpi slt, %add3A_72, %lt3A_73 : i32
    %convert_element_type3A_75 = arith.extui %lt3A_74 : i1 to i32
    %cond3A_76 = arith.constant 0 : i32
    %cond3A_77 = arith.cmpi ne, %convert_element_type3A_75, %cond3A_76 : i32
    scf.if %cond3A_77 {
      %mul3A_120 = arith.constant 80 : i32
      %mul3A_121 = arith.muli %add3A_72, %mul3A_120 : i32
      %mul3A_122 = arith.constant 80 : i32
      %mul3A_123 = arith.muli %add3A_72, %mul3A_122 : i32
      "tpu.region"() ({
        %run_scoped3A = tpu.sem_alloc : memref<!tpu.dma_semaphore, #tpu.memory_space<semaphore_mem>>
        %dma_start3A = arith.constant 0 : i32
        %dma_start3A_124 = arith.constant 0 : i32
        %dma_start3A_125 = tpu.memref_slice %arg3[%arg0, %dma_start3A, %dma_start3A_124] : memref<2x10000x16xf32, #tpu.memory_space<hbm>> -> memref<1x10000x16xf32, #tpu.memory_space<hbm>>
        %dma_start3A_126 = tpu.memref_squeeze %dma_start3A_125 : memref<1x10000x16xf32, #tpu.memory_space<hbm>> -> memref<10000x16xf32, #tpu.memory_space<hbm>>
        %dma_start3A_127 = arith.constant 0 : i32
        %dma_start3A_128 = tpu.memref_slice %dma_start3A_126[%mul3A_123, %dma_start3A_127] : memref<10000x16xf32, #tpu.memory_space<hbm>> -> memref<80x16xf32, #tpu.memory_space<hbm>>
        %dma_start3A_129 = arith.constant 0 : i32
        %dma_start3A_130 = tpu.memref_slice %arg7[%mul3A_121, %dma_start3A_129] : memref<10000x16xf32, #tpu.memory_space<vmem_shared>> -> memref<80x16xf32, #tpu.memory_space<vmem_shared>>
        tpu.enqueue_dma source(%dma_start3A_130 : memref<80x16xf32, #tpu.memory_space<vmem_shared>>) target(%dma_start3A_128 : memref<80x16xf32, #tpu.memory_space<hbm>>) target_semaphore(%run_scoped3A : memref<!tpu.dma_semaphore, #tpu.memory_space<semaphore_mem>>)
        %dma_wait3A = arith.constant 0 : i32
        %dma_wait3A_131 = arith.constant 0 : i32
        %dma_wait3A_132 = tpu.memref_slice %arg3[%arg0, %dma_wait3A, %dma_wait3A_131] : memref<2x10000x16xf32, #tpu.memory_space<hbm>> -> memref<1x10000x16xf32, #tpu.memory_space<hbm>>
        %dma_wait3A_133 = tpu.memref_squeeze %dma_wait3A_132 : memref<1x10000x16xf32, #tpu.memory_space<hbm>> -> memref<10000x16xf32, #tpu.memory_space<hbm>>
        %dma_wait3A_134 = arith.constant 0 : i32
        %dma_wait3A_135 = tpu.memref_slice %dma_wait3A_133[%mul3A_123, %dma_wait3A_134] : memref<10000x16xf32, #tpu.memory_space<hbm>> -> memref<80x16xf32, #tpu.memory_space<hbm>>
        %dma_wait3A_136 = arith.constant 0 : i32
        %dma_wait3A_137 = tpu.memref_slice %arg7[%mul3A_121, %dma_wait3A_136] : memref<10000x16xf32, #tpu.memory_space<vmem_shared>> -> memref<80x16xf32, #tpu.memory_space<vmem_shared>>
        tpu.wait_dma2 semaphore(%run_scoped3A : memref<!tpu.dma_semaphore, #tpu.memory_space<semaphore_mem>>) src(%dma_wait3A_137 : memref<80x16xf32, #tpu.memory_space<vmem_shared>>) dst(%dma_wait3A_135 : memref<80x16xf32, #tpu.memory_space<hbm>>)
        tpu.yield
      }) : () -> ()
    } else {
    }
    %add3A_78 = arith.constant 32 : i32
    %add3A_79 = arith.addi %arg1, %add3A_78 : i32
    %lt3A_80 = arith.constant 125 : i32
    %lt3A_81 = arith.cmpi slt, %add3A_79, %lt3A_80 : i32
    %convert_element_type3A_82 = arith.extui %lt3A_81 : i1 to i32
    %cond3A_83 = arith.constant 0 : i32
    %cond3A_84 = arith.cmpi ne, %convert_element_type3A_82, %cond3A_83 : i32
    scf.if %cond3A_84 {
      %mul3A_120 = arith.constant 80 : i32
      %mul3A_121 = arith.muli %add3A_79, %mul3A_120 : i32
      %mul3A_122 = arith.constant 80 : i32
      %mul3A_123 = arith.muli %add3A_79, %mul3A_122 : i32
      "tpu.region"() ({
        %run_scoped3A = tpu.sem_alloc : memref<!tpu.dma_semaphore, #tpu.memory_space<semaphore_mem>>
        %dma_start3A = arith.constant 0 : i32
        %dma_start3A_124 = arith.constant 0 : i32
        %dma_start3A_125 = tpu.memref_slice %arg3[%arg0, %dma_start3A, %dma_start3A_124] : memref<2x10000x16xf32, #tpu.memory_space<hbm>> -> memref<1x10000x16xf32, #tpu.memory_space<hbm>>
        %dma_start3A_126 = tpu.memref_squeeze %dma_start3A_125 : memref<1x10000x16xf32, #tpu.memory_space<hbm>> -> memref<10000x16xf32, #tpu.memory_space<hbm>>
        %dma_start3A_127 = arith.constant 0 : i32
        %dma_start3A_128 = tpu.memref_slice %dma_start3A_126[%mul3A_123, %dma_start3A_127] : memref<10000x16xf32, #tpu.memory_space<hbm>> -> memref<80x16xf32, #tpu.memory_space<hbm>>
        %dma_start3A_129 = arith.constant 0 : i32
        %dma_start3A_130 = tpu.memref_slice %arg7[%mul3A_121, %dma_start3A_129] : memref<10000x16xf32, #tpu.memory_space<vmem_shared>> -> memref<80x16xf32, #tpu.memory_space<vmem_shared>>
        tpu.enqueue_dma source(%dma_start3A_130 : memref<80x16xf32, #tpu.memory_space<vmem_shared>>) target(%dma_start3A_128 : memref<80x16xf32, #tpu.memory_space<hbm>>) target_semaphore(%run_scoped3A : memref<!tpu.dma_semaphore, #tpu.memory_space<semaphore_mem>>)
        %dma_wait3A = arith.constant 0 : i32
        %dma_wait3A_131 = arith.constant 0 : i32
        %dma_wait3A_132 = tpu.memref_slice %arg3[%arg0, %dma_wait3A, %dma_wait3A_131] : memref<2x10000x16xf32, #tpu.memory_space<hbm>> -> memref<1x10000x16xf32, #tpu.memory_space<hbm>>
        %dma_wait3A_133 = tpu.memref_squeeze %dma_wait3A_132 : memref<1x10000x16xf32, #tpu.memory_space<hbm>> -> memref<10000x16xf32, #tpu.memory_space<hbm>>
        %dma_wait3A_134 = arith.constant 0 : i32
        %dma_wait3A_135 = tpu.memref_slice %dma_wait3A_133[%mul3A_123, %dma_wait3A_134] : memref<10000x16xf32, #tpu.memory_space<hbm>> -> memref<80x16xf32, #tpu.memory_space<hbm>>
        %dma_wait3A_136 = arith.constant 0 : i32
        %dma_wait3A_137 = tpu.memref_slice %arg7[%mul3A_121, %dma_wait3A_136] : memref<10000x16xf32, #tpu.memory_space<vmem_shared>> -> memref<80x16xf32, #tpu.memory_space<vmem_shared>>
        tpu.wait_dma2 semaphore(%run_scoped3A : memref<!tpu.dma_semaphore, #tpu.memory_space<semaphore_mem>>) src(%dma_wait3A_137 : memref<80x16xf32, #tpu.memory_space<vmem_shared>>) dst(%dma_wait3A_135 : memref<80x16xf32, #tpu.memory_space<hbm>>)
        tpu.yield
      }) : () -> ()
    } else {
    }
    %add3A_85 = arith.constant 48 : i32
    %add3A_86 = arith.addi %arg1, %add3A_85 : i32
    %lt3A_87 = arith.constant 125 : i32
    %lt3A_88 = arith.cmpi slt, %add3A_86, %lt3A_87 : i32
    %convert_element_type3A_89 = arith.extui %lt3A_88 : i1 to i32
    %cond3A_90 = arith.constant 0 : i32
    %cond3A_91 = arith.cmpi ne, %convert_element_type3A_89, %cond3A_90 : i32
    scf.if %cond3A_91 {
      %mul3A_120 = arith.constant 80 : i32
      %mul3A_121 = arith.muli %add3A_86, %mul3A_120 : i32
      %mul3A_122 = arith.constant 80 : i32
      %mul3A_123 = arith.muli %add3A_86, %mul3A_122 : i32
      "tpu.region"() ({
        %run_scoped3A = tpu.sem_alloc : memref<!tpu.dma_semaphore, #tpu.memory_space<semaphore_mem>>
        %dma_start3A = arith.constant 0 : i32
        %dma_start3A_124 = arith.constant 0 : i32
        %dma_start3A_125 = tpu.memref_slice %arg3[%arg0, %dma_start3A, %dma_start3A_124] : memref<2x10000x16xf32, #tpu.memory_space<hbm>> -> memref<1x10000x16xf32, #tpu.memory_space<hbm>>
        %dma_start3A_126 = tpu.memref_squeeze %dma_start3A_125 : memref<1x10000x16xf32, #tpu.memory_space<hbm>> -> memref<10000x16xf32, #tpu.memory_space<hbm>>
        %dma_start3A_127 = arith.constant 0 : i32
        %dma_start3A_128 = tpu.memref_slice %dma_start3A_126[%mul3A_123, %dma_start3A_127] : memref<10000x16xf32, #tpu.memory_space<hbm>> -> memref<80x16xf32, #tpu.memory_space<hbm>>
        %dma_start3A_129 = arith.constant 0 : i32
        %dma_start3A_130 = tpu.memref_slice %arg7[%mul3A_121, %dma_start3A_129] : memref<10000x16xf32, #tpu.memory_space<vmem_shared>> -> memref<80x16xf32, #tpu.memory_space<vmem_shared>>
        tpu.enqueue_dma source(%dma_start3A_130 : memref<80x16xf32, #tpu.memory_space<vmem_shared>>) target(%dma_start3A_128 : memref<80x16xf32, #tpu.memory_space<hbm>>) target_semaphore(%run_scoped3A : memref<!tpu.dma_semaphore, #tpu.memory_space<semaphore_mem>>)
        %dma_wait3A = arith.constant 0 : i32
        %dma_wait3A_131 = arith.constant 0 : i32
        %dma_wait3A_132 = tpu.memref_slice %arg3[%arg0, %dma_wait3A, %dma_wait3A_131] : memref<2x10000x16xf32, #tpu.memory_space<hbm>> -> memref<1x10000x16xf32, #tpu.memory_space<hbm>>
        %dma_wait3A_133 = tpu.memref_squeeze %dma_wait3A_132 : memref<1x10000x16xf32, #tpu.memory_space<hbm>> -> memref<10000x16xf32, #tpu.memory_space<hbm>>
        %dma_wait3A_134 = arith.constant 0 : i32
        %dma_wait3A_135 = tpu.memref_slice %dma_wait3A_133[%mul3A_123, %dma_wait3A_134] : memref<10000x16xf32, #tpu.memory_space<hbm>> -> memref<80x16xf32, #tpu.memory_space<hbm>>
        %dma_wait3A_136 = arith.constant 0 : i32
        %dma_wait3A_137 = tpu.memref_slice %arg7[%mul3A_121, %dma_wait3A_136] : memref<10000x16xf32, #tpu.memory_space<vmem_shared>> -> memref<80x16xf32, #tpu.memory_space<vmem_shared>>
        tpu.wait_dma2 semaphore(%run_scoped3A : memref<!tpu.dma_semaphore, #tpu.memory_space<semaphore_mem>>) src(%dma_wait3A_137 : memref<80x16xf32, #tpu.memory_space<vmem_shared>>) dst(%dma_wait3A_135 : memref<80x16xf32, #tpu.memory_space<hbm>>)
        tpu.yield
      }) : () -> ()
    } else {
    }
    %add3A_92 = arith.constant 64 : i32
    %add3A_93 = arith.addi %arg1, %add3A_92 : i32
    %lt3A_94 = arith.constant 125 : i32
    %lt3A_95 = arith.cmpi slt, %add3A_93, %lt3A_94 : i32
    %convert_element_type3A_96 = arith.extui %lt3A_95 : i1 to i32
    %cond3A_97 = arith.constant 0 : i32
    %cond3A_98 = arith.cmpi ne, %convert_element_type3A_96, %cond3A_97 : i32
    scf.if %cond3A_98 {
      %mul3A_120 = arith.constant 80 : i32
      %mul3A_121 = arith.muli %add3A_93, %mul3A_120 : i32
      %mul3A_122 = arith.constant 80 : i32
      %mul3A_123 = arith.muli %add3A_93, %mul3A_122 : i32
      "tpu.region"() ({
        %run_scoped3A = tpu.sem_alloc : memref<!tpu.dma_semaphore, #tpu.memory_space<semaphore_mem>>
        %dma_start3A = arith.constant 0 : i32
        %dma_start3A_124 = arith.constant 0 : i32
        %dma_start3A_125 = tpu.memref_slice %arg3[%arg0, %dma_start3A, %dma_start3A_124] : memref<2x10000x16xf32, #tpu.memory_space<hbm>> -> memref<1x10000x16xf32, #tpu.memory_space<hbm>>
        %dma_start3A_126 = tpu.memref_squeeze %dma_start3A_125 : memref<1x10000x16xf32, #tpu.memory_space<hbm>> -> memref<10000x16xf32, #tpu.memory_space<hbm>>
        %dma_start3A_127 = arith.constant 0 : i32
        %dma_start3A_128 = tpu.memref_slice %dma_start3A_126[%mul3A_123, %dma_start3A_127] : memref<10000x16xf32, #tpu.memory_space<hbm>> -> memref<80x16xf32, #tpu.memory_space<hbm>>
        %dma_start3A_129 = arith.constant 0 : i32
        %dma_start3A_130 = tpu.memref_slice %arg7[%mul3A_121, %dma_start3A_129] : memref<10000x16xf32, #tpu.memory_space<vmem_shared>> -> memref<80x16xf32, #tpu.memory_space<vmem_shared>>
        tpu.enqueue_dma source(%dma_start3A_130 : memref<80x16xf32, #tpu.memory_space<vmem_shared>>) target(%dma_start3A_128 : memref<80x16xf32, #tpu.memory_space<hbm>>) target_semaphore(%run_scoped3A : memref<!tpu.dma_semaphore, #tpu.memory_space<semaphore_mem>>)
        %dma_wait3A = arith.constant 0 : i32
        %dma_wait3A_131 = arith.constant 0 : i32
        %dma_wait3A_132 = tpu.memref_slice %arg3[%arg0, %dma_wait3A, %dma_wait3A_131] : memref<2x10000x16xf32, #tpu.memory_space<hbm>> -> memref<1x10000x16xf32, #tpu.memory_space<hbm>>
        %dma_wait3A_133 = tpu.memref_squeeze %dma_wait3A_132 : memref<1x10000x16xf32, #tpu.memory_space<hbm>> -> memref<10000x16xf32, #tpu.memory_space<hbm>>
        %dma_wait3A_134 = arith.constant 0 : i32
        %dma_wait3A_135 = tpu.memref_slice %dma_wait3A_133[%mul3A_123, %dma_wait3A_134] : memref<10000x16xf32, #tpu.memory_space<hbm>> -> memref<80x16xf32, #tpu.memory_space<hbm>>
        %dma_wait3A_136 = arith.constant 0 : i32
        %dma_wait3A_137 = tpu.memref_slice %arg7[%mul3A_121, %dma_wait3A_136] : memref<10000x16xf32, #tpu.memory_space<vmem_shared>> -> memref<80x16xf32, #tpu.memory_space<vmem_shared>>
        tpu.wait_dma2 semaphore(%run_scoped3A : memref<!tpu.dma_semaphore, #tpu.memory_space<semaphore_mem>>) src(%dma_wait3A_137 : memref<80x16xf32, #tpu.memory_space<vmem_shared>>) dst(%dma_wait3A_135 : memref<80x16xf32, #tpu.memory_space<hbm>>)
        tpu.yield
      }) : () -> ()
    } else {
    }
    %add3A_99 = arith.constant 80 : i32
    %add3A_100 = arith.addi %arg1, %add3A_99 : i32
    %lt3A_101 = arith.constant 125 : i32
    %lt3A_102 = arith.cmpi slt, %add3A_100, %lt3A_101 : i32
    %convert_element_type3A_103 = arith.extui %lt3A_102 : i1 to i32
    %cond3A_104 = arith.constant 0 : i32
    %cond3A_105 = arith.cmpi ne, %convert_element_type3A_103, %cond3A_104 : i32
    scf.if %cond3A_105 {
      %mul3A_120 = arith.constant 80 : i32
      %mul3A_121 = arith.muli %add3A_100, %mul3A_120 : i32
      %mul3A_122 = arith.constant 80 : i32
      %mul3A_123 = arith.muli %add3A_100, %mul3A_122 : i32
      "tpu.region"() ({
        %run_scoped3A = tpu.sem_alloc : memref<!tpu.dma_semaphore, #tpu.memory_space<semaphore_mem>>
        %dma_start3A = arith.constant 0 : i32
        %dma_start3A_124 = arith.constant 0 : i32
        %dma_start3A_125 = tpu.memref_slice %arg3[%arg0, %dma_start3A, %dma_start3A_124] : memref<2x10000x16xf32, #tpu.memory_space<hbm>> -> memref<1x10000x16xf32, #tpu.memory_space<hbm>>
        %dma_start3A_126 = tpu.memref_squeeze %dma_start3A_125 : memref<1x10000x16xf32, #tpu.memory_space<hbm>> -> memref<10000x16xf32, #tpu.memory_space<hbm>>
        %dma_start3A_127 = arith.constant 0 : i32
        %dma_start3A_128 = tpu.memref_slice %dma_start3A_126[%mul3A_123, %dma_start3A_127] : memref<10000x16xf32, #tpu.memory_space<hbm>> -> memref<80x16xf32, #tpu.memory_space<hbm>>
        %dma_start3A_129 = arith.constant 0 : i32
        %dma_start3A_130 = tpu.memref_slice %arg7[%mul3A_121, %dma_start3A_129] : memref<10000x16xf32, #tpu.memory_space<vmem_shared>> -> memref<80x16xf32, #tpu.memory_space<vmem_shared>>
        tpu.enqueue_dma source(%dma_start3A_130 : memref<80x16xf32, #tpu.memory_space<vmem_shared>>) target(%dma_start3A_128 : memref<80x16xf32, #tpu.memory_space<hbm>>) target_semaphore(%run_scoped3A : memref<!tpu.dma_semaphore, #tpu.memory_space<semaphore_mem>>)
        %dma_wait3A = arith.constant 0 : i32
        %dma_wait3A_131 = arith.constant 0 : i32
        %dma_wait3A_132 = tpu.memref_slice %arg3[%arg0, %dma_wait3A, %dma_wait3A_131] : memref<2x10000x16xf32, #tpu.memory_space<hbm>> -> memref<1x10000x16xf32, #tpu.memory_space<hbm>>
        %dma_wait3A_133 = tpu.memref_squeeze %dma_wait3A_132 : memref<1x10000x16xf32, #tpu.memory_space<hbm>> -> memref<10000x16xf32, #tpu.memory_space<hbm>>
        %dma_wait3A_134 = arith.constant 0 : i32
        %dma_wait3A_135 = tpu.memref_slice %dma_wait3A_133[%mul3A_123, %dma_wait3A_134] : memref<10000x16xf32, #tpu.memory_space<hbm>> -> memref<80x16xf32, #tpu.memory_space<hbm>>
        %dma_wait3A_136 = arith.constant 0 : i32
        %dma_wait3A_137 = tpu.memref_slice %arg7[%mul3A_121, %dma_wait3A_136] : memref<10000x16xf32, #tpu.memory_space<vmem_shared>> -> memref<80x16xf32, #tpu.memory_space<vmem_shared>>
        tpu.wait_dma2 semaphore(%run_scoped3A : memref<!tpu.dma_semaphore, #tpu.memory_space<semaphore_mem>>) src(%dma_wait3A_137 : memref<80x16xf32, #tpu.memory_space<vmem_shared>>) dst(%dma_wait3A_135 : memref<80x16xf32, #tpu.memory_space<hbm>>)
        tpu.yield
      }) : () -> ()
    } else {
    }
    %add3A_106 = arith.constant 96 : i32
    %add3A_107 = arith.addi %arg1, %add3A_106 : i32
    %lt3A_108 = arith.constant 125 : i32
    %lt3A_109 = arith.cmpi slt, %add3A_107, %lt3A_108 : i32
    %convert_element_type3A_110 = arith.extui %lt3A_109 : i1 to i32
    %cond3A_111 = arith.constant 0 : i32
    %cond3A_112 = arith.cmpi ne, %convert_element_type3A_110, %cond3A_111 : i32
    scf.if %cond3A_112 {
      %mul3A_120 = arith.constant 80 : i32
      %mul3A_121 = arith.muli %add3A_107, %mul3A_120 : i32
      %mul3A_122 = arith.constant 80 : i32
      %mul3A_123 = arith.muli %add3A_107, %mul3A_122 : i32
      "tpu.region"() ({
        %run_scoped3A = tpu.sem_alloc : memref<!tpu.dma_semaphore, #tpu.memory_space<semaphore_mem>>
        %dma_start3A = arith.constant 0 : i32
        %dma_start3A_124 = arith.constant 0 : i32
        %dma_start3A_125 = tpu.memref_slice %arg3[%arg0, %dma_start3A, %dma_start3A_124] : memref<2x10000x16xf32, #tpu.memory_space<hbm>> -> memref<1x10000x16xf32, #tpu.memory_space<hbm>>
        %dma_start3A_126 = tpu.memref_squeeze %dma_start3A_125 : memref<1x10000x16xf32, #tpu.memory_space<hbm>> -> memref<10000x16xf32, #tpu.memory_space<hbm>>
        %dma_start3A_127 = arith.constant 0 : i32
        %dma_start3A_128 = tpu.memref_slice %dma_start3A_126[%mul3A_123, %dma_start3A_127] : memref<10000x16xf32, #tpu.memory_space<hbm>> -> memref<80x16xf32, #tpu.memory_space<hbm>>
        %dma_start3A_129 = arith.constant 0 : i32
        %dma_start3A_130 = tpu.memref_slice %arg7[%mul3A_121, %dma_start3A_129] : memref<10000x16xf32, #tpu.memory_space<vmem_shared>> -> memref<80x16xf32, #tpu.memory_space<vmem_shared>>
        tpu.enqueue_dma source(%dma_start3A_130 : memref<80x16xf32, #tpu.memory_space<vmem_shared>>) target(%dma_start3A_128 : memref<80x16xf32, #tpu.memory_space<hbm>>) target_semaphore(%run_scoped3A : memref<!tpu.dma_semaphore, #tpu.memory_space<semaphore_mem>>)
        %dma_wait3A = arith.constant 0 : i32
        %dma_wait3A_131 = arith.constant 0 : i32
        %dma_wait3A_132 = tpu.memref_slice %arg3[%arg0, %dma_wait3A, %dma_wait3A_131] : memref<2x10000x16xf32, #tpu.memory_space<hbm>> -> memref<1x10000x16xf32, #tpu.memory_space<hbm>>
        %dma_wait3A_133 = tpu.memref_squeeze %dma_wait3A_132 : memref<1x10000x16xf32, #tpu.memory_space<hbm>> -> memref<10000x16xf32, #tpu.memory_space<hbm>>
        %dma_wait3A_134 = arith.constant 0 : i32
        %dma_wait3A_135 = tpu.memref_slice %dma_wait3A_133[%mul3A_123, %dma_wait3A_134] : memref<10000x16xf32, #tpu.memory_space<hbm>> -> memref<80x16xf32, #tpu.memory_space<hbm>>
        %dma_wait3A_136 = arith.constant 0 : i32
        %dma_wait3A_137 = tpu.memref_slice %arg7[%mul3A_121, %dma_wait3A_136] : memref<10000x16xf32, #tpu.memory_space<vmem_shared>> -> memref<80x16xf32, #tpu.memory_space<vmem_shared>>
        tpu.wait_dma2 semaphore(%run_scoped3A : memref<!tpu.dma_semaphore, #tpu.memory_space<semaphore_mem>>) src(%dma_wait3A_137 : memref<80x16xf32, #tpu.memory_space<vmem_shared>>) dst(%dma_wait3A_135 : memref<80x16xf32, #tpu.memory_space<hbm>>)
        tpu.yield
      }) : () -> ()
    } else {
    }
    %add3A_113 = arith.constant 112 : i32
    %add3A_114 = arith.addi %arg1, %add3A_113 : i32
    %lt3A_115 = arith.constant 125 : i32
    %lt3A_116 = arith.cmpi slt, %add3A_114, %lt3A_115 : i32
    %convert_element_type3A_117 = arith.extui %lt3A_116 : i1 to i32
    %cond3A_118 = arith.constant 0 : i32
    %cond3A_119 = arith.cmpi ne, %convert_element_type3A_117, %cond3A_118 : i32
    scf.if %cond3A_119 {
      %mul3A_120 = arith.constant 80 : i32
      %mul3A_121 = arith.muli %add3A_114, %mul3A_120 : i32
      %mul3A_122 = arith.constant 80 : i32
      %mul3A_123 = arith.muli %add3A_114, %mul3A_122 : i32
      "tpu.region"() ({
        %run_scoped3A = tpu.sem_alloc : memref<!tpu.dma_semaphore, #tpu.memory_space<semaphore_mem>>
        %dma_start3A = arith.constant 0 : i32
        %dma_start3A_124 = arith.constant 0 : i32
        %dma_start3A_125 = tpu.memref_slice %arg3[%arg0, %dma_start3A, %dma_start3A_124] : memref<2x10000x16xf32, #tpu.memory_space<hbm>> -> memref<1x10000x16xf32, #tpu.memory_space<hbm>>
        %dma_start3A_126 = tpu.memref_squeeze %dma_start3A_125 : memref<1x10000x16xf32, #tpu.memory_space<hbm>> -> memref<10000x16xf32, #tpu.memory_space<hbm>>
        %dma_start3A_127 = arith.constant 0 : i32
        %dma_start3A_128 = tpu.memref_slice %dma_start3A_126[%mul3A_123, %dma_start3A_127] : memref<10000x16xf32, #tpu.memory_space<hbm>> -> memref<80x16xf32, #tpu.memory_space<hbm>>
        %dma_start3A_129 = arith.constant 0 : i32
        %dma_start3A_130 = tpu.memref_slice %arg7[%mul3A_121, %dma_start3A_129] : memref<10000x16xf32, #tpu.memory_space<vmem_shared>> -> memref<80x16xf32, #tpu.memory_space<vmem_shared>>
        tpu.enqueue_dma source(%dma_start3A_130 : memref<80x16xf32, #tpu.memory_space<vmem_shared>>) target(%dma_start3A_128 : memref<80x16xf32, #tpu.memory_space<hbm>>) target_semaphore(%run_scoped3A : memref<!tpu.dma_semaphore, #tpu.memory_space<semaphore_mem>>)
        %dma_wait3A = arith.constant 0 : i32
        %dma_wait3A_131 = arith.constant 0 : i32
        %dma_wait3A_132 = tpu.memref_slice %arg3[%arg0, %dma_wait3A, %dma_wait3A_131] : memref<2x10000x16xf32, #tpu.memory_space<hbm>> -> memref<1x10000x16xf32, #tpu.memory_space<hbm>>
        %dma_wait3A_133 = tpu.memref_squeeze %dma_wait3A_132 : memref<1x10000x16xf32, #tpu.memory_space<hbm>> -> memref<10000x16xf32, #tpu.memory_space<hbm>>
        %dma_wait3A_134 = arith.constant 0 : i32
        %dma_wait3A_135 = tpu.memref_slice %dma_wait3A_133[%mul3A_123, %dma_wait3A_134] : memref<10000x16xf32, #tpu.memory_space<hbm>> -> memref<80x16xf32, #tpu.memory_space<hbm>>
        %dma_wait3A_136 = arith.constant 0 : i32
        %dma_wait3A_137 = tpu.memref_slice %arg7[%mul3A_121, %dma_wait3A_136] : memref<10000x16xf32, #tpu.memory_space<vmem_shared>> -> memref<80x16xf32, #tpu.memory_space<vmem_shared>>
        tpu.wait_dma2 semaphore(%run_scoped3A : memref<!tpu.dma_semaphore, #tpu.memory_space<semaphore_mem>>) src(%dma_wait3A_137 : memref<80x16xf32, #tpu.memory_space<vmem_shared>>) dst(%dma_wait3A_135 : memref<80x16xf32, #tpu.memory_space<hbm>>)
        tpu.yield
      }) : () -> ()
    } else {
    }
    return
  }
}

module attributes {stable_mosaic.version = 14 : i64} {
  func.func @body(%arg0: i32, %arg1: memref<1000x128xf32, #tpu.memory_space<vmem>>, %arg2: memref<128x128xf32, #tpu.memory_space<vmem>>, %arg3: memref<2x1000x16xf32, #tpu.memory_space<vmem>>, %arg4: memref<1000x128xf32, #tpu.memory_space<vmem>>) attributes {dimension_semantics = [#tpu.dimension_semantics<arbitrary>], iteration_bounds = array<i64: 10>, scalar_prefetch = 0 : i64, scratch_operands = 0 : i64, tpu.core_type = #tpu.core_type<tc>, window_params = [{transform_indices = @transform_0, window_bounds = array<i64: 1000, 128>}, {pipeline_mode = #tpu.pipeline_mode<synchronous>, transform_indices = @transform_1, window_bounds = array<i64: 128, 128>}, {transform_indices = @transform_2, window_bounds = array<i64: 2, 1000, 16>}, {transform_indices = @transform_3, window_bounds = array<i64: 1000, 128>}]} {
    %get3A = arith.constant 0 : index
    %get3A_0 = arith.constant 0 : index
    %get3A_1 = arith.constant 0 : index
    %get3A_2 = vector.load %arg3[%get3A, %get3A_0, %get3A_1] : memref<2x1000x16xf32, #tpu.memory_space<vmem>>, vector<2x1000x16xf32>
    %slice3A = vector.extract_strided_slice %get3A_2 {offsets = [0, 0, 0], sizes = [1, 1000, 1], strides = [1, 1, 1]} : vector<2x1000x16xf32> to vector<1x1000x1xf32>
    %squeeze3A = vector.shape_cast %slice3A : vector<1x1000x1xf32> to vector<1000x1xf32>
    %slice3A_3 = vector.extract_strided_slice %get3A_2 {offsets = [1, 0, 0], sizes = [1, 1000, 1], strides = [1, 1, 1]} : vector<2x1000x16xf32> to vector<1x1000x1xf32>
    %squeeze3A_4 = vector.shape_cast %slice3A_3 : vector<1x1000x1xf32> to vector<1000x1xf32>
    %add3A = arith.addf %squeeze3A, %squeeze3A_4 : vector<1000x1xf32>
    %add3A_5 = arith.constant 1.000000e+00 : f32
    %add3A_6 = vector.broadcast %add3A_5 : f32 to vector<1000x1xf32>
    %add3A_7 = arith.addf %add3A, %add3A_6 : vector<1000x1xf32>
    %rsqrt3A = math.rsqrt %add3A_7 : vector<1000x1xf32>
    %get3A_8 = arith.constant 0 : index
    %get3A_9 = arith.constant 0 : index
    %get3A_10 = vector.load %arg1[%get3A_8, %get3A_9] : memref<1000x128xf32, #tpu.memory_space<vmem>>, vector<1000x128xf32>
    %get3A_11 = arith.constant 0 : index
    %get3A_12 = arith.constant 0 : index
    %get3A_13 = vector.load %arg2[%get3A_11, %get3A_12] : memref<128x128xf32, #tpu.memory_space<vmem>>, vector<128x128xf32>
    %dot_general3A = arith.constant dense<0.000000e+00> : vector<1000x128xf32>
    %dot_general3A_14 = tpu.matmul %get3A_10, %get3A_13, %dot_general3A {dimension_numbers = #tpu.dot_dimension_numbers<[1], [0], [0], [1], [0, 0, 1, 1], [], []>, transpose_lhs_hint = false} : vector<1000x128xf32>, vector<128x128xf32>, vector<1000x128xf32> -> vector<1000x128xf32>
    %mul3A = vector.broadcast %rsqrt3A : vector<1000x1xf32> to vector<1000x128xf32>
    %mul3A_15 = arith.mulf %dot_general3A_14, %mul3A : vector<1000x128xf32>
    %swap3A = arith.constant 0 : index
    %swap3A_16 = arith.constant 0 : index
    %swap3A_17 = vector.load %arg4[%swap3A, %swap3A_16] : memref<1000x128xf32, #tpu.memory_space<vmem>>, vector<1000x128xf32>
    tpu.vector_store %arg4[%swap3A, %swap3A_16], %mul3A_15 {strides = array<i32>} : memref<1000x128xf32, #tpu.memory_space<vmem>>, vector<1000x128xf32>,
    return
  }
  func.func @transform_0(%arg0: i32) -> (i32, i32) {
    %c0_i32 = arith.constant 0 : i32
    %c0_i32_0 = arith.constant 0 : i32
    return %arg0, %c0_i32 : i32, i32
  }
  func.func @transform_1(%arg0: i32) -> (i32, i32) {
    %c0_i32 = arith.constant 0 : i32
    %c0_i32_0 = arith.constant 0 : i32
    %c0_i32_1 = arith.constant 0 : i32
    return %c0_i32, %c0_i32_0 : i32, i32
  }
  func.func @transform_2(%arg0: i32) -> (i32, i32, i32) {
    %c0_i32 = arith.constant 0 : i32
    %c0_i32_0 = arith.constant 0 : i32
    %c0_i32_1 = arith.constant 0 : i32
    return %c0_i32, %arg0, %c0_i32_0 : i32, i32, i32
  }
  func.func @transform_3(%arg0: i32) -> (i32, i32) {
    %c0_i32 = arith.constant 0 : i32
    %c0_i32_0 = arith.constant 0 : i32
    return %arg0, %c0_i32 : i32, i32
  }
}

module attributes {stable_mosaic.version = 14 : i64} {
  func.func @body(%arg0: i32, %arg1: memref<2x1000x128xf32, #tpu.memory_space<vmem>>, %arg2: memref<1000x128xf32, #tpu.memory_space<vmem>>, %arg3: memref<2x1000x16xf32, #tpu.memory_space<vmem>>, %arg4: memref<1x128xf32, #tpu.memory_space<vmem>>, %arg5: memref<128x128xf32, #tpu.memory_space<vmem>>, %arg6: memref<1000x128xf32, #tpu.memory_space<vmem>>) attributes {dimension_semantics = [#tpu.dimension_semantics<arbitrary>], iteration_bounds = array<i64: 10>, scalar_prefetch = 0 : i64, scratch_operands = 0 : i64, tpu.core_type = #tpu.core_type<tc>, window_params = [{transform_indices = @transform_0, window_bounds = array<i64: 2, 1000, 128>}, {transform_indices = @transform_1, window_bounds = array<i64: 1000, 128>}, {transform_indices = @transform_2, window_bounds = array<i64: 2, 1000, 16>}, {pipeline_mode = #tpu.pipeline_mode<synchronous>, transform_indices = @transform_3, window_bounds = array<i64: 1, 128>}, {pipeline_mode = #tpu.pipeline_mode<synchronous>, transform_indices = @transform_4, window_bounds = array<i64: 128, 128>}, {transform_indices = @transform_5, window_bounds = array<i64: 1000, 128>}]} {
    %get3A = arith.constant 0 : index
    %get3A_0 = arith.constant 0 : index
    %get3A_1 = arith.constant 0 : index
    %get3A_2 = vector.load %arg3[%get3A, %get3A_0, %get3A_1] : memref<2x1000x16xf32, #tpu.memory_space<vmem>>, vector<2x1000x16xf32>
    %slice3A = vector.extract_strided_slice %get3A_2 {offsets = [0, 0, 0], sizes = [1, 1000, 1], strides = [1, 1, 1]} : vector<2x1000x16xf32> to vector<1x1000x1xf32>
    %squeeze3A = vector.shape_cast %slice3A : vector<1x1000x1xf32> to vector<1000x1xf32>
    %slice3A_3 = vector.extract_strided_slice %get3A_2 {offsets = [1, 0, 0], sizes = [1, 1000, 1], strides = [1, 1, 1]} : vector<2x1000x16xf32> to vector<1x1000x1xf32>
    %squeeze3A_4 = vector.shape_cast %slice3A_3 : vector<1x1000x1xf32> to vector<1000x1xf32>
    %add3A = arith.addf %squeeze3A, %squeeze3A_4 : vector<1000x1xf32>
    %add3A_5 = arith.constant 1.000000e+00 : f32
    %add3A_6 = vector.broadcast %add3A_5 : f32 to vector<1000x1xf32>
    %add3A_7 = arith.addf %add3A, %add3A_6 : vector<1000x1xf32>
    %rsqrt3A = math.rsqrt %add3A_7 : vector<1000x1xf32>
    %get3A_8 = arith.constant 0 : index
    %get3A_9 = arith.constant 0 : index
    %get3A_10 = arith.constant 0 : index
    %get3A_11 = vector.load %arg1[%get3A_8, %get3A_9, %get3A_10] : memref<2x1000x128xf32, #tpu.memory_space<vmem>>, vector<2x1000x128xf32>
    %slice3A_12 = vector.extract_strided_slice %get3A_11 {offsets = [0, 0, 0], sizes = [1, 1000, 128], strides = [1, 1, 1]} : vector<2x1000x128xf32> to vector<1x1000x128xf32>
    %squeeze3A_13 = vector.shape_cast %slice3A_12 : vector<1x1000x128xf32> to vector<1000x128xf32>
    %slice3A_14 = vector.extract_strided_slice %get3A_11 {offsets = [1, 0, 0], sizes = [1, 1000, 128], strides = [1, 1, 1]} : vector<2x1000x128xf32> to vector<1x1000x128xf32>
    %squeeze3A_15 = vector.shape_cast %slice3A_14 : vector<1x1000x128xf32> to vector<1000x128xf32>
    %add3A_16 = arith.addf %squeeze3A_13, %squeeze3A_15 : vector<1000x128xf32>
    %get3A_17 = arith.constant 0 : index
    %get3A_18 = arith.constant 0 : index
    %get3A_19 = vector.load %arg2[%get3A_17, %get3A_18] : memref<1000x128xf32, #tpu.memory_space<vmem>>, vector<1000x128xf32>
    %add3A_20 = arith.addf %add3A_16, %get3A_19 : vector<1000x128xf32>
    %mul3A = vector.broadcast %rsqrt3A : vector<1000x1xf32> to vector<1000x128xf32>
    %mul3A_21 = arith.mulf %mul3A, %add3A_20 : vector<1000x128xf32>
    %get3A_22 = arith.constant 0 : index
    %get3A_23 = arith.constant 0 : index
    %get3A_24 = vector.load %arg4[%get3A_22, %get3A_23] : memref<1x128xf32, #tpu.memory_space<vmem>>, vector<1x128xf32>
    %add3A_25 = vector.broadcast %get3A_24 : vector<1x128xf32> to vector<1000x128xf32>
    %add3A_26 = arith.addf %mul3A_21, %add3A_25 : vector<1000x128xf32>
    %max3A = arith.constant 0.000000e+00 : f32
    %max3A_27 = vector.broadcast %max3A : f32 to vector<1000x128xf32>
    %max3A_28 = arith.maximumf %add3A_26, %max3A_27 : vector<1000x128xf32>
    %get3A_29 = arith.constant 0 : index
    %get3A_30 = arith.constant 0 : index
    %get3A_31 = vector.load %arg5[%get3A_29, %get3A_30] : memref<128x128xf32, #tpu.memory_space<vmem>>, vector<128x128xf32>
    %dot_general3A = arith.constant dense<0.000000e+00> : vector<1000x128xf32>
    %dot_general3A_32 = tpu.matmul %max3A_28, %get3A_31, %dot_general3A {dimension_numbers = #tpu.dot_dimension_numbers<[1], [0], [0], [1], [0, 0, 1, 1], [], []>, transpose_lhs_hint = false} : vector<1000x128xf32>, vector<128x128xf32>, vector<1000x128xf32> -> vector<1000x128xf32>
    %mul3A_33 = vector.broadcast %rsqrt3A : vector<1000x1xf32> to vector<1000x128xf32>
    %mul3A_34 = arith.mulf %dot_general3A_32, %mul3A_33 : vector<1000x128xf32>
    %swap3A = arith.constant 0 : index
    %swap3A_35 = arith.constant 0 : index
    %swap3A_36 = vector.load %arg6[%swap3A, %swap3A_35] : memref<1000x128xf32, #tpu.memory_space<vmem>>, vector<1000x128xf32>
    tpu.vector_store %arg6[%swap3A, %swap3A_35], %mul3A_34 {strides = array<i32>} : memref<1000x128xf32, #tpu.memory_space<vmem>>, vector<1000x128xf32>,
    return
  }
  func.func @transform_0(%arg0: i32) -> (i32, i32, i32) {
    %c0_i32 = arith.constant 0 : i32
    %c0_i32_0 = arith.constant 0 : i32
    %c0_i32_1 = arith.constant 0 : i32
    return %c0_i32, %arg0, %c0_i32_0 : i32, i32, i32
  }
  func.func @transform_1(%arg0: i32) -> (i32, i32) {
    %c0_i32 = arith.constant 0 : i32
    %c0_i32_0 = arith.constant 0 : i32
    return %arg0, %c0_i32 : i32, i32
  }
  func.func @transform_2(%arg0: i32) -> (i32, i32, i32) {
    %c0_i32 = arith.constant 0 : i32
    %c0_i32_0 = arith.constant 0 : i32
    %c0_i32_1 = arith.constant 0 : i32
    return %c0_i32, %arg0, %c0_i32_0 : i32, i32, i32
  }
  func.func @transform_3(%arg0: i32) -> (i32, i32) {
    %c0_i32 = arith.constant 0 : i32
    %c0_i32_0 = arith.constant 0 : i32
    %c0_i32_1 = arith.constant 0 : i32
    return %c0_i32, %c0_i32_0 : i32, i32
  }
  func.func @transform_4(%arg0: i32) -> (i32, i32) {
    %c0_i32 = arith.constant 0 : i32
    %c0_i32_0 = arith.constant 0 : i32
    %c0_i32_1 = arith.constant 0 : i32
    return %c0_i32, %c0_i32_0 : i32, i32
  }
  func.func @transform_5(%arg0: i32) -> (i32, i32) {
    %c0_i32 = arith.constant 0 : i32
    %c0_i32_0 = arith.constant 0 : i32
    return %arg0, %c0_i32 : i32, i32
  }
}

module attributes {stable_mosaic.version = 14 : i64} {
  func.func @body(%arg0: i32, %arg1: memref<2x1000x128xf32, #tpu.memory_space<vmem>>, %arg2: memref<1000x128xf32, #tpu.memory_space<vmem>>, %arg3: memref<2x1000x16xf32, #tpu.memory_space<vmem>>, %arg4: memref<1x128xf32, #tpu.memory_space<vmem>>, %arg5: memref<128x64xf32, #tpu.memory_space<vmem>>, %arg6: memref<1x64xf32, #tpu.memory_space<vmem>>, %arg7: memref<1000x64xf32, #tpu.memory_space<vmem>>) attributes {dimension_semantics = [#tpu.dimension_semantics<arbitrary>], iteration_bounds = array<i64: 10>, scalar_prefetch = 0 : i64, scratch_operands = 0 : i64, tpu.core_type = #tpu.core_type<tc>, window_params = [{transform_indices = @transform_0, window_bounds = array<i64: 2, 1000, 128>}, {transform_indices = @transform_1, window_bounds = array<i64: 1000, 128>}, {transform_indices = @transform_2, window_bounds = array<i64: 2, 1000, 16>}, {pipeline_mode = #tpu.pipeline_mode<synchronous>, transform_indices = @transform_3, window_bounds = array<i64: 1, 128>}, {pipeline_mode = #tpu.pipeline_mode<synchronous>, transform_indices = @transform_4, window_bounds = array<i64: 128, 64>}, {pipeline_mode = #tpu.pipeline_mode<synchronous>, transform_indices = @transform_5, window_bounds = array<i64: 1, 64>}, {transform_indices = @transform_6, window_bounds = array<i64: 1000, 64>}]} {
    %get3A = arith.constant 0 : index
    %get3A_0 = arith.constant 0 : index
    %get3A_1 = arith.constant 0 : index
    %get3A_2 = vector.load %arg3[%get3A, %get3A_0, %get3A_1] : memref<2x1000x16xf32, #tpu.memory_space<vmem>>, vector<2x1000x16xf32>
    %slice3A = vector.extract_strided_slice %get3A_2 {offsets = [0, 0, 0], sizes = [1, 1000, 1], strides = [1, 1, 1]} : vector<2x1000x16xf32> to vector<1x1000x1xf32>
    %squeeze3A = vector.shape_cast %slice3A : vector<1x1000x1xf32> to vector<1000x1xf32>
    %slice3A_3 = vector.extract_strided_slice %get3A_2 {offsets = [1, 0, 0], sizes = [1, 1000, 1], strides = [1, 1, 1]} : vector<2x1000x16xf32> to vector<1x1000x1xf32>
    %squeeze3A_4 = vector.shape_cast %slice3A_3 : vector<1x1000x1xf32> to vector<1000x1xf32>
    %add3A = arith.addf %squeeze3A, %squeeze3A_4 : vector<1000x1xf32>
    %add3A_5 = arith.constant 1.000000e+00 : f32
    %add3A_6 = vector.broadcast %add3A_5 : f32 to vector<1000x1xf32>
    %add3A_7 = arith.addf %add3A, %add3A_6 : vector<1000x1xf32>
    %rsqrt3A = math.rsqrt %add3A_7 : vector<1000x1xf32>
    %get3A_8 = arith.constant 0 : index
    %get3A_9 = arith.constant 0 : index
    %get3A_10 = arith.constant 0 : index
    %get3A_11 = vector.load %arg1[%get3A_8, %get3A_9, %get3A_10] : memref<2x1000x128xf32, #tpu.memory_space<vmem>>, vector<2x1000x128xf32>
    %slice3A_12 = vector.extract_strided_slice %get3A_11 {offsets = [0, 0, 0], sizes = [1, 1000, 128], strides = [1, 1, 1]} : vector<2x1000x128xf32> to vector<1x1000x128xf32>
    %squeeze3A_13 = vector.shape_cast %slice3A_12 : vector<1x1000x128xf32> to vector<1000x128xf32>
    %slice3A_14 = vector.extract_strided_slice %get3A_11 {offsets = [1, 0, 0], sizes = [1, 1000, 128], strides = [1, 1, 1]} : vector<2x1000x128xf32> to vector<1x1000x128xf32>
    %squeeze3A_15 = vector.shape_cast %slice3A_14 : vector<1x1000x128xf32> to vector<1000x128xf32>
    %add3A_16 = arith.addf %squeeze3A_13, %squeeze3A_15 : vector<1000x128xf32>
    %get3A_17 = arith.constant 0 : index
    %get3A_18 = arith.constant 0 : index
    %get3A_19 = vector.load %arg2[%get3A_17, %get3A_18] : memref<1000x128xf32, #tpu.memory_space<vmem>>, vector<1000x128xf32>
    %add3A_20 = arith.addf %add3A_16, %get3A_19 : vector<1000x128xf32>
    %mul3A = vector.broadcast %rsqrt3A : vector<1000x1xf32> to vector<1000x128xf32>
    %mul3A_21 = arith.mulf %mul3A, %add3A_20 : vector<1000x128xf32>
    %get3A_22 = arith.constant 0 : index
    %get3A_23 = arith.constant 0 : index
    %get3A_24 = vector.load %arg4[%get3A_22, %get3A_23] : memref<1x128xf32, #tpu.memory_space<vmem>>, vector<1x128xf32>
    %add3A_25 = vector.broadcast %get3A_24 : vector<1x128xf32> to vector<1000x128xf32>
    %add3A_26 = arith.addf %mul3A_21, %add3A_25 : vector<1000x128xf32>
    %max3A = arith.constant 0.000000e+00 : f32
    %max3A_27 = vector.broadcast %max3A : f32 to vector<1000x128xf32>
    %max3A_28 = arith.maximumf %add3A_26, %max3A_27 : vector<1000x128xf32>
    %get3A_29 = arith.constant 0 : index
    %get3A_30 = arith.constant 0 : index
    %get3A_31 = vector.load %arg5[%get3A_29, %get3A_30] : memref<128x64xf32, #tpu.memory_space<vmem>>, vector<128x64xf32>
    %dot_general3A = arith.constant dense<0.000000e+00> : vector<1000x64xf32>
    %dot_general3A_32 = tpu.matmul %max3A_28, %get3A_31, %dot_general3A {dimension_numbers = #tpu.dot_dimension_numbers<[1], [0], [0], [1], [0, 0, 1, 1], [], []>, transpose_lhs_hint = false} : vector<1000x128xf32>, vector<128x64xf32>, vector<1000x64xf32> -> vector<1000x64xf32>
    %get3A_33 = arith.constant 0 : index
    %get3A_34 = arith.constant 0 : index
    %get3A_35 = vector.load %arg6[%get3A_33, %get3A_34] : memref<1x64xf32, #tpu.memory_space<vmem>>, vector<1x64xf32>
    %add3A_36 = vector.broadcast %get3A_35 : vector<1x64xf32> to vector<1000x64xf32>
    %add3A_37 = arith.addf %dot_general3A_32, %add3A_36 : vector<1000x64xf32>
    %swap3A = arith.constant 0 : index
    %swap3A_38 = arith.constant 0 : index
    %swap3A_39 = vector.load %arg7[%swap3A, %swap3A_38] : memref<1000x64xf32, #tpu.memory_space<vmem>>, vector<1000x64xf32>
    tpu.vector_store %arg7[%swap3A, %swap3A_38], %add3A_37 {strides = array<i32>} : memref<1000x64xf32, #tpu.memory_space<vmem>>, vector<1000x64xf32>,
    return
  }
  func.func @transform_0(%arg0: i32) -> (i32, i32, i32) {
    %c0_i32 = arith.constant 0 : i32
    %c0_i32_0 = arith.constant 0 : i32
    %c0_i32_1 = arith.constant 0 : i32
    return %c0_i32, %arg0, %c0_i32_0 : i32, i32, i32
  }
  func.func @transform_1(%arg0: i32) -> (i32, i32) {
    %c0_i32 = arith.constant 0 : i32
    %c0_i32_0 = arith.constant 0 : i32
    return %arg0, %c0_i32 : i32, i32
  }
  func.func @transform_2(%arg0: i32) -> (i32, i32, i32) {
    %c0_i32 = arith.constant 0 : i32
    %c0_i32_0 = arith.constant 0 : i32
    %c0_i32_1 = arith.constant 0 : i32
    return %c0_i32, %arg0, %c0_i32_0 : i32, i32, i32
  }
  func.func @transform_3(%arg0: i32) -> (i32, i32) {
    %c0_i32 = arith.constant 0 : i32
    %c0_i32_0 = arith.constant 0 : i32
    %c0_i32_1 = arith.constant 0 : i32
    return %c0_i32, %c0_i32_0 : i32, i32
  }
  func.func @transform_4(%arg0: i32) -> (i32, i32) {
    %c0_i32 = arith.constant 0 : i32
    %c0_i32_0 = arith.constant 0 : i32
    %c0_i32_1 = arith.constant 0 : i32
    return %c0_i32, %c0_i32_0 : i32, i32
  }
  func.func @transform_5(%arg0: i32) -> (i32, i32) {
    %c0_i32 = arith.constant 0 : i32
    %c0_i32_0 = arith.constant 0 : i32
    %c0_i32_1 = arith.constant 0 : i32
    return %c0_i32, %c0_i32_0 : i32, i32
  }
  func.func @transform_6(%arg0: i32) -> (i32, i32) {
    %c0_i32 = arith.constant 0 : i32
    %c0_i32_0 = arith.constant 0 : i32
    return %arg0, %c0_i32 : i32, i32
  }
}

</mosaic_0001>

<sc_bundles>
// kernel: kernel.11.cloned.1.call-start
scs
__scs_entry_jumppad:
0x0: {  	(pc) =	sbr.rel $0x88, $3  }
0x1: {  	(tag) =	ssettag $0x0;
	lr =	simm.s32 $0x1  }
0x2: {  	[smem:$0x3F99] =	sst lr;
	_ =	strace $0xD0000000  }
0x3: {  	_ = 	snop  }
0x4: {  	_ = 	snop  }
0x5: {  	_ = 	snop  }
0x6: {  	_ = 	snop  }
0x7: {  	_ = 	snop  }
__scs_overlays_trampoline_lowered:
0x8: {  	[smem:$0x3FA8] =	sst s0  }
0x9: {  	[smem:$0x3FA9] =	sst s1  }
0xa: {  	[smem:$0x3FAA] =	sst s2  }
0xb: {  	[smem:$0x3FAB] =	sst s3  }
0xc: {  	[smem:$0x3FAC] =	sst s4  }
0xd: {  	[smem:$0x3FAD] =	sst s5  }
0xe: {  	[smem:$0x3FAE] =	sst s6  }
0xf: {  	[smem:$0x3FAF] =	sst s7  }
0x10: {  	[smem:$0x3FB0] =	sst s8  }
0x11: {  	[smem:$0x3FB1] =	sst s9;
	s0 =	simm.s32 @!p0 $0x0  }
0x12: {  	s1 =	sld [smem:$0x3F97];
	s0 =	simm.s32 @p0 $0x1  }
0x13: {  	[smem:$0x3FB2] =	sst s0;
	s0 =	simm.s32 @!p1 $0x0  }
0x14: {  	s2 =	sld [smem:$0x3F96];
	s0 =	simm.s32 @p1 $0x1  }
0x15: {  	[smem:$0x3FB3] =	sst s0;
	s0 =	simm.s32 @!p2 $0x0  }
0x16: {  	s3 =	sld [smem:$0x3FDB];
	s0 =	simm.s32 @p2 $0x1  }
0x17: {  	s4 =	simm.s32 $0x1BF5;
	[smem:$0x3FB5] =	sst s0  }
0x18: {  	s0 =	sld [smem:$0x3F98];
	_ =	swait.ge [sflag:s4], $0x0  }
0x19: {  	s7 =	sld [smem:$0x3F99]  }
0x1a: {  	s8 =	sadd.s32 $0xFFFFE003, lr  }
0x1b: {  	s9 =	sadd.s32 $0xFFFFFEF7, lr;
	s5 =	simm.s32 $0xFFFFFFFF;
	p2 =	slt.u32 s8, $0xFFFFF086  }
0x1c: {  	p1 =	slt.u32 s9, $0xF7A;
	s5 =	simm.s32 @!p2 $0x0  }
0x1d: {  	s5 =	simm.s32 @p1 $0x1;
	p0 =	seq.s32 s7, s2  }
0x1e: {  	s7 =	smul.u32 @!p0 $0xF7A, s2;
	p2 =	seq.s32 @!p0 s5, $0x0  }
0x1f: {  	s9 =	smul.u32 $0xF7A, s1;
	s8 =	simm.s32 @!p0 $0x1BF5;
	p2 =	por !p2, p0  }
0x20: {  	[sflag:s8] =	ssyncset.s32 @!p0 $0xFFFFF086;
	s6 =	sadd.s32 @!p0 s3, s7;
	s7 =	simm.s32 @!p0 $0x108  }
0x21: {  	s3 =	sadd.s32 s3, s9;
	s6 =	sadd.s32 @!p0 $0x88, s6;
	s7 =	simm.s32 @p2 $0x1082  }
0x22: {  	[simem:s7], [sflag:s8] =	dma.local @!p0 [hbm:s6], $0xF7A  }
0x23: {  	s9 =	sor.u32 $0xD0000000, s2;
	s6 =	simm.s32 $0x108;
	_ =	swait.ge @!p0 [sflag:s8], $0x0  }
0x24: {  	s3 =	sadd.s32 $0x88, s3;
	s6 =	simm.s32 @!p1 $0x1082;
	[sflag:s4] =	ssyncset.s32 $0xFFFFF086  }
0x25: {  	[simem:s6], [sflag:s4] =	dma.local [hbm:s3], $0xF7A  }
0x26: {  	[smem:$0x3F99] =	sst s1;
	(tag) =	ssettag s2;
	_ =	strace s9  }
0x27: {  	s1 =	sld [smem:$0x3FA9]  }
0x28: {  	s2 =	sld [smem:$0x3FAA]  }
0x29: {  	s4 =	sld [smem:$0x3FAC]  }
0x2a: {  	p0 =	seq.s32 s5, $0x0;
	s5 =	sld [smem:$0x3FAD]  }
0x2b: {  	s6 =	sld [smem:$0x3FAE]  }
0x2c: {  	s7 =	sld [smem:$0x3FAF]  }
0x2d: {  	s3 =	simm.s32 $0x108;
	s8 =	sld [smem:$0x3FB0]  }
0x2e: {  	s3 =	simm.s32 @!p0 $0x1082;
	s9 =	sld [smem:$0x3FB1]  }
0x2f: {  	lr =	sadd.s32 s0, s3;
	s0 =	sld [smem:$0x3FA8]  }
0x30: {  	s3 =	sld [smem:$0x3FAB]  }
0x31: {  	[smem:$0x3FB4] =	sst s10  }
0x32: {  	s10 =	sld [smem:$0x3FB2];
	_ =	sdelay $0x3  }
0x33: {  	p0 =	seq.s32 s10, $0x1;
	s10 =	sld [smem:$0x3FB4];
	_ =	sdelay $0x3  }
0x34: {  	[smem:$0x3FB4] =	sst s10  }
0x35: {  	s10 =	sld [smem:$0x3FB3];
	_ =	sdelay $0x3  }
0x36: {  	p1 =	seq.s32 s10, $0x1;
	s10 =	sld [smem:$0x3FB4];
	_ =	sdelay $0x3  }
0x37: {  	[smem:$0x3FB4] =	sst s10  }
0x38: {  	s10 =	sld [smem:$0x3FB5]  }
0x39: {  	_ = 	snop;
	(pc) =	sbr.ind lr, $3  }
0x3a: {  	_ = 	snop  }
0x3b: {  	_ = 	snop  }
0x3c: {  	p2 =	seq.s32 s10, $0x1;
	s10 =	sld [smem:$0x3FB4]  }
0x3d: {  	_ =	shalt  }
0x3e: {  	_ =	shalt  }
0x3f: {  	_ =	shalt  }
0x40: {  	_ =	shalt  }
0x41: {  	_ =	shalt  }
0x42: {  	_ =	shalt  }
0x43: {  	_ =	shalt  }
0x44: {  	_ =	shalt  }
0x45: {  	_ =	shalt  }
0x46: {  	_ =	shalt  }
0x47: {  	_ =	shalt  }
0x48: {  	_ =	shalt  }
0x49: {  	_ =	shalt  }
0x4a: {  	_ =	shalt  }
0x4b: {  	_ =	shalt  }
0x4c: {  	_ =	shalt  }
0x4d: {  	_ =	shalt  }
0x4e: {  	_ =	shalt  }
0x4f: {  	_ =	shalt  }
0x50: {  	_ =	shalt  }
0x51: {  	_ =	shalt  }
0x52: {  	_ =	shalt  }
0x53: {  	_ =	shalt  }
0x54: {  	_ =	shalt  }
0x55: {  	_ =	shalt  }
0x56: {  	_ =	shalt  }
0x57: {  	_ =	shalt  }
0x58: {  	_ =	shalt  }
0x59: {  	_ =	shalt  }
0x5a: {  	_ =	shalt  }
0x5b: {  	_ =	shalt  }
0x5c: {  	_ =	shalt  }
0x5d: {  	_ =	shalt  }
0x5e: {  	_ =	shalt  }
0x5f: {  	_ =	shalt  }
0x60: {  	_ =	shalt  }
0x61: {  	_ =	shalt  }
0x62: {  	_ =	shalt  }
0x63: {  	_ =	shalt  }
0x64: {  	_ =	shalt  }
0x65: {  	_ =	shalt  }
0x66: {  	_ =	shalt  }
0x67: {  	_ =	shalt  }
0x68: {  	_ =	shalt  }
0x69: {  	_ =	shalt  }
0x6a: {  	_ =	shalt  }
0x6b: {  	_ =	shalt  }
0x6c: {  	_ =	shalt  }
0x6d: {  	_ =	shalt  }
0x6e: {  	_ =	shalt  }
0x6f: {  	_ =	shalt  }
0x70: {  	_ =	shalt  }
0x71: {  	_ =	shalt  }
0x72: {  	_ =	shalt  }
0x73: {  	_ =	shalt  }
0x74: {  	_ =	shalt  }
0x75: {  	_ =	shalt  }
0x76: {  	_ =	shalt  }
0x77: {  	_ =	shalt  }
0x78: {  	_ =	shalt  }
0x79: {  	_ =	shalt  }
0x7a: {  	_ =	shalt  }
0x7b: {  	_ =	shalt  }
0x7c: {  	_ =	shalt  }
0x7d: {  	_ =	shalt  }
0x7e: {  	_ =	shalt  }
0x7f: {  	_ =	shalt  }
0x80: {  	_ =	shalt  }
0x81: {  	_ =	shalt  }
0x82: {  	_ =	shalt  }
0x83: {  	_ =	shalt  }
0x84: {  	_ =	shalt  }
0x85: {  	_ =	shalt  }
0x86: {  	_ =	shalt  }
0x87: {  	_ =	shalt  }
.Lfunc_end0:
.L_simem_size_0:
called_computation.1_lowered:
.L_overlay_start_0:
0x88: {  	s2 =	sld [smem:$0x3FD9]  }
0x89: {  	s3 =	sld [smem:$0x3FFE];
	_ =	sdelay $0x1  }
0x8a: {  	s1 =	srdreg.scid  }
0x8b: {  	s0 =	sand.u32 $0x1, s1  }
0x8c: {  	s17 =	sshll.u32 s0, $0xA;
	s2 =	sadd.s32 s3, s2  }
0x8d: {  	s2 =	sadd.s32 s2, s17  }
0x8e: {  	[smem:$0x3FC0] =	sst s2  }
0x8f: {  	_ = 	snop  }
0x90: {  	s2 =	sld [smem:$0x3FD0];
	(tm) =	ssettm $0x1  }
0x91: {  	s18 =	sld [smem:$0x3FFB];
	_ =	sdelay $0x3  }
0x92: {  	_ =	strace s18  }
0x93: {  	s3 =	sld [smem:$0x3FFC];
	_ =	sdelay $0x3  }
0x94: {  	_ =	strace s3  }
0x95: {  	s3 =	sld [smem:$0x3FFD];
	_ =	sdelay $0x3  }
0x96: {  	_ =	strace s3  }
0x97: {  	_ =	strace $0x8FFFFFFF  }
0x98: {  	s19 =	sld [smem:$0x3FDB];
	_ =	sdelay $0x1  }
0x99: {  	s4 =	simm.s32 $_scs_section_size  }
0x9a: {  	s5 =	simm.s32 $_size__tile_overlayer_lowered;
	s6 =	simm.s32 $_tile_overlayer_lowered  }
0x9b: {  	s22 =	simm.s32 $0x1BFF;
	s21 =	sshll.u32 s6, $0x1;
	s3 =	sadd.s32 s4, s19  }
0x9c: {  	s7 =	simm.s32 $0x0;
	s20 =	sshll.u32 s5, $0x1;
	s5 =	sadd.s32 s21, s3  }
0x9d: {  	[timem:s7], [sflag:s22] =	dma.local [hbm:s5], s20  }
0x9e: {  	_ =	swait.ge [sflag:s22], s20  }
0x9f: {  	s4 =	ssub.s32 $0x0, s20;
	[sflag:s22] =	ssyncset.done $0x0  }
0xa0: {  	[sflag:s22] =	ssyncadd.s32 s4;
	_ =	sdelay $0x1  }
0xa1: {  	s23 =	simm.s32 $0x1B8B  }
0xa2: {  	_ =	swait.ge [sflag:s23], $0x1  }
0xa3: {  	[sflag:s23] =	ssyncset.done $0x0  }
0xa4: {  	s25 =	simm.s32 $0x1B8E;
	s24 =	sld [smem:$0x3FFE];
	[sflag:s23] =	ssyncadd.s32 $0xFFFFFFFF  }
0xa5: {  	s26 =	simm.s32 $execute0_lowered;
	[smem:$0x3FD2] =	sst s25  }
0xa6: {  	s5 =	sshll.u32 s26, $0x1;
	_ =	strace $0x80000049;
	[dreg:$0x1] =	wrdreg $0xFFFFFFFF  }
0xa7: {  	s28 =	simm.s32 $_size_execute0_lowered;
	s3 =	sadd.s32 s3, s5;
	[dreg:$0x0] =	wrdreg $0x0  }
0xa8: {  	s5 =	sshll.u32 s28, $0x1;
	[dreg:$0x2] =	wrdreg s3  }
0xa9: {  	[dreg:$0x3] =	wrdreg s5  }
0xaa: {  	[dreg:$0x4] =	wrdreg $0xC0  }
0xab: {  	_ =	task [dreg:s7], $0x5FFFF  }
0xac: {  	[dreg:$0x1] =	wrdreg $0xFFFFFFFF  }
0xad: {  	[dreg:$0x0] =	wrdreg $0x60  }
0xae: {  	[dreg:$0x2] =	wrdreg s24  }
0xaf: {  	[dreg:$0x3] =	wrdreg s2  }
0xb0: {  	[dreg:$0x4] =	wrdreg $0xA8000  }
0xb1: {  	[dreg:$0x5] =	wrdreg $0x9  }
0xb2: {  	_ =	task.clear_ibuf [dreg:s7], $0x6FFFF;
	_ =	strace $0x90000049  }
0xb3: {  	s29 =	simm.s32 $0x9;
	_ =	strace $0x8000004B  }
0xb4: {  	_ =	swait.ge [sflag:s29], $0x1  }
0xb5: {  	[sflag:s29] =	ssyncadd.s32 $0xFFFFFFFF  }
0xb6: {  	_ =	strace $0x9000004B  }
0xb7: {  	_ =	sfence  }
0xb8: {  	s30 =	sld [smem:$0x0];
	_ =	sdelay $0x2  }
0xb9: {  	s31 =	sshll.u32 s1, $0xD;
	s1 =	sshrl.u32 s1, $0x2  }
0xba: {  	s3 =	sand.u32 $0x4000, s31;
	s1 =	sadd.s32 s1, s30  }
0xbb: {  	s0 =	sor.u32 s3, s0;
	s1 =	sshll.u32 s1, $0x11  }
0xbc: {  	s0 =	sor.u32 s1, s0  }
0xbd: {  	s0 =	sadd.s32 $0x8F2B, s0  }
0xbe: {  	[sflag:s0] =	ssyncadd.remote.s32 $0x1  }
0xbf: {  	_ =	sfence.sel $0xFFFF  }
0xc0: {  	[dreg:$0x0] =	wrdreg $0xFFFFFFFF;
	(pc) =	sbr.abs _section_cstart, $3  }
0xc1: {  	[dreg:$0x1] =	wrdreg $0xFFFFFFFF  }
0xc2: {  	_ =	task.clear_ibuf [dreg:s7], $0x2FFFF;
	_ =	strace $0x9FFFFFFF  }
0xc3: {  	(tm) =	ssettm $0x7FFFFFFF  }
tec
execute0_lowered:
.L_overlay_start_1:
0x0: {  	(tag) =	ssettag $0x1  }
0x1: {  	s5 =	rddreg [dreg:$0x0]  }
0x2: {  	s3 =	srdreg.scid;
	s1 =	stileid.u32  }
0x3: {  	s14 =	rddreg [dreg:$0x1];
	s6 =	sand.u32 $0x1, s3;
	s30 =	smul.u32 $0xA000, s1  }
0x4: {  	s2 =	rddreg [dreg:$0x2];
	s9 =	sor.u32 $0x10, s1;
	s29 =	smul.u32 $0x27100, s6  }
0x5: {  	s3 =	simm.s32 $0x0;
	s10 =	sor.u32 $0x20, s1;
	s31 =	smul.u32 $0xA000, s9  }
0x6: {  	s7 =	sshll.u32 s1, $0xB;
	s12 =	sor.u32 $0x30, s1;
	s11 =	smul.u32 $0xA000, s10  }
0x7: {  	s18 =	sor.u32 $0x40, s1;
	s20 =	sor.u32 $0x50, s1;
	s0 =	smul.u32 $0xA000, s12  }
0x8: {  	s22 =	sor.u32 $0x60, s1;
	s24 =	sor.u32 $0x70, s1;
	s19 =	smul.u32 $0xA000, s18  }
0x9: {  	p0 =	sgt.u32 s1, $0xC;
	s4 =	sshll.u32 s6, $0xF;
	s21 =	smul.u32 $0xA000, s20  }
0xa: {  	[smem:$0x7FF] =	sst s3;
	s6 =	ssub.s32 $0x2, s6;
	s23 =	smul.u32 $0xA000, s22  }
0xb: {  	s28 =	smul.u32 $0x500, s20;
	s15 =	sor.u32 s7, s4;
	_ =	strace $0x8000004A  }
0xc: {  	s4 =	sadd.s32 $0x60800, s5;
	s8 =	sshrl.u32 s6, $0x1;
	s13 =	sadd.s32 s15, s5  }
0xd: {  	s16 =	sadd.s32 s29, s5;
	s17 =	ssub.s32 s6, s8;
	s5 =	sshrl.u32 s30, $0x2  }
0xe: {  	s25 =	sshrl.u32 s31, $0x2;
	s29 =	sshrl.u32 s19, $0x2;
	s19 =	smul.u32 $0x500, s9  }
0xf: {  	s26 =	sshrl.u32 s11, $0x2;
	s30 =	sshrl.u32 s21, $0x2;
	s21 =	smul.u32 $0x500, s10  }
0x10: {  	s8 =	sshrl.u32 s0, $0x2;
	s31 =	sshrl.u32 s23, $0x2;
	s0 =	smul.u32 $0x500, s12  }
0x11: {  	s14 =	sadd.s32 s14, s15;
	s6 =	sadd.s32 s25, s2;
	s25 =	smul.u32 $0xA000, s24  }
0x12: {  	s5 =	sadd.s32 s5, s2;
	s7 =	sadd.s32 s26, s2;
	s26 =	smul.u32 $0x500, s1  }
0x13: {  	s8 =	sadd.s32 s8, s2;
	s9 =	sadd.s32 s29, s2;
	s10 =	sadd.s32 s30, s2  }
0x14: {  	s11 =	sadd.s32 s31, s2;
	s31 =	smul.u32 $0x500, s18;
	s13 =	sadd.s32 $0x50800, s13  }
0x15: {  	s29 =	sadd.s32 $0x87A00, s16;
	s24 =	smul.u32 $0x500, s24;
	s15 =	smax.u32 s17, $0x1  }
0x16: {  	s16 =	simm.s32 $0x8000;
	s18 =	sadd.s32 s19, s29;
	s19 =	sadd.s32 s21, s29  }
0x17: {  	s20 =	sadd.s32 s0, s29;
	s30 =	sshrl.u32 s25, $0x2;
	s17 =	sadd.s32 s26, s29  }
0x18: {  	s21 =	sadd.s32 s31, s29;
	s12 =	sadd.s32 s30, s2;
	s30 =	smul.u32 $0x500, s22  }
0x19: {  	s24 =	sadd.s32 @!p0 s24, s29;
	s25 =	simm.s32 $0x1;
	s26 =	simm.s32 $0x4000  }
0x1a: {  	v0 =	vimm.f32 $0.0e+00;
	s22 =	sadd.s32 s28, s29;
	s28 =	simm.s32 $0x50;
	s23 =	sadd.s32 s30, s29  }
.LBB2_1:
0x1b: {  	s29 =	simm.s32 $0x0;
	s30 =	simm.s32 $0x200  }
.LBB2_2:
0x1c: {  	p1 =	sne.s32 s30, $0x9E00;
	[tilespmem:s29+$0x8070] =	vst v0  }
0x1d: {  	[tilespmem:s29+$0x8000] =	vst v0  }
0x1e: {  	[tilespmem:s29+$0x8010] =	vst v0  }
.Ltmp0:
0x1f: {  	[tilespmem:s29+$0x8020] =	vst v0;
	(pc) =	sbr.rel @p1 .LBB2_2-.Ltmp0, $4  }
0x20: {  	[tilespmem:s29+$0x8030] =	vst v0  }
0x21: {  	[tilespmem:s29+$0x8040] =	vst v0  }
0x22: {  	[tilespmem:s29+$0x8050] =	vst v0  }
0x23: {  	[tilespmem:s29+$0x8060] =	vst v0;
	s29 =	sshra.s32 s30, $0x2;
	s30 =	sadd.s32 $0x200, s30  }
0x24: {  	[tilespmem:s29+$0x8070] =	vst v0  }
0x25: {  	[tilespmem:s29+$0x8000] =	vst v0  }
0x26: {  	[tilespmem:s29+$0x8010] =	vst v0  }
0x27: {  	[tilespmem:s29+$0x8020] =	vst v0  }
0x28: {  	[tilespmem:s29+$0x8030] =	vst v0  }
0x29: {  	[tilespmem:s29+$0x8040] =	vst v0  }
0x2a: {  	[tilespmem:s29+$0x8050] =	vst v0  }
0x2b: {  	[tilespmem:s29+$0x8060] =	vst v0  }
0x2c: {  	[spmem:s5] =	stream.linear.scatter [tilespmem:s16], [sflag:$0x1], $0x2800, $0x38;
	[tilespmem:$0x1E080] =	vst v63  }
0x2d: {  	_ =	swait.ge [sflag:s25], $0x2800  }
0x2e: {  	[sflag:s25] =	ssyncset.done $0x0  }
0x2f: {  	[sflag:s25] =	ssyncadd.s32 $0xFFFFD800  }
0x30: {  	[spmem:s6] =	stream.linear.scatter [tilespmem:s16], [sflag:$0x1], $0x2800, $0x38;
	[tilespmem:$0x1E080] =	vst v63  }
0x31: {  	_ =	swait.ge [sflag:s25], $0x2800  }
0x32: {  	[sflag:s25] =	ssyncset.done $0x0  }
0x33: {  	[sflag:s25] =	ssyncadd.s32 $0xFFFFD800  }
0x34: {  	[spmem:s7] =	stream.linear.scatter [tilespmem:s16], [sflag:$0x1], $0x2800, $0x38;
	[tilespmem:$0x1E080] =	vst v63  }
0x35: {  	_ =	swait.ge [sflag:s25], $0x2800  }
0x36: {  	[sflag:s25] =	ssyncset.done $0x0  }
0x37: {  	[sflag:s25] =	ssyncadd.s32 $0xFFFFD800  }
0x38: {  	[spmem:s8] =	stream.linear.scatter [tilespmem:s16], [sflag:$0x1], $0x2800, $0x38;
	[tilespmem:$0x1E080] =	vst v63  }
0x39: {  	_ =	swait.ge [sflag:s25], $0x2800  }
0x3a: {  	[sflag:s25] =	ssyncset.done $0x0  }
0x3b: {  	[sflag:s25] =	ssyncadd.s32 $0xFFFFD800  }
0x3c: {  	[spmem:s9] =	stream.linear.scatter [tilespmem:s16], [sflag:$0x1], $0x2800, $0x38;
	[tilespmem:$0x1E080] =	vst v63  }
0x3d: {  	_ =	swait.ge [sflag:s25], $0x2800  }
0x3e: {  	[sflag:s25] =	ssyncset.done $0x0  }
0x3f: {  	[sflag:s25] =	ssyncadd.s32 $0xFFFFD800  }
0x40: {  	[spmem:s10] =	stream.linear.scatter [tilespmem:s16], [sflag:$0x1], $0x2800, $0x38;
	[tilespmem:$0x1E080] =	vst v63  }
0x41: {  	_ =	swait.ge [sflag:s25], $0x2800  }
0x42: {  	[sflag:s25] =	ssyncset.done $0x0  }
0x43: {  	[sflag:s25] =	ssyncadd.s32 $0xFFFFD800  }
0x44: {  	[spmem:s11] =	stream.linear.scatter [tilespmem:s16], [sflag:$0x1], $0x2800, $0x38;
	[tilespmem:$0x1E080] =	vst v63  }
0x45: {  	_ =	swait.ge [sflag:s25], $0x2800  }
0x46: {  	[sflag:s25] =	ssyncset.done $0x0  }
0x47: {  	s29 =	simm.s32 @!p0 $0x8000;
	[sflag:s25] =	ssyncadd.s32 $0xFFFFD800  }
0x48: {  	[spmem:s12] =	stream.linear.scatter @!p0 [tilespmem:s29], [sflag:$0x1], $0x2800, $0x38;
	[tilespmem:$0x1E080] =	vst v63  }
0x49: {  	s29 =	simm.s32 @!p0 $0x1  }
0x4a: {  	_ =	swait.ge @!p0 [sflag:s29], $0x2800  }
0x4b: {  	[sflag:s29] =	ssyncset.done @!p0 $0x0  }
0x4c: {  	[sflag:s29] =	ssyncadd.s32 @!p0 $0xFFFFD800  }
0x4d: {  	s29 =	simm.s32 $0x0;
	[bflag:$0x0] =	sbarrier.arrive $0xFFFF  }
0x4e: {  	[tilespmem:s29], [sflag:$0x1] =	stream.linear.gather [hbm4b:s13+s29], $0x3E80, $0x38;
	[tilespmem:$0x1E080] =	vst v63  }
0x4f: {  	_ =	swait.ge [sflag:s25], $0x3E80  }
0x50: {  	[sflag:s25] =	ssyncset.done $0x0  }
0x51: {  	[sflag:s25] =	ssyncadd.s32 $0xFFFFC180  }
0x52: {  	[tilespmem:s26], [sflag:$0x1] =	stream.linear.gather [hbm4b:s14+s29], $0x3E80, $0x38;
	[tilespmem:$0x1E080] =	vst v63  }
0x53: {  	_ =	swait.ge [sflag:s25], $0x3E80  }
0x54: {  	[sflag:s25] =	ssyncset.done $0x0  }
0x55: {  	s29 =	simm.s32 $0x0;
	[sflag:s25] =	ssyncadd.s32 $0xFFFFC180  }
0x56: {  	[tilespmem:s16], [sflag:$0x1] =	stream.indirect.gather [hbm4b:s4+s28], $0x80, s29, s28, $0xb8;
	[tilespmem:$0x1E080] =	vst v63  }
0x57: {  	_ =	swait.ge [sflag:s25], $0x2800  }
0x58: {  	[sflag:s25] =	ssyncset.done $0x0  }
0x59: {  	s29 =	simm.s32 $0x4000;
	[sflag:s25] =	ssyncadd.s32 $0xFFFFD800  }
0x5a: {  	[spmem:s2] =	stream.indirect.scatter.add.f32 [tilespmem:s16], [sflag:$0x1], $0x80, s29, s28, $0xb8;
	[tilespmem:$0x1E080] =	vst v63  }
0x5b: {  	_ =	swait.ge [sflag:s25], $0x2800  }
0x5c: {  	s30 =	simm.s32 $0x400;
	s29 =	simm.s32 $0x200;
	[sflag:s25] =	ssyncset.done $0x0  }
.LBB2_4:
0x5d: {  	s31 =	sshra.s32 s29, $0x2  }
0x5e: {  	[sflag:s25] =	ssyncadd.s32 $0xFFFFD800;
	s29 =	smov.u32 s30;
	s0 =	sadd.s32 $0x200, s30  }
0x5f: {  	[tilespmem:s16], [sflag:$0x1] =	stream.indirect.gather [hbm4b:s4+s28], $0x80, s31, s28, $0xb8;
	[tilespmem:$0x1E080] =	vst v63  }
0x60: {  	p1 =	sne.s32 s30, $0xF800;
	_ =	swait.ge [sflag:s25], $0x2800  }
.Ltmp1:
0x61: {  	[sflag:s25] =	ssyncset.done $0x0;
	(pc) =	sbr.rel @p1 .LBB2_4-.Ltmp1, $4  }
0x62: {  	s30 =	sadd.s32 $0x4000, s31;
	[sflag:s25] =	ssyncadd.s32 $0xFFFFD800  }
0x63: {  	[spmem:s2] =	stream.indirect.scatter.add.f32 [tilespmem:s16], [sflag:$0x1], $0x80, s30, s28, $0xb8;
	[tilespmem:$0x1E080] =	vst v63  }
0x64: {  	_ =	swait.ge [sflag:s25], $0x2800  }
0x65: {  	s30 =	smov.u32 s0;
	[sflag:s25] =	ssyncset.done $0x0  }
0x66: {  	s0 =	sshra.s32 s29, $0x2;
	[sflag:s25] =	ssyncadd.s32 $0xFFFFD800  }
0x67: {  	[tilespmem:s16], [sflag:$0x1] =	stream.indirect.gather [hbm4b:s4+s28], $0x80, s0, s28, $0xb8;
	[tilespmem:$0x1E080] =	vst v63  }
0x68: {  	_ =	swait.ge [sflag:s25], $0x2800  }
0x69: {  	[sflag:s25] =	ssyncset.done $0x0  }
0x6a: {  	s0 =	sadd.s32 $0x4000, s0;
	[sflag:s25] =	ssyncadd.s32 $0xFFFFD800  }
0x6b: {  	[spmem:s2] =	stream.indirect.scatter.add.f32 [tilespmem:s16], [sflag:$0x1], $0x80, s0, s28, $0xb8;
	[tilespmem:$0x1E080] =	vst v63  }
0x6c: {  	_ =	swait.ge [sflag:s25], $0x2800  }
0x6d: {  	[sflag:s25] =	ssyncset.done $0x0  }
0x6e: {  	s30 =	sshll.u32 s1, $0x6;
	[sflag:s25] =	ssyncadd.s32 $0xFFFFD800  }
0x6f: {  	s31 =	sshrl.u32 s5, $0x3;
	s0 =	sor.u32 $0x1C01, s30;
	[bflag:$0x0] =	sbarrier.arrive $0xFFFF  }
0x70: {  	[hbm:s17], [sflag:s0] =	dma.local [spmem:s31], $0x500  }
0x71: {  	_ =	swait.ge [sflag:s25], $0x500  }
0x72: {  	[sflag:s25] =	ssyncset.done $0x0  }
0x73: {  	s30 =	sshrl.u32 s6, $0x3;
	[sflag:s25] =	ssyncadd.s32 $0xFFFFFB00  }
0x74: {  	[hbm:s18], [sflag:s0] =	dma.local [spmem:s30], $0x500  }
0x75: {  	_ =	swait.ge [sflag:s25], $0x500  }
0x76: {  	[sflag:s25] =	ssyncset.done $0x0  }
0x77: {  	s31 =	sshrl.u32 s7, $0x3;
	[sflag:s25] =	ssyncadd.s32 $0xFFFFFB00  }
0x78: {  	[hbm:s19], [sflag:s0] =	dma.local [spmem:s31], $0x500  }
0x79: {  	_ =	swait.ge [sflag:s25], $0x500  }
0x7a: {  	[sflag:s25] =	ssyncset.done $0x0  }
0x7b: {  	s30 =	sshrl.u32 s8, $0x3;
	[sflag:s25] =	ssyncadd.s32 $0xFFFFFB00  }
0x7c: {  	[hbm:s20], [sflag:s0] =	dma.local [spmem:s30], $0x500  }
0x7d: {  	_ =	swait.ge [sflag:s25], $0x500  }
0x7e: {  	[sflag:s25] =	ssyncset.done $0x0  }
0x7f: {  	s31 =	sshrl.u32 s9, $0x3;
	[sflag:s25] =	ssyncadd.s32 $0xFFFFFB00  }
0x80: {  	[hbm:s21], [sflag:s0] =	dma.local [spmem:s31], $0x500  }
0x81: {  	_ =	swait.ge [sflag:s25], $0x500  }
0x82: {  	[sflag:s25] =	ssyncset.done $0x0  }
0x83: {  	s30 =	sshrl.u32 s10, $0x3;
	[sflag:s25] =	ssyncadd.s32 $0xFFFFFB00  }
0x84: {  	[hbm:s22], [sflag:s0] =	dma.local [spmem:s30], $0x500  }
0x85: {  	_ =	swait.ge [sflag:s25], $0x500  }
0x86: {  	[sflag:s25] =	ssyncset.done $0x0  }
0x87: {  	s31 =	sshrl.u32 s11, $0x3;
	[sflag:s25] =	ssyncadd.s32 $0xFFFFFB00  }
0x88: {  	[hbm:s23], [sflag:s0] =	dma.local [spmem:s31], $0x500  }
0x89: {  	_ =	swait.ge [sflag:s25], $0x500  }
0x8a: {  	s3 =	sadd.s32 $0x1, s3;
	[sflag:s25] =	ssyncset.done $0x0  }
0x8b: {  	s29 =	sshrl.u32 @!p0 s12, $0x3;
	p1 =	sne.s32 s3, s15;
	[sflag:s25] =	ssyncadd.s32 $0xFFFFFB00  }
0x8c: {  	[hbm:s24], [sflag:s0] =	dma.local @!p0 [spmem:s29], $0x500  }
.Ltmp2:
0x8d: {  	_ = 	snop;
	(pc) =	sbr.rel @p1 .LBB2_1-.Ltmp2, $4  }
0x8e: {  	s0 =	simm.s32 @!p0 $0x1  }
0x8f: {  	_ =	swait.ge @!p0 [sflag:s0], $0x500  }
0x90: {  	[sflag:s0] =	ssyncset.done @!p0 $0x0  }
0x91: {  	[sflag:s0] =	ssyncadd.s32 @!p0 $0xFFFFFB00  }
0x92: {  	_ =	sfence.sel $0x180000  }
0x93: {  	[bflag:$0x0] =	sbarrier.arrive $0xFFFF  }
0x94: {  	_ =	strace $0x9000004A  }
0x95: {  	[bflag:$0x2] =	sbarrier.arrive $0xFFFF  }
0x96: {  	p0 =	sne.s32 s1, $0x0;
	s0 =	rddreg [dreg:$0x3]  }
0x97: {  	s0 =	sadd.s32 @!p0 $0x100000, s0  }
0x98: {  	[sflag:s0] =	ssyncadd.tile.s32 @!p0 $0x1;
	_ =	shalt  }
.Lfunc_end2:
_tile_overlayer_lowered:
.L_overlay_start_2:
0x99: {  	(tag) =	ssettag $0x2  }
0x9a: {  	s0 =	rddreg [dreg:$0x0];
	s2 =	stileid.u32  }
0x9b: {  	s1 =	rddreg [dreg:$0x1];
	p0 =	sne.s32 s2, $0x0  }
0x9c: {  	s3 =	rddreg [dreg:$0x2];
	[bflag:$0x3] =	sbarrier.arrive $0xFFFF;
	s2 =	simm.s32 @!p0 $0x1C01  }
0x9d: {  	[timem:s3], [sflag:s2] =	dma.local @!p0 [hbm:s0], s1  }
0x9e: {  	s0 =	simm.s32 @!p0 $0x1  }
0x9f: {  	_ =	swait.ge @!p0 [sflag:s0], s1  }
0xa0: {  	s1 =	ssub.s32 @!p0 $0x0, s1;
	[sflag:s0] =	ssyncset.done @!p0 $0x0  }
0xa1: {  	[sflag:s0] =	ssyncadd.s32 @!p0 s1  }
0xa2: {  	[bflag:$0x3] =	sbarrier.arrive $0xFFFF  }
0xa3: {  	_ =	shalt  }

// kernel: kernel.14.cloned.1.call-start
scs
__scs_entry_jumppad:
0x0: {  	(pc) =	sbr.rel $0x88, $3  }
0x1: {  	(tag) =	ssettag $0x0;
	lr =	simm.s32 $0x1  }
0x2: {  	[smem:$0x3F99] =	sst lr;
	_ =	strace $0xD0000000  }
0x3: {  	_ = 	snop  }
0x4: {  	_ = 	snop  }
0x5: {  	_ = 	snop  }
0x6: {  	_ = 	snop  }
0x7: {  	_ = 	snop  }
__scs_overlays_trampoline_lowered:
0x8: {  	[smem:$0x3FA8] =	sst s0  }
0x9: {  	[smem:$0x3FA9] =	sst s1  }
0xa: {  	[smem:$0x3FAA] =	sst s2  }
0xb: {  	[smem:$0x3FAB] =	sst s3  }
0xc: {  	[smem:$0x3FAC] =	sst s4  }
0xd: {  	[smem:$0x3FAD] =	sst s5  }
0xe: {  	[smem:$0x3FAE] =	sst s6  }
0xf: {  	[smem:$0x3FAF] =	sst s7  }
0x10: {  	[smem:$0x3FB0] =	sst s8  }
0x11: {  	[smem:$0x3FB1] =	sst s9;
	s0 =	simm.s32 @!p0 $0x0  }
0x12: {  	s1 =	sld [smem:$0x3F97];
	s0 =	simm.s32 @p0 $0x1  }
0x13: {  	[smem:$0x3FB2] =	sst s0;
	s0 =	simm.s32 @!p1 $0x0  }
0x14: {  	s2 =	sld [smem:$0x3F96];
	s0 =	simm.s32 @p1 $0x1  }
0x15: {  	[smem:$0x3FB3] =	sst s0;
	s0 =	simm.s32 @!p2 $0x0  }
0x16: {  	s3 =	sld [smem:$0x3FDB];
	s0 =	simm.s32 @p2 $0x1  }
0x17: {  	s4 =	simm.s32 $0x1BF5;
	[smem:$0x3FB5] =	sst s0  }
0x18: {  	s0 =	sld [smem:$0x3F98];
	_ =	swait.ge [sflag:s4], $0x0  }
0x19: {  	s7 =	sld [smem:$0x3F99]  }
0x1a: {  	s8 =	sadd.s32 $0xFFFFE003, lr  }
0x1b: {  	s9 =	sadd.s32 $0xFFFFFEF7, lr;
	s5 =	simm.s32 $0xFFFFFFFF;
	p2 =	slt.u32 s8, $0xFFFFF086  }
0x1c: {  	p1 =	slt.u32 s9, $0xF7A;
	s5 =	simm.s32 @!p2 $0x0  }
0x1d: {  	s5 =	simm.s32 @p1 $0x1;
	p0 =	seq.s32 s7, s2  }
0x1e: {  	s7 =	smul.u32 @!p0 $0xF7A, s2;
	p2 =	seq.s32 @!p0 s5, $0x0  }
0x1f: {  	s9 =	smul.u32 $0xF7A, s1;
	s8 =	simm.s32 @!p0 $0x1BF5;
	p2 =	por !p2, p0  }
0x20: {  	[sflag:s8] =	ssyncset.s32 @!p0 $0xFFFFF086;
	s6 =	sadd.s32 @!p0 s3, s7;
	s7 =	simm.s32 @!p0 $0x108  }
0x21: {  	s3 =	sadd.s32 s3, s9;
	s6 =	sadd.s32 @!p0 $0x88, s6;
	s7 =	simm.s32 @p2 $0x1082  }
0x22: {  	[simem:s7], [sflag:s8] =	dma.local @!p0 [hbm:s6], $0xF7A  }
0x23: {  	s9 =	sor.u32 $0xD0000000, s2;
	s6 =	simm.s32 $0x108;
	_ =	swait.ge @!p0 [sflag:s8], $0x0  }
0x24: {  	s3 =	sadd.s32 $0x88, s3;
	s6 =	simm.s32 @!p1 $0x1082;
	[sflag:s4] =	ssyncset.s32 $0xFFFFF086  }
0x25: {  	[simem:s6], [sflag:s4] =	dma.local [hbm:s3], $0xF7A  }
0x26: {  	[smem:$0x3F99] =	sst s1;
	(tag) =	ssettag s2;
	_ =	strace s9  }
0x27: {  	s1 =	sld [smem:$0x3FA9]  }
0x28: {  	s2 =	sld [smem:$0x3FAA]  }
0x29: {  	s4 =	sld [smem:$0x3FAC]  }
0x2a: {  	p0 =	seq.s32 s5, $0x0;
	s5 =	sld [smem:$0x3FAD]  }
0x2b: {  	s6 =	sld [smem:$0x3FAE]  }
0x2c: {  	s7 =	sld [smem:$0x3FAF]  }
0x2d: {  	s3 =	simm.s32 $0x108;
	s8 =	sld [smem:$0x3FB0]  }
0x2e: {  	s3 =	simm.s32 @!p0 $0x1082;
	s9 =	sld [smem:$0x3FB1]  }
0x2f: {  	lr =	sadd.s32 s0, s3;
	s0 =	sld [smem:$0x3FA8]  }
0x30: {  	s3 =	sld [smem:$0x3FAB]  }
0x31: {  	[smem:$0x3FB4] =	sst s10  }
0x32: {  	s10 =	sld [smem:$0x3FB2];
	_ =	sdelay $0x3  }
0x33: {  	p0 =	seq.s32 s10, $0x1;
	s10 =	sld [smem:$0x3FB4];
	_ =	sdelay $0x3  }
0x34: {  	[smem:$0x3FB4] =	sst s10  }
0x35: {  	s10 =	sld [smem:$0x3FB3];
	_ =	sdelay $0x3  }
0x36: {  	p1 =	seq.s32 s10, $0x1;
	s10 =	sld [smem:$0x3FB4];
	_ =	sdelay $0x3  }
0x37: {  	[smem:$0x3FB4] =	sst s10  }
0x38: {  	s10 =	sld [smem:$0x3FB5]  }
0x39: {  	_ = 	snop;
	(pc) =	sbr.ind lr, $3  }
0x3a: {  	_ = 	snop  }
0x3b: {  	_ = 	snop  }
0x3c: {  	p2 =	seq.s32 s10, $0x1;
	s10 =	sld [smem:$0x3FB4]  }
0x3d: {  	_ =	shalt  }
0x3e: {  	_ =	shalt  }
0x3f: {  	_ =	shalt  }
0x40: {  	_ =	shalt  }
0x41: {  	_ =	shalt  }
0x42: {  	_ =	shalt  }
0x43: {  	_ =	shalt  }
0x44: {  	_ =	shalt  }
0x45: {  	_ =	shalt  }
0x46: {  	_ =	shalt  }
0x47: {  	_ =	shalt  }
0x48: {  	_ =	shalt  }
0x49: {  	_ =	shalt  }
0x4a: {  	_ =	shalt  }
0x4b: {  	_ =	shalt  }
0x4c: {  	_ =	shalt  }
0x4d: {  	_ =	shalt  }
0x4e: {  	_ =	shalt  }
0x4f: {  	_ =	shalt  }
0x50: {  	_ =	shalt  }
0x51: {  	_ =	shalt  }
0x52: {  	_ =	shalt  }
0x53: {  	_ =	shalt  }
0x54: {  	_ =	shalt  }
0x55: {  	_ =	shalt  }
0x56: {  	_ =	shalt  }
0x57: {  	_ =	shalt  }
0x58: {  	_ =	shalt  }
0x59: {  	_ =	shalt  }
0x5a: {  	_ =	shalt  }
0x5b: {  	_ =	shalt  }
0x5c: {  	_ =	shalt  }
0x5d: {  	_ =	shalt  }
0x5e: {  	_ =	shalt  }
0x5f: {  	_ =	shalt  }
0x60: {  	_ =	shalt  }
0x61: {  	_ =	shalt  }
0x62: {  	_ =	shalt  }
0x63: {  	_ =	shalt  }
0x64: {  	_ =	shalt  }
0x65: {  	_ =	shalt  }
0x66: {  	_ =	shalt  }
0x67: {  	_ =	shalt  }
0x68: {  	_ =	shalt  }
0x69: {  	_ =	shalt  }
0x6a: {  	_ =	shalt  }
0x6b: {  	_ =	shalt  }
0x6c: {  	_ =	shalt  }
0x6d: {  	_ =	shalt  }
0x6e: {  	_ =	shalt  }
0x6f: {  	_ =	shalt  }
0x70: {  	_ =	shalt  }
0x71: {  	_ =	shalt  }
0x72: {  	_ =	shalt  }
0x73: {  	_ =	shalt  }
0x74: {  	_ =	shalt  }
0x75: {  	_ =	shalt  }
0x76: {  	_ =	shalt  }
0x77: {  	_ =	shalt  }
0x78: {  	_ =	shalt  }
0x79: {  	_ =	shalt  }
0x7a: {  	_ =	shalt  }
0x7b: {  	_ =	shalt  }
0x7c: {  	_ =	shalt  }
0x7d: {  	_ =	shalt  }
0x7e: {  	_ =	shalt  }
0x7f: {  	_ =	shalt  }
0x80: {  	_ =	shalt  }
0x81: {  	_ =	shalt  }
0x82: {  	_ =	shalt  }
0x83: {  	_ =	shalt  }
0x84: {  	_ =	shalt  }
0x85: {  	_ =	shalt  }
0x86: {  	_ =	shalt  }
0x87: {  	_ =	shalt  }
.Lfunc_end0:
.L_simem_size_0:
called_computation.2_lowered:
.L_overlay_start_0:
0x88: {  	s2 =	sld [smem:$0x3FD9]  }
0x89: {  	s3 =	sld [smem:$0x3FFE];
	_ =	sdelay $0x1  }
0x8a: {  	s1 =	srdreg.scid  }
0x8b: {  	s0 =	sand.u32 $0x1, s1  }
0x8c: {  	s17 =	sshll.u32 s0, $0xA;
	s2 =	sadd.s32 s3, s2  }
0x8d: {  	s2 =	sadd.s32 s2, s17  }
0x8e: {  	[smem:$0x3FC0] =	sst s2  }
0x8f: {  	_ = 	snop  }
0x90: {  	s2 =	sld [smem:$0x3FD0];
	(tm) =	ssettm $0x1  }
0x91: {  	s18 =	sld [smem:$0x3FFB];
	_ =	sdelay $0x3  }
0x92: {  	_ =	strace s18  }
0x93: {  	s3 =	sld [smem:$0x3FFC];
	_ =	sdelay $0x3  }
0x94: {  	_ =	strace s3  }
0x95: {  	s3 =	sld [smem:$0x3FFD];
	_ =	sdelay $0x3  }
0x96: {  	_ =	strace s3  }
0x97: {  	_ =	strace $0x8FFFFFFF  }
0x98: {  	s19 =	sld [smem:$0x3FDB];
	_ =	sdelay $0x1  }
0x99: {  	s4 =	simm.s32 $_scs_section_size  }
0x9a: {  	s5 =	simm.s32 $_size__tile_overlayer_lowered;
	s6 =	simm.s32 $_tile_overlayer_lowered  }
0x9b: {  	s22 =	simm.s32 $0x1BFF;
	s21 =	sshll.u32 s6, $0x1;
	s3 =	sadd.s32 s4, s19  }
0x9c: {  	s7 =	simm.s32 $0x0;
	s20 =	sshll.u32 s5, $0x1;
	s5 =	sadd.s32 s21, s3  }
0x9d: {  	[timem:s7], [sflag:s22] =	dma.local [hbm:s5], s20  }
0x9e: {  	_ =	swait.ge [sflag:s22], s20  }
0x9f: {  	s4 =	ssub.s32 $0x0, s20;
	[sflag:s22] =	ssyncset.done $0x0  }
0xa0: {  	[sflag:s22] =	ssyncadd.s32 s4;
	_ =	sdelay $0x1  }
0xa1: {  	s23 =	simm.s32 $0x1B8B  }
0xa2: {  	_ =	swait.ge [sflag:s23], $0x1  }
0xa3: {  	[sflag:s23] =	ssyncset.done $0x0  }
0xa4: {  	s25 =	simm.s32 $0x1B8E;
	s24 =	sld [smem:$0x3FFE];
	[sflag:s23] =	ssyncadd.s32 $0xFFFFFFFF  }
0xa5: {  	s26 =	simm.s32 $execute0_lowered;
	[smem:$0x3FD2] =	sst s25  }
0xa6: {  	s5 =	sshll.u32 s26, $0x1;
	_ =	strace $0x8000004C;
	[dreg:$0x1] =	wrdreg $0xFFFFFFFF  }
0xa7: {  	s28 =	simm.s32 $_size_execute0_lowered;
	s3 =	sadd.s32 s3, s5;
	[dreg:$0x0] =	wrdreg $0x0  }
0xa8: {  	s5 =	sshll.u32 s28, $0x1;
	[dreg:$0x2] =	wrdreg s3  }
0xa9: {  	[dreg:$0x3] =	wrdreg s5  }
0xaa: {  	[dreg:$0x4] =	wrdreg $0xC0  }
0xab: {  	_ =	task [dreg:s7], $0x5FFFF  }
0xac: {  	[dreg:$0x1] =	wrdreg $0xFFFFFFFF  }
0xad: {  	[dreg:$0x0] =	wrdreg $0x60  }
0xae: {  	[dreg:$0x2] =	wrdreg s24  }
0xaf: {  	[dreg:$0x3] =	wrdreg s2  }
0xb0: {  	[dreg:$0x4] =	wrdreg $0xA8000  }
0xb1: {  	[dreg:$0x5] =	wrdreg $0x9  }
0xb2: {  	_ =	task.clear_ibuf [dreg:s7], $0x6FFFF;
	_ =	strace $0x9000004C  }
0xb3: {  	s29 =	simm.s32 $0x9;
	_ =	strace $0x8000004E  }
0xb4: {  	_ =	swait.ge [sflag:s29], $0x1  }
0xb5: {  	[sflag:s29] =	ssyncadd.s32 $0xFFFFFFFF  }
0xb6: {  	_ =	strace $0x9000004E  }
0xb7: {  	_ =	sfence  }
0xb8: {  	s30 =	sld [smem:$0x0];
	_ =	sdelay $0x2  }
0xb9: {  	s31 =	sshll.u32 s1, $0xD;
	s1 =	sshrl.u32 s1, $0x2  }
0xba: {  	s3 =	sand.u32 $0x4000, s31;
	s1 =	sadd.s32 s1, s30  }
0xbb: {  	s0 =	sor.u32 s3, s0;
	s1 =	sshll.u32 s1, $0x11  }
0xbc: {  	s0 =	sor.u32 s1, s0  }
0xbd: {  	s0 =	sadd.s32 $0x8F2B, s0  }
0xbe: {  	[sflag:s0] =	ssyncadd.remote.s32 $0x1  }
0xbf: {  	_ =	sfence.sel $0xFFFF  }
0xc0: {  	[dreg:$0x0] =	wrdreg $0xFFFFFFFF;
	(pc) =	sbr.abs _section_cstart, $3  }
0xc1: {  	[dreg:$0x1] =	wrdreg $0xFFFFFFFF  }
0xc2: {  	_ =	task.clear_ibuf [dreg:s7], $0x2FFFF;
	_ =	strace $0x9FFFFFFF  }
0xc3: {  	(tm) =	ssettm $0x7FFFFFFF  }
tec
execute0_lowered:
.L_overlay_start_1:
0x0: {  	(tag) =	ssettag $0x1  }
0x1: {  	s5 =	rddreg [dreg:$0x0]  }
0x2: {  	s3 =	srdreg.scid;
	s1 =	stileid.u32  }
0x3: {  	s14 =	rddreg [dreg:$0x1];
	s6 =	sand.u32 $0x1, s3;
	s30 =	smul.u32 $0xA000, s1  }
0x4: {  	s2 =	rddreg [dreg:$0x2];
	s9 =	sor.u32 $0x10, s1;
	s29 =	smul.u32 $0x27100, s6  }
0x5: {  	s3 =	simm.s32 $0x0;
	s10 =	sor.u32 $0x20, s1;
	s31 =	smul.u32 $0xA000, s9  }
0x6: {  	s7 =	sshll.u32 s1, $0xB;
	s12 =	sor.u32 $0x30, s1;
	s11 =	smul.u32 $0xA000, s10  }
0x7: {  	s18 =	sor.u32 $0x40, s1;
	s20 =	sor.u32 $0x50, s1;
	s0 =	smul.u32 $0xA000, s12  }
0x8: {  	s22 =	sor.u32 $0x60, s1;
	s24 =	sor.u32 $0x70, s1;
	s19 =	smul.u32 $0xA000, s18  }
0x9: {  	p0 =	sgt.u32 s1, $0xC;
	s4 =	sshll.u32 s6, $0xF;
	s21 =	smul.u32 $0xA000, s20  }
0xa: {  	[smem:$0x7FF] =	sst s3;
	s6 =	ssub.s32 $0x2, s6;
	s23 =	smul.u32 $0xA000, s22  }
0xb: {  	s28 =	smul.u32 $0x500, s20;
	s15 =	sor.u32 s7, s4;
	_ =	strace $0x8000004D  }
0xc: {  	s4 =	sadd.s32 $0x60800, s5;
	s8 =	sshrl.u32 s6, $0x1;
	s13 =	sadd.s32 s15, s5  }
0xd: {  	s16 =	sadd.s32 s29, s5;
	s17 =	ssub.s32 s6, s8;
	s5 =	sshrl.u32 s30, $0x2  }
0xe: {  	s25 =	sshrl.u32 s31, $0x2;
	s29 =	sshrl.u32 s19, $0x2;
	s19 =	smul.u32 $0x500, s9  }
0xf: {  	s26 =	sshrl.u32 s11, $0x2;
	s30 =	sshrl.u32 s21, $0x2;
	s21 =	smul.u32 $0x500, s10  }
0x10: {  	s8 =	sshrl.u32 s0, $0x2;
	s31 =	sshrl.u32 s23, $0x2;
	s0 =	smul.u32 $0x500, s12  }
0x11: {  	s14 =	sadd.s32 s14, s15;
	s6 =	sadd.s32 s25, s2;
	s25 =	smul.u32 $0xA000, s24  }
0x12: {  	s5 =	sadd.s32 s5, s2;
	s7 =	sadd.s32 s26, s2;
	s26 =	smul.u32 $0x500, s1  }
0x13: {  	s8 =	sadd.s32 s8, s2;
	s9 =	sadd.s32 s29, s2;
	s10 =	sadd.s32 s30, s2  }
0x14: {  	s11 =	sadd.s32 s31, s2;
	s31 =	smul.u32 $0x500, s18;
	s13 =	sadd.s32 $0x50800, s13  }
0x15: {  	s29 =	sadd.s32 $0x87A00, s16;
	s24 =	smul.u32 $0x500, s24;
	s15 =	smax.u32 s17, $0x1  }
0x16: {  	s16 =	simm.s32 $0x8000;
	s18 =	sadd.s32 s19, s29;
	s19 =	sadd.s32 s21, s29  }
0x17: {  	s20 =	sadd.s32 s0, s29;
	s30 =	sshrl.u32 s25, $0x2;
	s17 =	sadd.s32 s26, s29  }
0x18: {  	s21 =	sadd.s32 s31, s29;
	s12 =	sadd.s32 s30, s2;
	s30 =	smul.u32 $0x500, s22  }
0x19: {  	s24 =	sadd.s32 @!p0 s24, s29;
	s25 =	simm.s32 $0x1;
	s26 =	simm.s32 $0x4000  }
0x1a: {  	v0 =	vimm.f32 $0.0e+00;
	s22 =	sadd.s32 s28, s29;
	s28 =	simm.s32 $0x50;
	s23 =	sadd.s32 s30, s29  }
.LBB2_1:
0x1b: {  	s29 =	simm.s32 $0x0;
	s30 =	simm.s32 $0x200  }
.LBB2_2:
0x1c: {  	p1 =	sne.s32 s30, $0x9E00;
	[tilespmem:s29+$0x8070] =	vst v0  }
0x1d: {  	[tilespmem:s29+$0x8000] =	vst v0  }
0x1e: {  	[tilespmem:s29+$0x8010] =	vst v0  }
.Ltmp0:
0x1f: {  	[tilespmem:s29+$0x8020] =	vst v0;
	(pc) =	sbr.rel @p1 .LBB2_2-.Ltmp0, $4  }
0x20: {  	[tilespmem:s29+$0x8030] =	vst v0  }
0x21: {  	[tilespmem:s29+$0x8040] =	vst v0  }
0x22: {  	[tilespmem:s29+$0x8050] =	vst v0  }
0x23: {  	[tilespmem:s29+$0x8060] =	vst v0;
	s29 =	sshra.s32 s30, $0x2;
	s30 =	sadd.s32 $0x200, s30  }
0x24: {  	[tilespmem:s29+$0x8070] =	vst v0  }
0x25: {  	[tilespmem:s29+$0x8000] =	vst v0  }
0x26: {  	[tilespmem:s29+$0x8010] =	vst v0  }
0x27: {  	[tilespmem:s29+$0x8020] =	vst v0  }
0x28: {  	[tilespmem:s29+$0x8030] =	vst v0  }
0x29: {  	[tilespmem:s29+$0x8040] =	vst v0  }
0x2a: {  	[tilespmem:s29+$0x8050] =	vst v0  }
0x2b: {  	[tilespmem:s29+$0x8060] =	vst v0  }
0x2c: {  	[spmem:s5] =	stream.linear.scatter [tilespmem:s16], [sflag:$0x1], $0x2800, $0x38;
	[tilespmem:$0x1E080] =	vst v63  }
0x2d: {  	_ =	swait.ge [sflag:s25], $0x2800  }
0x2e: {  	[sflag:s25] =	ssyncset.done $0x0  }
0x2f: {  	[sflag:s25] =	ssyncadd.s32 $0xFFFFD800  }
0x30: {  	[spmem:s6] =	stream.linear.scatter [tilespmem:s16], [sflag:$0x1], $0x2800, $0x38;
	[tilespmem:$0x1E080] =	vst v63  }
0x31: {  	_ =	swait.ge [sflag:s25], $0x2800  }
0x32: {  	[sflag:s25] =	ssyncset.done $0x0  }
0x33: {  	[sflag:s25] =	ssyncadd.s32 $0xFFFFD800  }
0x34: {  	[spmem:s7] =	stream.linear.scatter [tilespmem:s16], [sflag:$0x1], $0x2800, $0x38;
	[tilespmem:$0x1E080] =	vst v63  }
0x35: {  	_ =	swait.ge [sflag:s25], $0x2800  }
0x36: {  	[sflag:s25] =	ssyncset.done $0x0  }
0x37: {  	[sflag:s25] =	ssyncadd.s32 $0xFFFFD800  }
0x38: {  	[spmem:s8] =	stream.linear.scatter [tilespmem:s16], [sflag:$0x1], $0x2800, $0x38;
	[tilespmem:$0x1E080] =	vst v63  }
0x39: {  	_ =	swait.ge [sflag:s25], $0x2800  }
0x3a: {  	[sflag:s25] =	ssyncset.done $0x0  }
0x3b: {  	[sflag:s25] =	ssyncadd.s32 $0xFFFFD800  }
0x3c: {  	[spmem:s9] =	stream.linear.scatter [tilespmem:s16], [sflag:$0x1], $0x2800, $0x38;
	[tilespmem:$0x1E080] =	vst v63  }
0x3d: {  	_ =	swait.ge [sflag:s25], $0x2800  }
0x3e: {  	[sflag:s25] =	ssyncset.done $0x0  }
0x3f: {  	[sflag:s25] =	ssyncadd.s32 $0xFFFFD800  }
0x40: {  	[spmem:s10] =	stream.linear.scatter [tilespmem:s16], [sflag:$0x1], $0x2800, $0x38;
	[tilespmem:$0x1E080] =	vst v63  }
0x41: {  	_ =	swait.ge [sflag:s25], $0x2800  }
0x42: {  	[sflag:s25] =	ssyncset.done $0x0  }
0x43: {  	[sflag:s25] =	ssyncadd.s32 $0xFFFFD800  }
0x44: {  	[spmem:s11] =	stream.linear.scatter [tilespmem:s16], [sflag:$0x1], $0x2800, $0x38;
	[tilespmem:$0x1E080] =	vst v63  }
0x45: {  	_ =	swait.ge [sflag:s25], $0x2800  }
0x46: {  	[sflag:s25] =	ssyncset.done $0x0  }
0x47: {  	s29 =	simm.s32 @!p0 $0x8000;
	[sflag:s25] =	ssyncadd.s32 $0xFFFFD800  }
0x48: {  	[spmem:s12] =	stream.linear.scatter @!p0 [tilespmem:s29], [sflag:$0x1], $0x2800, $0x38;
	[tilespmem:$0x1E080] =	vst v63  }
0x49: {  	s29 =	simm.s32 @!p0 $0x1  }
0x4a: {  	_ =	swait.ge @!p0 [sflag:s29], $0x2800  }
0x4b: {  	[sflag:s29] =	ssyncset.done @!p0 $0x0  }
0x4c: {  	[sflag:s29] =	ssyncadd.s32 @!p0 $0xFFFFD800  }
0x4d: {  	s29 =	simm.s32 $0x0;
	[bflag:$0x0] =	sbarrier.arrive $0xFFFF  }
0x4e: {  	[tilespmem:s29], [sflag:$0x1] =	stream.linear.gather [hbm4b:s13+s29], $0x3E80, $0x38;
	[tilespmem:$0x1E080] =	vst v63  }
0x4f: {  	_ =	swait.ge [sflag:s25], $0x3E80  }
0x50: {  	[sflag:s25] =	ssyncset.done $0x0  }
0x51: {  	[sflag:s25] =	ssyncadd.s32 $0xFFFFC180  }
0x52: {  	[tilespmem:s26], [sflag:$0x1] =	stream.linear.gather [hbm4b:s14+s29], $0x3E80, $0x38;
	[tilespmem:$0x1E080] =	vst v63  }
0x53: {  	_ =	swait.ge [sflag:s25], $0x3E80  }
0x54: {  	[sflag:s25] =	ssyncset.done $0x0  }
0x55: {  	s29 =	simm.s32 $0x0;
	[sflag:s25] =	ssyncadd.s32 $0xFFFFC180  }
0x56: {  	[tilespmem:s16], [sflag:$0x1] =	stream.indirect.gather [hbm4b:s4+s28], $0x80, s29, s28, $0xb8;
	[tilespmem:$0x1E080] =	vst v63  }
0x57: {  	_ =	swait.ge [sflag:s25], $0x2800  }
0x58: {  	[sflag:s25] =	ssyncset.done $0x0  }
0x59: {  	s29 =	simm.s32 $0x4000;
	[sflag:s25] =	ssyncadd.s32 $0xFFFFD800  }
0x5a: {  	[spmem:s2] =	stream.indirect.scatter.add.f32 [tilespmem:s16], [sflag:$0x1], $0x80, s29, s28, $0xb8;
	[tilespmem:$0x1E080] =	vst v63  }
0x5b: {  	_ =	swait.ge [sflag:s25], $0x2800  }
0x5c: {  	s30 =	simm.s32 $0x400;
	s29 =	simm.s32 $0x200;
	[sflag:s25] =	ssyncset.done $0x0  }
.LBB2_4:
0x5d: {  	s31 =	sshra.s32 s29, $0x2  }
0x5e: {  	[sflag:s25] =	ssyncadd.s32 $0xFFFFD800;
	s29 =	smov.u32 s30;
	s0 =	sadd.s32 $0x200, s30  }
0x5f: {  	[tilespmem:s16], [sflag:$0x1] =	stream.indirect.gather [hbm4b:s4+s28], $0x80, s31, s28, $0xb8;
	[tilespmem:$0x1E080] =	vst v63  }
0x60: {  	p1 =	sne.s32 s30, $0xF800;
	_ =	swait.ge [sflag:s25], $0x2800  }
.Ltmp1:
0x61: {  	[sflag:s25] =	ssyncset.done $0x0;
	(pc) =	sbr.rel @p1 .LBB2_4-.Ltmp1, $4  }
0x62: {  	s30 =	sadd.s32 $0x4000, s31;
	[sflag:s25] =	ssyncadd.s32 $0xFFFFD800  }
0x63: {  	[spmem:s2] =	stream.indirect.scatter.add.f32 [tilespmem:s16], [sflag:$0x1], $0x80, s30, s28, $0xb8;
	[tilespmem:$0x1E080] =	vst v63  }
0x64: {  	_ =	swait.ge [sflag:s25], $0x2800  }
0x65: {  	s30 =	smov.u32 s0;
	[sflag:s25] =	ssyncset.done $0x0  }
0x66: {  	s0 =	sshra.s32 s29, $0x2;
	[sflag:s25] =	ssyncadd.s32 $0xFFFFD800  }
0x67: {  	[tilespmem:s16], [sflag:$0x1] =	stream.indirect.gather [hbm4b:s4+s28], $0x80, s0, s28, $0xb8;
	[tilespmem:$0x1E080] =	vst v63  }
0x68: {  	_ =	swait.ge [sflag:s25], $0x2800  }
0x69: {  	[sflag:s25] =	ssyncset.done $0x0  }
0x6a: {  	s0 =	sadd.s32 $0x4000, s0;
	[sflag:s25] =	ssyncadd.s32 $0xFFFFD800  }
0x6b: {  	[spmem:s2] =	stream.indirect.scatter.add.f32 [tilespmem:s16], [sflag:$0x1], $0x80, s0, s28, $0xb8;
	[tilespmem:$0x1E080] =	vst v63  }
0x6c: {  	_ =	swait.ge [sflag:s25], $0x2800  }
0x6d: {  	[sflag:s25] =	ssyncset.done $0x0  }
0x6e: {  	s30 =	sshll.u32 s1, $0x6;
	[sflag:s25] =	ssyncadd.s32 $0xFFFFD800  }
0x6f: {  	s31 =	sshrl.u32 s5, $0x3;
	s0 =	sor.u32 $0x1C01, s30;
	[bflag:$0x0] =	sbarrier.arrive $0xFFFF  }
0x70: {  	[hbm:s17], [sflag:s0] =	dma.local [spmem:s31], $0x500  }
0x71: {  	_ =	swait.ge [sflag:s25], $0x500  }
0x72: {  	[sflag:s25] =	ssyncset.done $0x0  }
0x73: {  	s30 =	sshrl.u32 s6, $0x3;
	[sflag:s25] =	ssyncadd.s32 $0xFFFFFB00  }
0x74: {  	[hbm:s18], [sflag:s0] =	dma.local [spmem:s30], $0x500  }
0x75: {  	_ =	swait.ge [sflag:s25], $0x500  }
0x76: {  	[sflag:s25] =	ssyncset.done $0x0  }
0x77: {  	s31 =	sshrl.u32 s7, $0x3;
	[sflag:s25] =	ssyncadd.s32 $0xFFFFFB00  }
0x78: {  	[hbm:s19], [sflag:s0] =	dma.local [spmem:s31], $0x500  }
0x79: {  	_ =	swait.ge [sflag:s25], $0x500  }
0x7a: {  	[sflag:s25] =	ssyncset.done $0x0  }
0x7b: {  	s30 =	sshrl.u32 s8, $0x3;
	[sflag:s25] =	ssyncadd.s32 $0xFFFFFB00  }
0x7c: {  	[hbm:s20], [sflag:s0] =	dma.local [spmem:s30], $0x500  }
0x7d: {  	_ =	swait.ge [sflag:s25], $0x500  }
0x7e: {  	[sflag:s25] =	ssyncset.done $0x0  }
0x7f: {  	s31 =	sshrl.u32 s9, $0x3;
	[sflag:s25] =	ssyncadd.s32 $0xFFFFFB00  }
0x80: {  	[hbm:s21], [sflag:s0] =	dma.local [spmem:s31], $0x500  }
0x81: {  	_ =	swait.ge [sflag:s25], $0x500  }
0x82: {  	[sflag:s25] =	ssyncset.done $0x0  }
0x83: {  	s30 =	sshrl.u32 s10, $0x3;
	[sflag:s25] =	ssyncadd.s32 $0xFFFFFB00  }
0x84: {  	[hbm:s22], [sflag:s0] =	dma.local [spmem:s30], $0x500  }
0x85: {  	_ =	swait.ge [sflag:s25], $0x500  }
0x86: {  	[sflag:s25] =	ssyncset.done $0x0  }
0x87: {  	s31 =	sshrl.u32 s11, $0x3;
	[sflag:s25] =	ssyncadd.s32 $0xFFFFFB00  }
0x88: {  	[hbm:s23], [sflag:s0] =	dma.local [spmem:s31], $0x500  }
0x89: {  	_ =	swait.ge [sflag:s25], $0x500  }
0x8a: {  	s3 =	sadd.s32 $0x1, s3;
	[sflag:s25] =	ssyncset.done $0x0  }
0x8b: {  	s29 =	sshrl.u32 @!p0 s12, $0x3;
	p1 =	sne.s32 s3, s15;
	[sflag:s25] =	ssyncadd.s32 $0xFFFFFB00  }
0x8c: {  	[hbm:s24], [sflag:s0] =	dma.local @!p0 [spmem:s29], $0x500  }
.Ltmp2:
0x8d: {  	_ = 	snop;
	(pc) =	sbr.rel @p1 .LBB2_1-.Ltmp2, $4  }
0x8e: {  	s0 =	simm.s32 @!p0 $0x1  }
0x8f: {  	_ =	swait.ge @!p0 [sflag:s0], $0x500  }
0x90: {  	[sflag:s0] =	ssyncset.done @!p0 $0x0  }
0x91: {  	[sflag:s0] =	ssyncadd.s32 @!p0 $0xFFFFFB00  }
0x92: {  	_ =	sfence.sel $0x180000  }
0x93: {  	[bflag:$0x0] =	sbarrier.arrive $0xFFFF  }
0x94: {  	_ =	strace $0x9000004D  }
0x95: {  	[bflag:$0x2] =	sbarrier.arrive $0xFFFF  }
0x96: {  	p0 =	sne.s32 s1, $0x0;
	s0 =	rddreg [dreg:$0x3]  }
0x97: {  	s0 =	sadd.s32 @!p0 $0x100000, s0  }
0x98: {  	[sflag:s0] =	ssyncadd.tile.s32 @!p0 $0x1;
	_ =	shalt  }
.Lfunc_end2:
_tile_overlayer_lowered:
.L_overlay_start_2:
0x99: {  	(tag) =	ssettag $0x2  }
0x9a: {  	s0 =	rddreg [dreg:$0x0];
	s2 =	stileid.u32  }
0x9b: {  	s1 =	rddreg [dreg:$0x1];
	p0 =	sne.s32 s2, $0x0  }
0x9c: {  	s3 =	rddreg [dreg:$0x2];
	[bflag:$0x3] =	sbarrier.arrive $0xFFFF;
	s2 =	simm.s32 @!p0 $0x1C01  }
0x9d: {  	[timem:s3], [sflag:s2] =	dma.local @!p0 [hbm:s0], s1  }
0x9e: {  	s0 =	simm.s32 @!p0 $0x1  }
0x9f: {  	_ =	swait.ge @!p0 [sflag:s0], s1  }
0xa0: {  	s1 =	ssub.s32 @!p0 $0x0, s1;
	[sflag:s0] =	ssyncset.done @!p0 $0x0  }
0xa1: {  	[sflag:s0] =	ssyncadd.s32 @!p0 s1  }
0xa2: {  	[bflag:$0x3] =	sbarrier.arrive $0xFFFF  }
0xa3: {  	_ =	shalt  }

// kernel: kernel.8.cloned.1.call-start
scs
__scs_entry_jumppad:
0x0: {  	(pc) =	sbr.rel $0x88, $3  }
0x1: {  	(tag) =	ssettag $0x0;
	lr =	simm.s32 $0x1  }
0x2: {  	[smem:$0x3F99] =	sst lr;
	_ =	strace $0xD0000000  }
0x3: {  	_ = 	snop  }
0x4: {  	_ = 	snop  }
0x5: {  	_ = 	snop  }
0x6: {  	_ = 	snop  }
0x7: {  	_ = 	snop  }
__scs_overlays_trampoline_lowered:
0x8: {  	[smem:$0x3FA8] =	sst s0  }
0x9: {  	[smem:$0x3FA9] =	sst s1  }
0xa: {  	[smem:$0x3FAA] =	sst s2  }
0xb: {  	[smem:$0x3FAB] =	sst s3  }
0xc: {  	[smem:$0x3FAC] =	sst s4  }
0xd: {  	[smem:$0x3FAD] =	sst s5  }
0xe: {  	[smem:$0x3FAE] =	sst s6  }
0xf: {  	[smem:$0x3FAF] =	sst s7  }
0x10: {  	[smem:$0x3FB0] =	sst s8  }
0x11: {  	[smem:$0x3FB1] =	sst s9;
	s0 =	simm.s32 @!p0 $0x0  }
0x12: {  	s1 =	sld [smem:$0x3F97];
	s0 =	simm.s32 @p0 $0x1  }
0x13: {  	[smem:$0x3FB2] =	sst s0;
	s0 =	simm.s32 @!p1 $0x0  }
0x14: {  	s2 =	sld [smem:$0x3F96];
	s0 =	simm.s32 @p1 $0x1  }
0x15: {  	[smem:$0x3FB3] =	sst s0;
	s0 =	simm.s32 @!p2 $0x0  }
0x16: {  	s3 =	sld [smem:$0x3FDB];
	s0 =	simm.s32 @p2 $0x1  }
0x17: {  	s4 =	simm.s32 $0x1BF5;
	[smem:$0x3FB5] =	sst s0  }
0x18: {  	s0 =	sld [smem:$0x3F98];
	_ =	swait.ge [sflag:s4], $0x0  }
0x19: {  	s7 =	sld [smem:$0x3F99]  }
0x1a: {  	s8 =	sadd.s32 $0xFFFFE003, lr  }
0x1b: {  	s9 =	sadd.s32 $0xFFFFFEF7, lr;
	s5 =	simm.s32 $0xFFFFFFFF;
	p2 =	slt.u32 s8, $0xFFFFF086  }
0x1c: {  	p1 =	slt.u32 s9, $0xF7A;
	s5 =	simm.s32 @!p2 $0x0  }
0x1d: {  	s5 =	simm.s32 @p1 $0x1;
	p0 =	seq.s32 s7, s2  }
0x1e: {  	s7 =	smul.u32 @!p0 $0xF7A, s2;
	p2 =	seq.s32 @!p0 s5, $0x0  }
0x1f: {  	s9 =	smul.u32 $0xF7A, s1;
	s8 =	simm.s32 @!p0 $0x1BF5;
	p2 =	por !p2, p0  }
0x20: {  	[sflag:s8] =	ssyncset.s32 @!p0 $0xFFFFF086;
	s6 =	sadd.s32 @!p0 s3, s7;
	s7 =	simm.s32 @!p0 $0x108  }
0x21: {  	s3 =	sadd.s32 s3, s9;
	s6 =	sadd.s32 @!p0 $0x88, s6;
	s7 =	simm.s32 @p2 $0x1082  }
0x22: {  	[simem:s7], [sflag:s8] =	dma.local @!p0 [hbm:s6], $0xF7A  }
0x23: {  	s9 =	sor.u32 $0xD0000000, s2;
	s6 =	simm.s32 $0x108;
	_ =	swait.ge @!p0 [sflag:s8], $0x0  }
0x24: {  	s3 =	sadd.s32 $0x88, s3;
	s6 =	simm.s32 @!p1 $0x1082;
	[sflag:s4] =	ssyncset.s32 $0xFFFFF086  }
0x25: {  	[simem:s6], [sflag:s4] =	dma.local [hbm:s3], $0xF7A  }
0x26: {  	[smem:$0x3F99] =	sst s1;
	(tag) =	ssettag s2;
	_ =	strace s9  }
0x27: {  	s1 =	sld [smem:$0x3FA9]  }
0x28: {  	s2 =	sld [smem:$0x3FAA]  }
0x29: {  	s4 =	sld [smem:$0x3FAC]  }
0x2a: {  	p0 =	seq.s32 s5, $0x0;
	s5 =	sld [smem:$0x3FAD]  }
0x2b: {  	s6 =	sld [smem:$0x3FAE]  }
0x2c: {  	s7 =	sld [smem:$0x3FAF]  }
0x2d: {  	s3 =	simm.s32 $0x108;
	s8 =	sld [smem:$0x3FB0]  }
0x2e: {  	s3 =	simm.s32 @!p0 $0x1082;
	s9 =	sld [smem:$0x3FB1]  }
0x2f: {  	lr =	sadd.s32 s0, s3;
	s0 =	sld [smem:$0x3FA8]  }
0x30: {  	s3 =	sld [smem:$0x3FAB]  }
0x31: {  	[smem:$0x3FB4] =	sst s10  }
0x32: {  	s10 =	sld [smem:$0x3FB2];
	_ =	sdelay $0x3  }
0x33: {  	p0 =	seq.s32 s10, $0x1;
	s10 =	sld [smem:$0x3FB4];
	_ =	sdelay $0x3  }
0x34: {  	[smem:$0x3FB4] =	sst s10  }
0x35: {  	s10 =	sld [smem:$0x3FB3];
	_ =	sdelay $0x3  }
0x36: {  	p1 =	seq.s32 s10, $0x1;
	s10 =	sld [smem:$0x3FB4];
	_ =	sdelay $0x3  }
0x37: {  	[smem:$0x3FB4] =	sst s10  }
0x38: {  	s10 =	sld [smem:$0x3FB5]  }
0x39: {  	_ = 	snop;
	(pc) =	sbr.ind lr, $3  }
0x3a: {  	_ = 	snop  }
0x3b: {  	_ = 	snop  }
0x3c: {  	p2 =	seq.s32 s10, $0x1;
	s10 =	sld [smem:$0x3FB4]  }
0x3d: {  	_ =	shalt  }
0x3e: {  	_ =	shalt  }
0x3f: {  	_ =	shalt  }
0x40: {  	_ =	shalt  }
0x41: {  	_ =	shalt  }
0x42: {  	_ =	shalt  }
0x43: {  	_ =	shalt  }
0x44: {  	_ =	shalt  }
0x45: {  	_ =	shalt  }
0x46: {  	_ =	shalt  }
0x47: {  	_ =	shalt  }
0x48: {  	_ =	shalt  }
0x49: {  	_ =	shalt  }
0x4a: {  	_ =	shalt  }
0x4b: {  	_ =	shalt  }
0x4c: {  	_ =	shalt  }
0x4d: {  	_ =	shalt  }
0x4e: {  	_ =	shalt  }
0x4f: {  	_ =	shalt  }
0x50: {  	_ =	shalt  }
0x51: {  	_ =	shalt  }
0x52: {  	_ =	shalt  }
0x53: {  	_ =	shalt  }
0x54: {  	_ =	shalt  }
0x55: {  	_ =	shalt  }
0x56: {  	_ =	shalt  }
0x57: {  	_ =	shalt  }
0x58: {  	_ =	shalt  }
0x59: {  	_ =	shalt  }
0x5a: {  	_ =	shalt  }
0x5b: {  	_ =	shalt  }
0x5c: {  	_ =	shalt  }
0x5d: {  	_ =	shalt  }
0x5e: {  	_ =	shalt  }
0x5f: {  	_ =	shalt  }
0x60: {  	_ =	shalt  }
0x61: {  	_ =	shalt  }
0x62: {  	_ =	shalt  }
0x63: {  	_ =	shalt  }
0x64: {  	_ =	shalt  }
0x65: {  	_ =	shalt  }
0x66: {  	_ =	shalt  }
0x67: {  	_ =	shalt  }
0x68: {  	_ =	shalt  }
0x69: {  	_ =	shalt  }
0x6a: {  	_ =	shalt  }
0x6b: {  	_ =	shalt  }
0x6c: {  	_ =	shalt  }
0x6d: {  	_ =	shalt  }
0x6e: {  	_ =	shalt  }
0x6f: {  	_ =	shalt  }
0x70: {  	_ =	shalt  }
0x71: {  	_ =	shalt  }
0x72: {  	_ =	shalt  }
0x73: {  	_ =	shalt  }
0x74: {  	_ =	shalt  }
0x75: {  	_ =	shalt  }
0x76: {  	_ =	shalt  }
0x77: {  	_ =	shalt  }
0x78: {  	_ =	shalt  }
0x79: {  	_ =	shalt  }
0x7a: {  	_ =	shalt  }
0x7b: {  	_ =	shalt  }
0x7c: {  	_ =	shalt  }
0x7d: {  	_ =	shalt  }
0x7e: {  	_ =	shalt  }
0x7f: {  	_ =	shalt  }
0x80: {  	_ =	shalt  }
0x81: {  	_ =	shalt  }
0x82: {  	_ =	shalt  }
0x83: {  	_ =	shalt  }
0x84: {  	_ =	shalt  }
0x85: {  	_ =	shalt  }
0x86: {  	_ =	shalt  }
0x87: {  	_ =	shalt  }
.Lfunc_end0:
.L_simem_size_0:
called_computation_lowered:
.L_overlay_start_0:
0x88: {  	s2 =	sld [smem:$0x3FD9]  }
0x89: {  	s3 =	sld [smem:$0x3FFE];
	_ =	sdelay $0x1  }
0x8a: {  	s1 =	srdreg.scid  }
0x8b: {  	s0 =	sand.u32 $0x1, s1  }
0x8c: {  	s17 =	sshll.u32 s0, $0xA;
	s2 =	sadd.s32 s3, s2  }
0x8d: {  	s2 =	sadd.s32 s2, s17  }
0x8e: {  	[smem:$0x3FC0] =	sst s2  }
0x8f: {  	_ = 	snop  }
0x90: {  	s2 =	sld [smem:$0x3FD0];
	(tm) =	ssettm $0x1  }
0x91: {  	s18 =	sld [smem:$0x3FFB];
	_ =	sdelay $0x3  }
0x92: {  	_ =	strace s18  }
0x93: {  	s3 =	sld [smem:$0x3FFC];
	_ =	sdelay $0x3  }
0x94: {  	_ =	strace s3  }
0x95: {  	s3 =	sld [smem:$0x3FFD];
	_ =	sdelay $0x3  }
0x96: {  	_ =	strace s3  }
0x97: {  	_ =	strace $0x8FFFFFFF  }
0x98: {  	s19 =	sld [smem:$0x3FDB];
	_ =	sdelay $0x1  }
0x99: {  	s4 =	simm.s32 $_scs_section_size  }
0x9a: {  	s5 =	simm.s32 $_size__tile_overlayer_lowered;
	s6 =	simm.s32 $_tile_overlayer_lowered  }
0x9b: {  	s22 =	simm.s32 $0x1BFF;
	s21 =	sshll.u32 s6, $0x1;
	s3 =	sadd.s32 s4, s19  }
0x9c: {  	s7 =	simm.s32 $0x0;
	s20 =	sshll.u32 s5, $0x1;
	s5 =	sadd.s32 s21, s3  }
0x9d: {  	[timem:s7], [sflag:s22] =	dma.local [hbm:s5], s20  }
0x9e: {  	_ =	swait.ge [sflag:s22], s20  }
0x9f: {  	s4 =	ssub.s32 $0x0, s20;
	[sflag:s22] =	ssyncset.done $0x0  }
0xa0: {  	[sflag:s22] =	ssyncadd.s32 s4;
	_ =	sdelay $0x1  }
0xa1: {  	s23 =	simm.s32 $0x1B8B  }
0xa2: {  	_ =	swait.ge [sflag:s23], $0x1  }
0xa3: {  	[sflag:s23] =	ssyncset.done $0x0  }
0xa4: {  	s25 =	simm.s32 $0x1B8E;
	s24 =	sld [smem:$0x3FFE];
	[sflag:s23] =	ssyncadd.s32 $0xFFFFFFFF  }
0xa5: {  	s26 =	simm.s32 $execute0_lowered;
	[smem:$0x3FD2] =	sst s25  }
0xa6: {  	s5 =	sshll.u32 s26, $0x1;
	_ =	strace $0x80000046;
	[dreg:$0x1] =	wrdreg $0xFFFFFFFF  }
0xa7: {  	s28 =	simm.s32 $_size_execute0_lowered;
	s3 =	sadd.s32 s3, s5;
	[dreg:$0x0] =	wrdreg $0x0  }
0xa8: {  	s5 =	sshll.u32 s28, $0x1;
	[dreg:$0x2] =	wrdreg s3  }
0xa9: {  	[dreg:$0x3] =	wrdreg s5  }
0xaa: {  	[dreg:$0x4] =	wrdreg $0xC0  }
0xab: {  	_ =	task [dreg:s7], $0x5FFFF  }
0xac: {  	[dreg:$0x1] =	wrdreg $0xFFFFFFFF  }
0xad: {  	[dreg:$0x0] =	wrdreg $0x60  }
0xae: {  	[dreg:$0x2] =	wrdreg s2  }
0xaf: {  	[dreg:$0x3] =	wrdreg s24  }
0xb0: {  	[dreg:$0x4] =	wrdreg $0x90000  }
0xb1: {  	[dreg:$0x5] =	wrdreg $0x9  }
0xb2: {  	_ =	task.clear_ibuf [dreg:s7], $0x6FFFF;
	_ =	strace $0x90000046  }
0xb3: {  	s29 =	simm.s32 $0x9;
	_ =	strace $0x80000048  }
0xb4: {  	_ =	swait.ge [sflag:s29], $0x1  }
0xb5: {  	[sflag:s29] =	ssyncadd.s32 $0xFFFFFFFF  }
0xb6: {  	_ =	strace $0x90000048  }
0xb7: {  	_ =	sfence  }
0xb8: {  	s30 =	sld [smem:$0x0];
	_ =	sdelay $0x2  }
0xb9: {  	s31 =	sshll.u32 s1, $0xD;
	s1 =	sshrl.u32 s1, $0x2  }
0xba: {  	s3 =	sand.u32 $0x4000, s31;
	s1 =	sadd.s32 s1, s30  }
0xbb: {  	s0 =	sor.u32 s3, s0;
	s1 =	sshll.u32 s1, $0x11  }
0xbc: {  	s0 =	sor.u32 s1, s0  }
0xbd: {  	s0 =	sadd.s32 $0x8F2B, s0  }
0xbe: {  	[sflag:s0] =	ssyncadd.remote.s32 $0x1  }
0xbf: {  	_ =	sfence.sel $0xFFFF  }
0xc0: {  	[dreg:$0x0] =	wrdreg $0xFFFFFFFF;
	(pc) =	sbr.abs _section_cstart, $3  }
0xc1: {  	[dreg:$0x1] =	wrdreg $0xFFFFFFFF  }
0xc2: {  	_ =	task.clear_ibuf [dreg:s7], $0x2FFFF;
	_ =	strace $0x9FFFFFFF  }
0xc3: {  	(tm) =	ssettm $0x7FFFFFFF  }
tec
execute0_lowered:
.L_overlay_start_1:
0x0: {  	(tag) =	ssettag $0x1  }
0x1: {  	s4 =	srdreg.scid  }
0x2: {  	s13 =	sand.u32 $0x1, s4  }
0x3: {  	s12 =	rddreg [dreg:$0x0];
	s4 =	smul.u32 $0x27100, s13  }
0x4: {  	s3 =	rddreg [dreg:$0x1]  }
0x5: {  	s1 =	rddreg [dreg:$0x2];
	s14 =	sadd.s32 s4, s3;
	s3 =	stileid.u32  }
0x6: {  	s0 =	rddreg [dreg:$0x3];
	s6 =	smul.u32 $0xA000, s3  }
0x7: {  	s2 =	simm.s32 $0x0;
	s9 =	sor.u32 $0x10, s3;
	s23 =	smul.u32 $0x500, s3  }
0x8: {  	[smem:$0x7FF] =	sst s2;
	s10 =	sor.u32 $0x20, s3;
	s25 =	smul.u32 $0xA000, s9  }
0x9: {  	_ =	strace $0x80000047;
	s11 =	sor.u32 $0x30, s3;
	s28 =	smul.u32 $0xA000, s10  }
0xa: {  	s24 =	ssub.s32 $0x2, s13;
	s16 =	sor.u32 $0x40, s3;
	s7 =	smul.u32 $0xA000, s11  }
0xb: {  	s13 =	sshll.u32 s13, $0xF;
	s17 =	sor.u32 $0x50, s3;
	s8 =	smul.u32 $0xA000, s16  }
0xc: {  	s5 =	sshrl.u32 s24, $0x1;
	s19 =	sor.u32 $0x60, s3;
	s18 =	smul.u32 $0xA000, s17  }
0xd: {  	s15 =	ssub.s32 s24, s5;
	s21 =	sor.u32 $0x70, s3;
	s20 =	smul.u32 $0xA000, s19  }
0xe: {  	s31 =	sshll.u32 s3, $0xB;
	p0 =	sgt.u32 s3, $0xC;
	s22 =	smul.u32 $0xA000, s21  }
0xf: {  	s24 =	smul.u32 $0x500, s9;
	s12 =	sadd.s32 s12, s31;
	s26 =	sshrl.u32 s6, $0x2  }
0x10: {  	s12 =	sadd.s32 s13, s12;
	s13 =	smax.u32 s15, $0x1;
	s15 =	simm.s32 $0x1  }
0x11: {  	s4 =	sadd.s32 s26, s1;
	s29 =	sshrl.u32 s20, $0x2;
	s20 =	smul.u32 $0x500, s10  }
0x12: {  	s5 =	sshrl.u32 s25, $0x2;
	s30 =	sshrl.u32 s22, $0x2;
	s22 =	smul.u32 $0x500, s11  }
0x13: {  	s6 =	sshrl.u32 s28, $0x2;
	s7 =	sshrl.u32 s7, $0x2;
	s25 =	smul.u32 $0x500, s16  }
0x14: {  	s8 =	sshrl.u32 s8, $0x2;
	s18 =	sshrl.u32 s18, $0x2;
	s26 =	smul.u32 $0x500, s17  }
0x15: {  	s28 =	sadd.s32 $0x2600, s14;
	s14 =	simm.s32 $0x6800;
	s16 =	simm.s32 $0x50  }
0x16: {  	s5 =	sadd.s32 s5, s1;
	s6 =	sadd.s32 s6, s1;
	s7 =	sadd.s32 s7, s1  }
0x17: {  	s8 =	sadd.s32 s8, s1;
	s10 =	sadd.s32 s29, s1;
	s29 =	smul.u32 $0x500, s19  }
0x18: {  	s9 =	sadd.s32 s18, s1;
	s11 =	sadd.s32 s30, s1;
	s30 =	smul.u32 $0x500, s21  }
0x19: {  	s17 =	sadd.s32 s23, s28;
	s18 =	sadd.s32 s24, s28;
	s19 =	sadd.s32 s20, s28  }
0x1a: {  	s20 =	sadd.s32 s22, s28;
	s21 =	sadd.s32 s25, s28;
	s22 =	sadd.s32 s26, s28  }
0x1b: {  	v0 =	vimm.f32 $1.000000000e+00;
	v1 =	vimm.f32 $0.0e+00;
	s25 =	simm.s32 $0x4000;
	s23 =	sadd.s32 s29, s28;
	s24 =	sadd.s32 @!p0 s30, s28  }
.LBB2_1:
0x1c: {  	s26 =	simm.s32 $0x200;
	s28 =	simm.s32 $0x0  }
.LBB2_2:
0x1d: {  	p1 =	sne.s32 s26, $0x9E00;
	[tilespmem:s28+$0x4000] =	vst v0;
	s29 =	smov.u32 s26;
	s26 =	sadd.s32 $0x200, s26  }
.Ltmp0:
0x1e: {  	[tilespmem:s28+$0x6800] =	vst v1;
	(pc) =	sbr.rel @p1 .LBB2_2-.Ltmp0, $2  }
0x1f: {  	_ =	sdelay $0x2  }
0x20: {  	s28 =	sshra.s32 s29, $0x2  }
0x21: {  	[tilespmem:s28+$0x4000] =	vst v0  }
0x22: {  	[tilespmem:s28+$0x6800] =	vst v1  }
0x23: {  	[spmem:s4] =	stream.linear.scatter [tilespmem:s14], [sflag:$0x1], $0x2800, $0x38;
	[tilespmem:$0xB710] =	vst v63  }
0x24: {  	_ =	swait.ge [sflag:s15], $0x2800  }
0x25: {  	[sflag:s15] =	ssyncset.done $0x0  }
0x26: {  	[sflag:s15] =	ssyncadd.s32 $0xFFFFD800  }
0x27: {  	[spmem:s5] =	stream.linear.scatter [tilespmem:s14], [sflag:$0x1], $0x2800, $0x38;
	[tilespmem:$0xB710] =	vst v63  }
0x28: {  	_ =	swait.ge [sflag:s15], $0x2800  }
0x29: {  	[sflag:s15] =	ssyncset.done $0x0  }
0x2a: {  	[sflag:s15] =	ssyncadd.s32 $0xFFFFD800  }
0x2b: {  	[spmem:s6] =	stream.linear.scatter [tilespmem:s14], [sflag:$0x1], $0x2800, $0x38;
	[tilespmem:$0xB710] =	vst v63  }
0x2c: {  	_ =	swait.ge [sflag:s15], $0x2800  }
0x2d: {  	[sflag:s15] =	ssyncset.done $0x0  }
0x2e: {  	[sflag:s15] =	ssyncadd.s32 $0xFFFFD800  }
0x2f: {  	[spmem:s7] =	stream.linear.scatter [tilespmem:s14], [sflag:$0x1], $0x2800, $0x38;
	[tilespmem:$0xB710] =	vst v63  }
0x30: {  	_ =	swait.ge [sflag:s15], $0x2800  }
0x31: {  	[sflag:s15] =	ssyncset.done $0x0  }
0x32: {  	[sflag:s15] =	ssyncadd.s32 $0xFFFFD800  }
0x33: {  	[spmem:s8] =	stream.linear.scatter [tilespmem:s14], [sflag:$0x1], $0x2800, $0x38;
	[tilespmem:$0xB710] =	vst v63  }
0x34: {  	_ =	swait.ge [sflag:s15], $0x2800  }
0x35: {  	[sflag:s15] =	ssyncset.done $0x0  }
0x36: {  	[sflag:s15] =	ssyncadd.s32 $0xFFFFD800  }
0x37: {  	[spmem:s9] =	stream.linear.scatter [tilespmem:s14], [sflag:$0x1], $0x2800, $0x38;
	[tilespmem:$0xB710] =	vst v63  }
0x38: {  	_ =	swait.ge [sflag:s15], $0x2800  }
0x39: {  	[sflag:s15] =	ssyncset.done $0x0  }
0x3a: {  	[sflag:s15] =	ssyncadd.s32 $0xFFFFD800  }
0x3b: {  	[spmem:s10] =	stream.linear.scatter [tilespmem:s14], [sflag:$0x1], $0x2800, $0x38;
	[tilespmem:$0xB710] =	vst v63  }
0x3c: {  	_ =	swait.ge [sflag:s15], $0x2800  }
0x3d: {  	[sflag:s15] =	ssyncset.done $0x0  }
0x3e: {  	s26 =	simm.s32 @!p0 $0x6800;
	[sflag:s15] =	ssyncadd.s32 $0xFFFFD800  }
0x3f: {  	[spmem:s11] =	stream.linear.scatter @!p0 [tilespmem:s26], [sflag:$0x1], $0x2800, $0x38;
	[tilespmem:$0xB710] =	vst v63  }
0x40: {  	s26 =	simm.s32 @!p0 $0x1  }
0x41: {  	_ =	swait.ge @!p0 [sflag:s26], $0x2800  }
0x42: {  	[sflag:s26] =	ssyncset.done @!p0 $0x0  }
0x43: {  	[sflag:s26] =	ssyncadd.s32 @!p0 $0xFFFFD800  }
0x44: {  	s30 =	simm.s32 $0x0;
	[bflag:$0x0] =	sbarrier.arrive $0xFFFF  }
0x45: {  	[tilespmem:s30], [sflag:$0x1] =	stream.linear.gather [hbm4b:s12+s30], $0x3E80, $0x38;
	[tilespmem:$0xB710] =	vst v63  }
0x46: {  	_ =	swait.ge [sflag:s15], $0x3E80  }
0x47: {  	[sflag:s15] =	ssyncset.done $0x0  }
0x48: {  	s31 =	simm.s32 $0x0;
	[sflag:s15] =	ssyncadd.s32 $0xFFFFC180  }
0x49: {  	[spmem:s1] =	stream.indirect.scatter.add.f32 [tilespmem:s25], [sflag:$0x1], $0x10, s31, s16, $0xb8;
	[tilespmem:$0xB710] =	vst v63  }
0x4a: {  	_ =	swait.ge [sflag:s15], $0x500  }
0x4b: {  	s26 =	simm.s32 $0x200;
	[sflag:s15] =	ssyncset.done $0x0  }
.LBB2_4:
0x4c: {  	s28 =	sshra.s32 s26, $0x2;
	[sflag:s15] =	ssyncadd.s32 $0xFFFFFB00;
	p1 =	sne.s32 s26, $0xF800  }
0x4d: {  	[spmem:s1] =	stream.indirect.scatter.add.f32 [tilespmem:s25], [sflag:$0x1], $0x10, s28, s16, $0xb8;
	[tilespmem:$0xB710] =	vst v63  }
.Ltmp1:
0x4e: {  	_ = 	snop;
	(pc) =	sbr.rel @p1 .LBB2_4-.Ltmp1, $4  }
0x4f: {  	_ = 	snop  }
0x50: {  	s26 =	sadd.s32 $0x200, s26  }
0x51: {  	_ =	swait.ge [sflag:s15], $0x500  }
0x52: {  	[sflag:s15] =	ssyncset.done $0x0  }
0x53: {  	[sflag:s15] =	ssyncadd.s32 $0xFFFFFB00;
	s26 =	sshll.u32 s3, $0x6  }
0x54: {  	s28 =	sshrl.u32 s4, $0x3;
	[bflag:$0x0] =	sbarrier.arrive $0xFFFF;
	s26 =	sor.u32 $0x1C01, s26  }
0x55: {  	[hbm:s17], [sflag:s26] =	dma.local [spmem:s28], $0x500  }
0x56: {  	_ =	swait.ge [sflag:s15], $0x500  }
0x57: {  	[sflag:s15] =	ssyncset.done $0x0  }
0x58: {  	s29 =	sshrl.u32 s5, $0x3;
	[sflag:s15] =	ssyncadd.s32 $0xFFFFFB00  }
0x59: {  	[hbm:s18], [sflag:s26] =	dma.local [spmem:s29], $0x500  }
0x5a: {  	_ =	swait.ge [sflag:s15], $0x500  }
0x5b: {  	[sflag:s15] =	ssyncset.done $0x0  }
0x5c: {  	s30 =	sshrl.u32 s6, $0x3;
	[sflag:s15] =	ssyncadd.s32 $0xFFFFFB00  }
0x5d: {  	[hbm:s19], [sflag:s26] =	dma.local [spmem:s30], $0x500  }
0x5e: {  	_ =	swait.ge [sflag:s15], $0x500  }
0x5f: {  	[sflag:s15] =	ssyncset.done $0x0  }
0x60: {  	s31 =	sshrl.u32 s7, $0x3;
	[sflag:s15] =	ssyncadd.s32 $0xFFFFFB00  }
0x61: {  	[hbm:s20], [sflag:s26] =	dma.local [spmem:s31], $0x500  }
0x62: {  	_ =	swait.ge [sflag:s15], $0x500  }
0x63: {  	[sflag:s15] =	ssyncset.done $0x0  }
0x64: {  	s29 =	sshrl.u32 s8, $0x3;
	[sflag:s15] =	ssyncadd.s32 $0xFFFFFB00  }
0x65: {  	[hbm:s21], [sflag:s26] =	dma.local [spmem:s29], $0x500  }
0x66: {  	_ =	swait.ge [sflag:s15], $0x500  }
0x67: {  	[sflag:s15] =	ssyncset.done $0x0  }
0x68: {  	s30 =	sshrl.u32 s9, $0x3;
	[sflag:s15] =	ssyncadd.s32 $0xFFFFFB00  }
0x69: {  	[hbm:s22], [sflag:s26] =	dma.local [spmem:s30], $0x500  }
0x6a: {  	_ =	swait.ge [sflag:s15], $0x500  }
0x6b: {  	[sflag:s15] =	ssyncset.done $0x0  }
0x6c: {  	s31 =	sshrl.u32 s10, $0x3;
	[sflag:s15] =	ssyncadd.s32 $0xFFFFFB00  }
0x6d: {  	[hbm:s23], [sflag:s26] =	dma.local [spmem:s31], $0x500  }
0x6e: {  	_ =	swait.ge [sflag:s15], $0x500  }
0x6f: {  	s2 =	sadd.s32 $0x1, s2;
	[sflag:s15] =	ssyncset.done $0x0  }
0x70: {  	p1 =	sne.s32 s2, s13;
	s28 =	sshrl.u32 @!p0 s11, $0x3;
	[sflag:s15] =	ssyncadd.s32 $0xFFFFFB00  }
0x71: {  	[hbm:s24], [sflag:s26] =	dma.local @!p0 [spmem:s28], $0x500  }
.Ltmp2:
0x72: {  	_ = 	snop;
	(pc) =	sbr.rel @p1 .LBB2_1-.Ltmp2, $4  }
0x73: {  	s26 =	simm.s32 @!p0 $0x1  }
0x74: {  	_ =	swait.ge @!p0 [sflag:s26], $0x500  }
0x75: {  	[sflag:s26] =	ssyncset.done @!p0 $0x0  }
0x76: {  	[sflag:s26] =	ssyncadd.s32 @!p0 $0xFFFFFB00  }
0x77: {  	_ =	sfence.sel $0x180000  }
0x78: {  	[bflag:$0x0] =	sbarrier.arrive $0xFFFF  }
0x79: {  	p0 =	sne.s32 s3, $0x0;
	_ =	strace $0x90000047  }
0x7a: {  	s0 =	sadd.s32 @!p0 $0x100000, s0;
	[bflag:$0x2] =	sbarrier.arrive $0xFFFF  }
0x7b: {  	[sflag:s0] =	ssyncadd.tile.s32 @!p0 $0x1;
	_ =	shalt  }
.Lfunc_end2:
_tile_overlayer_lowered:
.L_overlay_start_2:
0x7c: {  	(tag) =	ssettag $0x2  }
0x7d: {  	s0 =	rddreg [dreg:$0x0];
	s2 =	stileid.u32  }
0x7e: {  	s1 =	rddreg [dreg:$0x1];
	p0 =	sne.s32 s2, $0x0  }
0x7f: {  	s3 =	rddreg [dreg:$0x2];
	[bflag:$0x3] =	sbarrier.arrive $0xFFFF;
	s2 =	simm.s32 @!p0 $0x1C01  }
0x80: {  	[timem:s3], [sflag:s2] =	dma.local @!p0 [hbm:s0], s1  }
0x81: {  	s0 =	simm.s32 @!p0 $0x1  }
0x82: {  	_ =	swait.ge @!p0 [sflag:s0], s1  }
0x83: {  	s1 =	ssub.s32 @!p0 $0x0, s1;
	[sflag:s0] =	ssyncset.done @!p0 $0x0  }
0x84: {  	[sflag:s0] =	ssyncadd.s32 @!p0 s1  }
0x85: {  	[bflag:$0x3] =	sbarrier.arrive $0xFFFF  }
0x86: {  	_ =	shalt  }

</sc_bundles>
